<compile_context>
chip_gen: v7x
topology: tpu7x:2x2x1
jax: 0.10.2.dev20260603
libtpu: 0.0.44.dev20260713+nightly
codegen_flags: <defaults>
</compile_context>

<pallas_src>
import functools

import jax
import jax.numpy as jnp
from jax import lax
from jax.experimental import pallas as pl
from jax.experimental.pallas import tpu as pltpu
from jax.experimental.pallas import tpu_sc as plsc

N = 10000
D = 128
DH = 64
E = 320000
NP = 10240
NC = 2
NS = 16
K = 128
CH = 160
EP = NS * CH * K
SLAB = NP // NS

_mesh = plsc.VectorSubcoreMesh(core_axis_name="c", subcore_axis_name="s")



@functools.partial(
    pl.kernel, mesh=_mesh,
    compiler_params=pltpu.CompilerParams(use_tc_tiling_on_sc=False),
    out_type=jax.ShapeDtypeStruct((NC, NP, 16), jnp.float32),
    scratch_types=[
        pltpu.VMEM((CH // NC, K), jnp.int32),
        pltpu.VMEM((K, 16), jnp.float32),
        pltpu.VMEM_SHARED((NP, 16), jnp.float32),
    ],
)
def _sc_deg(dst_hbm, ones_hbm, zeros_hbm, out_hbm, dst_v, ones_v, accum):
    cid = lax.axis_index("c")
    sid = lax.axis_index("s")
    chw = CH // NC
    pltpu.sync_copy(dst_hbm.at[sid, pl.ds(cid * chw, chw)], dst_v)
    pltpu.sync_copy(ones_hbm, ones_v)
    pltpu.sync_copy(zeros_hbm.at[pl.ds(sid * SLAB, SLAB)],
                    accum.at[pl.ds(sid * SLAB, SLAB)])
    plsc.subcore_barrier()

    def body(ch, _):
        pltpu.sync_copy(ones_v, accum.at[dst_v.at[ch]], add=True)
        return 0

    lax.fori_loop(0, chw, body, 0)
    plsc.subcore_barrier()
    pltpu.sync_copy(accum.at[pl.ds(sid * SLAB, SLAB)],
                    out_hbm.at[cid, pl.ds(sid * SLAB, SLAB)])


@functools.partial(
    pl.kernel, mesh=_mesh,
    compiler_params=pltpu.CompilerParams(use_tc_tiling_on_sc=False),
    out_type=jax.ShapeDtypeStruct((NP, NC, DH), jnp.float32),
    scratch_types=[
        pltpu.VMEM((CH, K), jnp.int32),
        pltpu.VMEM((CH, K), jnp.int32),
        pltpu.VMEM((5, K, DH), jnp.float32),
        pltpu.VMEM_SHARED((NP, DH), jnp.float32),
        pltpu.SemaphoreType.DMA,
        pltpu.SemaphoreType.DMA,
    ],
)
def _sc_agg(src_hbm, dst_hbm, table_hbm, zeros_hbm, out_hbm,
            src_v, dst_v, rows_v, accum, gsem, ssem):
    cid = lax.axis_index("c")
    sid = lax.axis_index("s")
    tbl = table_hbm.at[cid]
    pltpu.sync_copy(src_hbm.at[sid], src_v)
    pltpu.sync_copy(dst_hbm.at[sid], dst_v)
    pltpu.sync_copy(zeros_hbm.at[pl.ds(sid * SLAB, SLAB)],
                    accum.at[pl.ds(sid * SLAB, SLAB)])
    plsc.subcore_barrier()

    for p in range(3):
        pltpu.async_copy(tbl.at[src_v.at[p]], rows_v.at[p], gsem)

    def body(g, _):
        for b in range(5):
            ch = 5 * g + b
            pltpu.make_async_copy(
                tbl.at[src_v.at[ch]], rows_v.at[b], gsem).wait()
            pltpu.async_copy(rows_v.at[b], accum.at[dst_v.at[ch]], ssem,
                             add=True)
            @pl.when(ch >= 2)
            def _():
                pltpu.make_async_copy(
                    rows_v.at[(b + 3) % 5], accum.at[dst_v.at[0]],
                    ssem).wait()

            @pl.when(ch + 3 < CH)
            def _():
                pltpu.async_copy(
                    tbl.at[src_v.at[ch + 3]], rows_v.at[(b + 3) % 5], gsem)
        return 0

    lax.fori_loop(0, CH // 5, body, 0)
    for p in range(2):
        pltpu.make_async_copy(rows_v.at[(158 + p) % 5], accum.at[dst_v.at[0]],
                              ssem).wait()
    plsc.subcore_barrier()
    pltpu.sync_copy(accum.at[pl.ds(sid * SLAB, SLAB)],
                    out_hbm.at[pl.ds(sid * SLAB, SLAB), cid])



def _r_of(degp_blk):
    deg = jnp.sum(degp_blk, axis=(0, 2)) * (1.0 / 16.0)
    return lax.rsqrt(jnp.maximum(deg, 1.0))


def _tc0_body(degp_ref, x_ref, w_ref, v_ref):
    r = _r_of(degp_ref[...])
    u = jnp.dot(x_ref[...], w_ref[...], preferred_element_type=jnp.float32)
    v = u * r[:, None]
    v_ref[0] = v[:, :DH]
    v_ref[1] = v[:, DH:]


def _tc1_body(degp_ref, t_ref, w_ref, b_ref, v_ref):
    r = _r_of(degp_ref[...])
    t = t_ref[...].reshape(t_ref.shape[0] * 8, D)
    h = jax.nn.relu(t * r[:, None] + b_ref[...])
    u = jnp.dot(h, w_ref[...], preferred_element_type=jnp.float32)
    v = u * r[:, None]
    v_ref[0] = v[:, :DH]
    v_ref[1] = v[:, DH:]


def _tc2_body(degp_ref, t_ref, b_ref, z_ref):
    r = _r_of(degp_ref[...])
    t = t_ref[...].reshape(t_ref.shape[0] * 8, D)
    z_ref[...] = t * r[:, None] + b_ref[...]


def _tc0(degp, x, W0, BL=2000):
    return pl.pallas_call(
        _tc0_body,
        grid=(N // BL,),
        in_specs=[
            pl.BlockSpec((2, BL, 16), lambda i: (0, i, 0)),
            pl.BlockSpec((BL, D), lambda i: (i, 0)),
            pl.BlockSpec((D, D), lambda i: (0, 0)),
        ],
        out_specs=pl.BlockSpec((NC, BL, DH), lambda i: (0, i, 0)),
        out_shape=jax.ShapeDtypeStruct((NC, NP, DH), jnp.float32),
    )(degp, x, W0)


def _tc1(degp, t, W1, b0, BL=1024):
    tq = t.reshape(NP // 8, 8, D)
    return pl.pallas_call(
        _tc1_body,
        grid=(NP // BL,),
        in_specs=[
            pl.BlockSpec((2, BL, 16), lambda i: (0, i, 0)),
            pl.BlockSpec((BL // 8, 8, D), lambda i: (i, 0, 0)),
            pl.BlockSpec((D, D), lambda i: (0, 0)),
            pl.BlockSpec((1, D), lambda i: (0, 0)),
        ],
        out_specs=pl.BlockSpec((NC, BL, DH), lambda i: (0, i, 0)),
        out_shape=jax.ShapeDtypeStruct((NC, NP, DH), jnp.float32),
    )(degp, tq, W1, b0)


def _tc2(degp, t, b1, BL=1000):
    tq = t.reshape(NP // 8, 8, D)
    return pl.pallas_call(
        _tc2_body,
        grid=(N // BL,),
        in_specs=[
            pl.BlockSpec((2, BL, 16), lambda i: (0, i, 0)),
            pl.BlockSpec((BL // 8, 8, D), lambda i: (i, 0, 0)),
            pl.BlockSpec((1, D), lambda i: (0, 0)),
        ],
        out_specs=pl.BlockSpec((BL, D), lambda i: (i, 0)),
        out_shape=jax.ShapeDtypeStruct((N, D), jnp.float32),
    )(degp, tq, b1)



def kernel(x, ei, W0, b0, W1, b1):
    pad = jnp.full((EP - E,), N, dtype=jnp.int32)
    srcp = jnp.concatenate([ei[0], pad]).reshape(NS, CH, K)
    dstp = jnp.concatenate([ei[1], pad]).reshape(NS, CH, K)
    zeros64 = jnp.zeros((NP, DH), jnp.float32)
    zeros16 = jnp.zeros((NP, 16), jnp.float32)
    ones16 = jnp.ones((K, 16), jnp.float32)

    degp = _sc_deg(dstp, ones16, zeros16)
    v0 = _tc0(degp, x, W0)
    t0 = _sc_agg(srcp, dstp, v0, zeros64)
    v1 = _tc1(degp, t0, W1, b0.reshape(1, D))
    t1 = _sc_agg(srcp, dstp, v1, zeros64)
    return _tc2(degp, t1, b1.reshape(1, D))

# --- scband reference (transcript-rebuilt; emitter-appended) ---
"""Pipeline reference for scband-agg-gae-11484742550077 (READ-ONLY COPY).

The authoritative reference and input builder live on the scoring server;
editing this copy changes nothing except your own understanding.
"""

import jax, jax.numpy as jnp
import numpy as np

N = 10000
E = 320000
D_IN = 128
D_HID = 128
D_OUT = 128


def setup_inputs(seed: int = 0) -> dict:
    key = jax.random.key(seed)
    k1, k2, k3, k4, k5, k6 = jax.random.split(key, 6)
    x = jax.random.normal(k1, (N, D_IN), dtype=jnp.float32)
    ei = jax.random.randint(k2, (2, E), 0, N, dtype=jnp.int32)
    W0 = jax.random.normal(k3, (D_IN, D_HID), dtype=jnp.float32) * (1.0 / np.sqrt(D_IN))
    b0 = jnp.zeros((D_HID,), dtype=jnp.float32)
    W1 = jax.random.normal(k4, (D_HID, D_OUT), dtype=jnp.float32) * (1.0 / np.sqrt(D_HID))
    b1 = jnp.zeros((D_OUT,), dtype=jnp.float32)
    return {"x": x, "ei": ei, "W0": W0, "b0": b0, "W1": W1, "b1": b1}


def reference(x, ei, W0, b0, W1, b1):
    # GCN with symmetric degree normalization (standard Kipf-Welling GCN),
    # two message-passing layers as specified by layers=2.
    src = ei[0]
    dst = ei[1]
    deg = jax.ops.segment_sum(jnp.ones((E,), dtype=jnp.float32), dst, num_segments=N)
    deg = jnp.maximum(deg, 1.0)
    norm = jax.lax.rsqrt(deg[src] * deg[dst])

    # layer 0: in_dim -> hidden, relu
    msg = x[src] * norm[:, None]
    agg = jax.ops.segment_sum(msg, dst, num_segments=N)
    h = jax.nn.relu(agg @ W0 + b0)

    # layer 1: hidden -> out_dim (no activation on output embedding)
    msg = h[src] * norm[:, None]
    agg = jax.ops.segment_sum(msg, dst, num_segments=N)
    z = agg @ W1 + b1
    return z

if __name__ == "__main__":
    import jax
    _d = setup_inputs()
    print(jax.jit(kernel)(*tuple(_d.values())))

</pallas_src>

<mosaic_0001>
#map = affine_map<(d0, d1) -> (0, 0, 0)>
#map1 = affine_map<(d0, d1) -> (0, 0)>
module attributes {stable_mosaic.version = 14 : i64} {
  func.func @_sc_deg(%arg0: i32, %arg1: i32, %arg2: memref<16x160x128xi32, #tpu.memory_space<hbm>>, %arg3: memref<128x16xf32, #tpu.memory_space<hbm>>, %arg4: memref<10240x16xf32, #tpu.memory_space<hbm>>, %arg5: memref<2x10240x16xf32, #tpu.memory_space<hbm>>, %arg6: memref<80x128xi32, #tpu.memory_space<vmem>>, %arg7: memref<128x16xf32, #tpu.memory_space<vmem>>, %arg8: memref<10240x16xf32, #tpu.memory_space<vmem_shared>>) attributes {dimension_semantics = [#tpu.dimension_semantics<core_parallel>, #tpu.dimension_semantics<subcore_parallel>], iteration_bounds = array<i64: 2, 16>, scalar_prefetch = 0 : i64, scratch_operands = 3 : i64, tpu.core_type = #tpu.core_type<sc_vector_subcore>, window_params = [{transform_indices = #map}, {transform_indices = #map1}, {transform_indices = #map1}, {transform_indices = #map}]} {
    %mul3A = arith.constant 80 : i32
    %mul3A_0 = arith.muli %arg0, %mul3A : i32
    "tpu.region"() ({
      %run_scoped3A = tpu.sem_alloc : memref<!tpu.dma_semaphore, #tpu.memory_space<semaphore_mem>>
      %dma_start3A = arith.constant 0 : i32
      %dma_start3A_16 = tpu.memref_slice %arg2[%arg1, %mul3A_0, %dma_start3A] : memref<16x160x128xi32, #tpu.memory_space<hbm>> -> memref<1x80x128xi32, #tpu.memory_space<hbm>>
      %dma_start3A_17 = tpu.memref_squeeze %dma_start3A_16 : memref<1x80x128xi32, #tpu.memory_space<hbm>> -> memref<80x128xi32, #tpu.memory_space<hbm>>
      %dma_start3A_18 = arith.constant 0 : i32
      %dma_start3A_19 = tpu.memref_slice %arg2[%arg1, %mul3A_0, %dma_start3A_18] : memref<16x160x128xi32, #tpu.memory_space<hbm>> -> memref<1x80x128xi32, #tpu.memory_space<hbm>>
      %dma_start3A_20 = tpu.memref_squeeze %dma_start3A_19 : memref<1x80x128xi32, #tpu.memory_space<hbm>> -> memref<80x128xi32, #tpu.memory_space<hbm>>
      tpu.enqueue_dma source(%dma_start3A_20 : memref<80x128xi32, #tpu.memory_space<hbm>>) target(%arg6 : memref<80x128xi32, #tpu.memory_space<vmem>>) target_semaphore(%run_scoped3A : memref<!tpu.dma_semaphore, #tpu.memory_space<semaphore_mem>>)
      %dma_wait3A = arith.constant 0 : i32
      %dma_wait3A_21 = tpu.memref_slice %arg2[%arg1, %mul3A_0, %dma_wait3A] : memref<16x160x128xi32, #tpu.memory_space<hbm>> -> memref<1x80x128xi32, #tpu.memory_space<hbm>>
      %dma_wait3A_22 = tpu.memref_squeeze %dma_wait3A_21 : memref<1x80x128xi32, #tpu.memory_space<hbm>> -> memref<80x128xi32, #tpu.memory_space<hbm>>
      %dma_wait3A_23 = arith.constant 0 : i32
      %dma_wait3A_24 = tpu.memref_slice %arg2[%arg1, %mul3A_0, %dma_wait3A_23] : memref<16x160x128xi32, #tpu.memory_space<hbm>> -> memref<1x80x128xi32, #tpu.memory_space<hbm>>
      %dma_wait3A_25 = tpu.memref_squeeze %dma_wait3A_24 : memref<1x80x128xi32, #tpu.memory_space<hbm>> -> memref<80x128xi32, #tpu.memory_space<hbm>>
      tpu.wait_dma2 semaphore(%run_scoped3A : memref<!tpu.dma_semaphore, #tpu.memory_space<semaphore_mem>>) src(%dma_wait3A_25 : memref<80x128xi32, #tpu.memory_space<hbm>>) dst(%arg6 : memref<80x128xi32, #tpu.memory_space<vmem>>)
      tpu.yield
    }) : () -> ()
    "tpu.region"() ({
      %run_scoped3A = tpu.sem_alloc : memref<!tpu.dma_semaphore, #tpu.memory_space<semaphore_mem>>
      tpu.enqueue_dma source(%arg3 : memref<128x16xf32, #tpu.memory_space<hbm>>) target(%arg7 : memref<128x16xf32, #tpu.memory_space<vmem>>) target_semaphore(%run_scoped3A : memref<!tpu.dma_semaphore, #tpu.memory_space<semaphore_mem>>)
      tpu.wait_dma2 semaphore(%run_scoped3A : memref<!tpu.dma_semaphore, #tpu.memory_space<semaphore_mem>>) src(%arg3 : memref<128x16xf32, #tpu.memory_space<hbm>>) dst(%arg7 : memref<128x16xf32, #tpu.memory_space<vmem>>)
      tpu.yield
    }) : () -> ()
    %mul3A_1 = arith.constant 640 : i32
    %mul3A_2 = arith.muli %arg1, %mul3A_1 : i32
    %mul3A_3 = arith.constant 640 : i32
    %mul3A_4 = arith.muli %arg1, %mul3A_3 : i32
    "tpu.region"() ({
      %run_scoped3A = tpu.sem_alloc : memref<!tpu.dma_semaphore, #tpu.memory_space<semaphore_mem>>
      %dma_start3A = arith.constant 0 : i32
      %dma_start3A_16 = tpu.memref_slice %arg8[%mul3A_4, %dma_start3A] : memref<10240x16xf32, #tpu.memory_space<vmem_shared>> -> memref<640x16xf32, #tpu.memory_space<vmem_shared>>
      %dma_start3A_17 = arith.constant 0 : i32
      %dma_start3A_18 = tpu.memref_slice %arg4[%mul3A_2, %dma_start3A_17] : memref<10240x16xf32, #tpu.memory_space<hbm>> -> memref<640x16xf32, #tpu.memory_space<hbm>>
      tpu.enqueue_dma source(%dma_start3A_18 : memref<640x16xf32, #tpu.memory_space<hbm>>) target(%dma_start3A_16 : memref<640x16xf32, #tpu.memory_space<vmem_shared>>) target_semaphore(%run_scoped3A : memref<!tpu.dma_semaphore, #tpu.memory_space<semaphore_mem>>)
      %dma_wait3A = arith.constant 0 : i32
      %dma_wait3A_19 = tpu.memref_slice %arg8[%mul3A_4, %dma_wait3A] : memref<10240x16xf32, #tpu.memory_space<vmem_shared>> -> memref<640x16xf32, #tpu.memory_space<vmem_shared>>
      %dma_wait3A_20 = arith.constant 0 : i32
      %dma_wait3A_21 = tpu.memref_slice %arg4[%mul3A_2, %dma_wait3A_20] : memref<10240x16xf32, #tpu.memory_space<hbm>> -> memref<640x16xf32, #tpu.memory_space<hbm>>
      tpu.wait_dma2 semaphore(%run_scoped3A : memref<!tpu.dma_semaphore, #tpu.memory_space<semaphore_mem>>) src(%dma_wait3A_21 : memref<640x16xf32, #tpu.memory_space<hbm>>) dst(%dma_wait3A_19 : memref<640x16xf32, #tpu.memory_space<vmem_shared>>)
      tpu.yield
    }) : () -> ()
    %barrier3A = arith.constant 0 : index
    tpu.barrier barrier_id(%barrier3A)
    %scan3A = arith.constant 0 : i32
    %scan3A_5 = arith.constant 0 : i32
    %scan3A_6 = arith.constant 80 : i32
    %scan3A_7 = arith.addi %scan3A_5, %scan3A_6 : i32
    %scan3A_8 = arith.constant 1 : i32
    %scan3A_9 = scf.for %scan3A_16 = %scan3A_5 to %scan3A_7 step %scan3A_8 iter_args(%scan3A_17 = %scan3A) -> (i32)  : i32 {
      "tpu.region"() ({
        %run_scoped3A = tpu.sem_alloc : memref<!tpu.dma_semaphore, #tpu.memory_space<semaphore_mem>>
        %dma_start3A = arith.constant 0 : i32
        %dma_start3A_19 = tpu.memref_slice %arg6[%scan3A_16, %dma_start3A] : memref<80x128xi32, #tpu.memory_space<vmem>> -> memref<1x128xi32, #tpu.memory_space<vmem>>
        %dma_start3A_20 = tpu.memref_squeeze %dma_start3A_19 : memref<1x128xi32, #tpu.memory_space<vmem>> -> memref<128xi32, #tpu.memory_space<vmem>>
        %dma_start3A_21 = arith.constant 0 : i32
        %dma_start3A_22 = arith.constant 0 : i32
        %dma_start3A_23 = tpu.memref_slice %arg8[%dma_start3A_21, %dma_start3A_22] : memref<10240x16xf32, #tpu.memory_space<vmem_shared>> -> memref<10240x16xf32, #tpu.memory_space<vmem_shared>>
        tpu.enqueue_indirect_dma source(%arg7 : memref<128x16xf32, #tpu.memory_space<vmem>>) target(%dma_start3A_23 : memref<10240x16xf32, #tpu.memory_space<vmem_shared>>) offsets(%dma_start3A_20 : memref<128xi32, #tpu.memory_space<vmem>>) semaphore(%run_scoped3A : memref<!tpu.dma_semaphore, #tpu.memory_space<semaphore_mem>>) {add = true}
        %dma_wait3A = arith.constant 0 : i32
        %dma_wait3A_24 = tpu.memref_slice %arg6[%scan3A_16, %dma_wait3A] : memref<80x128xi32, #tpu.memory_space<vmem>> -> memref<1x128xi32, #tpu.memory_space<vmem>>
        %dma_wait3A_25 = tpu.memref_squeeze %dma_wait3A_24 : memref<1x128xi32, #tpu.memory_space<vmem>> -> memref<128xi32, #tpu.memory_space<vmem>>
        %dma_wait3A_26 = arith.constant 0 : i32
        %dma_wait3A_27 = arith.constant 0 : i32
        %dma_wait3A_28 = tpu.memref_slice %arg8[%dma_wait3A_26, %dma_wait3A_27] : memref<10240x16xf32, #tpu.memory_space<vmem_shared>> -> memref<10240x16xf32, #tpu.memory_space<vmem_shared>>
        tpu.wait_indirect_dma semaphore(%run_scoped3A : memref<!tpu.dma_semaphore, #tpu.memory_space<semaphore_mem>>) src(%arg7 : memref<128x16xf32, #tpu.memory_space<vmem>>) dst(%dma_wait3A_28 : memref<10240x16xf32, #tpu.memory_space<vmem_shared>>)
        tpu.yield
      }) : () -> ()
      %scan3A_18 = arith.constant 0 : i32
      scf.yield %scan3A_18 : i32
    }
    %scan3A_10 = arith.constant 80 : i32
    %barrier3A_11 = arith.constant 0 : index
    tpu.barrier barrier_id(%barrier3A_11)
    %mul3A_12 = arith.constant 640 : i32
    %mul3A_13 = arith.muli %arg1, %mul3A_12 : i32
    %mul3A_14 = arith.constant 640 : i32
    %mul3A_15 = arith.muli %arg1, %mul3A_14 : i32
    "tpu.region"() ({
      %run_scoped3A = tpu.sem_alloc : memref<!tpu.dma_semaphore, #tpu.memory_space<semaphore_mem>>
      %dma_start3A = arith.constant 0 : i32
      %dma_start3A_16 = tpu.memref_slice %arg5[%arg0, %mul3A_15, %dma_start3A] : memref<2x10240x16xf32, #tpu.memory_space<hbm>> -> memref<1x640x16xf32, #tpu.memory_space<hbm>>
      %dma_start3A_17 = tpu.memref_squeeze %dma_start3A_16 : memref<1x640x16xf32, #tpu.memory_space<hbm>> -> memref<640x16xf32, #tpu.memory_space<hbm>>
      %dma_start3A_18 = arith.constant 0 : i32
      %dma_start3A_19 = tpu.memref_slice %arg8[%mul3A_13, %dma_start3A_18] : memref<10240x16xf32, #tpu.memory_space<vmem_shared>> -> memref<640x16xf32, #tpu.memory_space<vmem_shared>>
      tpu.enqueue_dma source(%dma_start3A_19 : memref<640x16xf32, #tpu.memory_space<vmem_shared>>) target(%dma_start3A_17 : memref<640x16xf32, #tpu.memory_space<hbm>>) target_semaphore(%run_scoped3A : memref<!tpu.dma_semaphore, #tpu.memory_space<semaphore_mem>>)
      %dma_wait3A = arith.constant 0 : i32
      %dma_wait3A_20 = tpu.memref_slice %arg5[%arg0, %mul3A_15, %dma_wait3A] : memref<2x10240x16xf32, #tpu.memory_space<hbm>> -> memref<1x640x16xf32, #tpu.memory_space<hbm>>
      %dma_wait3A_21 = tpu.memref_squeeze %dma_wait3A_20 : memref<1x640x16xf32, #tpu.memory_space<hbm>> -> memref<640x16xf32, #tpu.memory_space<hbm>>
      %dma_wait3A_22 = arith.constant 0 : i32
      %dma_wait3A_23 = tpu.memref_slice %arg8[%mul3A_13, %dma_wait3A_22] : memref<10240x16xf32, #tpu.memory_space<vmem_shared>> -> memref<640x16xf32, #tpu.memory_space<vmem_shared>>
      tpu.wait_dma2 semaphore(%run_scoped3A : memref<!tpu.dma_semaphore, #tpu.memory_space<semaphore_mem>>) src(%dma_wait3A_23 : memref<640x16xf32, #tpu.memory_space<vmem_shared>>) dst(%dma_wait3A_21 : memref<640x16xf32, #tpu.memory_space<hbm>>)
      tpu.yield
    }) : () -> ()
    return
  }
}

#map = affine_map<(d0, d1) -> (0, 0, 0)>
#map1 = affine_map<(d0, d1) -> (0, 0)>
module attributes {stable_mosaic.version = 14 : i64} {
  func.func @_sc_agg(%arg0: i32, %arg1: i32, %arg2: memref<16x160x128xi32, #tpu.memory_space<hbm>>, %arg3: memref<16x160x128xi32, #tpu.memory_space<hbm>>, %arg4: memref<2x10240x64xf32, #tpu.memory_space<hbm>>, %arg5: memref<10240x64xf32, #tpu.memory_space<hbm>>, %arg6: memref<10240x2x64xf32, #tpu.memory_space<hbm>>, %arg7: memref<160x128xi32, #tpu.memory_space<vmem>>, %arg8: memref<160x128xi32, #tpu.memory_space<vmem>>, %arg9: memref<5x128x64xf32, #tpu.memory_space<vmem>>, %arg10: memref<10240x64xf32, #tpu.memory_space<vmem_shared>>, %arg11: memref<!tpu.dma_semaphore, #tpu.memory_space<semaphore_mem>>, %arg12: memref<!tpu.dma_semaphore, #tpu.memory_space<semaphore_mem>>) attributes {dimension_semantics = [#tpu.dimension_semantics<core_parallel>, #tpu.dimension_semantics<subcore_parallel>], iteration_bounds = array<i64: 2, 16>, scalar_prefetch = 0 : i64, scratch_operands = 6 : i64, tpu.core_type = #tpu.core_type<sc_vector_subcore>, window_params = [{transform_indices = #map}, {transform_indices = #map}, {transform_indices = #map}, {transform_indices = #map1}, {transform_indices = #map}]} {
    "tpu.region"() ({
      %run_scoped3A = tpu.sem_alloc : memref<!tpu.dma_semaphore, #tpu.memory_space<semaphore_mem>>
      %dma_start3A_84 = arith.constant 0 : i32
      %dma_start3A_85 = arith.constant 0 : i32
      %dma_start3A_86 = tpu.memref_slice %arg2[%arg1, %dma_start3A_84, %dma_start3A_85] : memref<16x160x128xi32, #tpu.memory_space<hbm>> -> memref<1x160x128xi32, #tpu.memory_space<hbm>>
      %dma_start3A_87 = tpu.memref_squeeze %dma_start3A_86 : memref<1x160x128xi32, #tpu.memory_space<hbm>> -> memref<160x128xi32, #tpu.memory_space<hbm>>
      %dma_start3A_88 = arith.constant 0 : i32
      %dma_start3A_89 = arith.constant 0 : i32
      %dma_start3A_90 = tpu.memref_slice %arg2[%arg1, %dma_start3A_88, %dma_start3A_89] : memref<16x160x128xi32, #tpu.memory_space<hbm>> -> memref<1x160x128xi32, #tpu.memory_space<hbm>>
      %dma_start3A_91 = tpu.memref_squeeze %dma_start3A_90 : memref<1x160x128xi32, #tpu.memory_space<hbm>> -> memref<160x128xi32, #tpu.memory_space<hbm>>
      tpu.enqueue_dma source(%dma_start3A_91 : memref<160x128xi32, #tpu.memory_space<hbm>>) target(%arg7 : memref<160x128xi32, #tpu.memory_space<vmem>>) target_semaphore(%run_scoped3A : memref<!tpu.dma_semaphore, #tpu.memory_space<semaphore_mem>>)
      %dma_wait3A_92 = arith.constant 0 : i32
      %dma_wait3A_93 = arith.constant 0 : i32
      %dma_wait3A_94 = tpu.memref_slice %arg2[%arg1, %dma_wait3A_92, %dma_wait3A_93] : memref<16x160x128xi32, #tpu.memory_space<hbm>> -> memref<1x160x128xi32, #tpu.memory_space<hbm>>
      %dma_wait3A_95 = tpu.memref_squeeze %dma_wait3A_94 : memref<1x160x128xi32, #tpu.memory_space<hbm>> -> memref<160x128xi32, #tpu.memory_space<hbm>>
      %dma_wait3A_96 = arith.constant 0 : i32
      %dma_wait3A_97 = arith.constant 0 : i32
      %dma_wait3A_98 = tpu.memref_slice %arg2[%arg1, %dma_wait3A_96, %dma_wait3A_97] : memref<16x160x128xi32, #tpu.memory_space<hbm>> -> memref<1x160x128xi32, #tpu.memory_space<hbm>>
      %dma_wait3A_99 = tpu.memref_squeeze %dma_wait3A_98 : memref<1x160x128xi32, #tpu.memory_space<hbm>> -> memref<160x128xi32, #tpu.memory_space<hbm>>
      tpu.wait_dma2 semaphore(%run_scoped3A : memref<!tpu.dma_semaphore, #tpu.memory_space<semaphore_mem>>) src(%dma_wait3A_99 : memref<160x128xi32, #tpu.memory_space<hbm>>) dst(%arg7 : memref<160x128xi32, #tpu.memory_space<vmem>>)
      tpu.yield
    }) : () -> ()
    "tpu.region"() ({
      %run_scoped3A = tpu.sem_alloc : memref<!tpu.dma_semaphore, #tpu.memory_space<semaphore_mem>>
      %dma_start3A_84 = arith.constant 0 : i32
      %dma_start3A_85 = arith.constant 0 : i32
      %dma_start3A_86 = tpu.memref_slice %arg3[%arg1, %dma_start3A_84, %dma_start3A_85] : memref<16x160x128xi32, #tpu.memory_space<hbm>> -> memref<1x160x128xi32, #tpu.memory_space<hbm>>
      %dma_start3A_87 = tpu.memref_squeeze %dma_start3A_86 : memref<1x160x128xi32, #tpu.memory_space<hbm>> -> memref<160x128xi32, #tpu.memory_space<hbm>>
      %dma_start3A_88 = arith.constant 0 : i32
      %dma_start3A_89 = arith.constant 0 : i32
      %dma_start3A_90 = tpu.memref_slice %arg3[%arg1, %dma_start3A_88, %dma_start3A_89] : memref<16x160x128xi32, #tpu.memory_space<hbm>> -> memref<1x160x128xi32, #tpu.memory_space<hbm>>
      %dma_start3A_91 = tpu.memref_squeeze %dma_start3A_90 : memref<1x160x128xi32, #tpu.memory_space<hbm>> -> memref<160x128xi32, #tpu.memory_space<hbm>>
      tpu.enqueue_dma source(%dma_start3A_91 : memref<160x128xi32, #tpu.memory_space<hbm>>) target(%arg8 : memref<160x128xi32, #tpu.memory_space<vmem>>) target_semaphore(%run_scoped3A : memref<!tpu.dma_semaphore, #tpu.memory_space<semaphore_mem>>)
      %dma_wait3A_92 = arith.constant 0 : i32
      %dma_wait3A_93 = arith.constant 0 : i32
      %dma_wait3A_94 = tpu.memref_slice %arg3[%arg1, %dma_wait3A_92, %dma_wait3A_93] : memref<16x160x128xi32, #tpu.memory_space<hbm>> -> memref<1x160x128xi32, #tpu.memory_space<hbm>>
      %dma_wait3A_95 = tpu.memref_squeeze %dma_wait3A_94 : memref<1x160x128xi32, #tpu.memory_space<hbm>> -> memref<160x128xi32, #tpu.memory_space<hbm>>
      %dma_wait3A_96 = arith.constant 0 : i32
      %dma_wait3A_97 = arith.constant 0 : i32
      %dma_wait3A_98 = tpu.memref_slice %arg3[%arg1, %dma_wait3A_96, %dma_wait3A_97] : memref<16x160x128xi32, #tpu.memory_space<hbm>> -> memref<1x160x128xi32, #tpu.memory_space<hbm>>
      %dma_wait3A_99 = tpu.memref_squeeze %dma_wait3A_98 : memref<1x160x128xi32, #tpu.memory_space<hbm>> -> memref<160x128xi32, #tpu.memory_space<hbm>>
      tpu.wait_dma2 semaphore(%run_scoped3A : memref<!tpu.dma_semaphore, #tpu.memory_space<semaphore_mem>>) src(%dma_wait3A_99 : memref<160x128xi32, #tpu.memory_space<hbm>>) dst(%arg8 : memref<160x128xi32, #tpu.memory_space<vmem>>)
      tpu.yield
    }) : () -> ()
    %mul3A = arith.constant 640 : i32
    %mul3A_0 = arith.muli %arg1, %mul3A : i32
    %mul3A_1 = arith.constant 640 : i32
    %mul3A_2 = arith.muli %arg1, %mul3A_1 : i32
    "tpu.region"() ({
      %run_scoped3A = tpu.sem_alloc : memref<!tpu.dma_semaphore, #tpu.memory_space<semaphore_mem>>
      %dma_start3A_84 = arith.constant 0 : i32
      %dma_start3A_85 = tpu.memref_slice %arg10[%mul3A_2, %dma_start3A_84] : memref<10240x64xf32, #tpu.memory_space<vmem_shared>> -> memref<640x64xf32, #tpu.memory_space<vmem_shared>>
      %dma_start3A_86 = arith.constant 0 : i32
      %dma_start3A_87 = tpu.memref_slice %arg5[%mul3A_0, %dma_start3A_86] : memref<10240x64xf32, #tpu.memory_space<hbm>> -> memref<640x64xf32, #tpu.memory_space<hbm>>
      tpu.enqueue_dma source(%dma_start3A_87 : memref<640x64xf32, #tpu.memory_space<hbm>>) target(%dma_start3A_85 : memref<640x64xf32, #tpu.memory_space<vmem_shared>>) target_semaphore(%run_scoped3A : memref<!tpu.dma_semaphore, #tpu.memory_space<semaphore_mem>>)
      %dma_wait3A_88 = arith.constant 0 : i32
      %dma_wait3A_89 = tpu.memref_slice %arg10[%mul3A_2, %dma_wait3A_88] : memref<10240x64xf32, #tpu.memory_space<vmem_shared>> -> memref<640x64xf32, #tpu.memory_space<vmem_shared>>
      %dma_wait3A_90 = arith.constant 0 : i32
      %dma_wait3A_91 = tpu.memref_slice %arg5[%mul3A_0, %dma_wait3A_90] : memref<10240x64xf32, #tpu.memory_space<hbm>> -> memref<640x64xf32, #tpu.memory_space<hbm>>
      tpu.wait_dma2 semaphore(%run_scoped3A : memref<!tpu.dma_semaphore, #tpu.memory_space<semaphore_mem>>) src(%dma_wait3A_91 : memref<640x64xf32, #tpu.memory_space<hbm>>) dst(%dma_wait3A_89 : memref<640x64xf32, #tpu.memory_space<vmem_shared>>)
      tpu.yield
    }) : () -> ()
    %barrier3A = arith.constant 0 : index
    tpu.barrier barrier_id(%barrier3A)
    %dma_start3A = arith.constant 0 : i32
    %dma_start3A_3 = arith.constant 0 : i32
    %dma_start3A_4 = arith.constant 0 : i32
    %dma_start3A_5 = arith.constant 0 : i32
    %dma_start3A_6 = tpu.memref_slice %arg9[%dma_start3A_3, %dma_start3A_4, %dma_start3A_5] : memref<5x128x64xf32, #tpu.memory_space<vmem>> -> memref<1x128x64xf32, #tpu.memory_space<vmem>>
    %dma_start3A_7 = tpu.memref_squeeze %dma_start3A_6 : memref<1x128x64xf32, #tpu.memory_space<vmem>> -> memref<128x64xf32, #tpu.memory_space<vmem>>
    %dma_start3A_8 = arith.constant 0 : i32
    %dma_start3A_9 = tpu.memref_slice %arg7[%dma_start3A, %dma_start3A_8] : memref<160x128xi32, #tpu.memory_space<vmem>> -> memref<1x128xi32, #tpu.memory_space<vmem>>
    %dma_start3A_10 = tpu.memref_squeeze %dma_start3A_9 : memref<1x128xi32, #tpu.memory_space<vmem>> -> memref<128xi32, #tpu.memory_space<vmem>>
    %dma_start3A_11 = arith.constant 0 : i32
    %dma_start3A_12 = arith.constant 0 : i32
    %dma_start3A_13 = tpu.memref_slice %arg4[%arg0, %dma_start3A_11, %dma_start3A_12] : memref<2x10240x64xf32, #tpu.memory_space<hbm>> -> memref<1x10240x64xf32, #tpu.memory_space<hbm>>
    %dma_start3A_14 = tpu.memref_squeeze %dma_start3A_13 : memref<1x10240x64xf32, #tpu.memory_space<hbm>> -> memref<10240x64xf32, #tpu.memory_space<hbm>>
    %dma_start3A_15 = arith.constant 0 : i32
    %dma_start3A_16 = arith.constant 0 : i32
    %dma_start3A_17 = tpu.memref_slice %dma_start3A_14[%dma_start3A_15, %dma_start3A_16] : memref<10240x64xf32, #tpu.memory_space<hbm>> -> memref<10240x64xf32, #tpu.memory_space<hbm>>
    tpu.enqueue_indirect_dma source(%dma_start3A_17 : memref<10240x64xf32, #tpu.memory_space<hbm>>) target(%dma_start3A_7 : memref<128x64xf32, #tpu.memory_space<vmem>>) offsets(%dma_start3A_10 : memref<128xi32, #tpu.memory_space<vmem>>) semaphore(%arg11 : memref<!tpu.dma_semaphore, #tpu.memory_space<semaphore_mem>>)
    %dma_start3A_18 = arith.constant 1 : i32
    %dma_start3A_19 = arith.constant 1 : i32
    %dma_start3A_20 = arith.constant 0 : i32
    %dma_start3A_21 = arith.constant 0 : i32
    %dma_start3A_22 = tpu.memref_slice %arg9[%dma_start3A_19, %dma_start3A_20, %dma_start3A_21] : memref<5x128x64xf32, #tpu.memory_space<vmem>> -> memref<1x128x64xf32, #tpu.memory_space<vmem>>
    %dma_start3A_23 = tpu.memref_squeeze %dma_start3A_22 : memref<1x128x64xf32, #tpu.memory_space<vmem>> -> memref<128x64xf32, #tpu.memory_space<vmem>>
    %dma_start3A_24 = arith.constant 0 : i32
    %dma_start3A_25 = tpu.memref_slice %arg7[%dma_start3A_18, %dma_start3A_24] : memref<160x128xi32, #tpu.memory_space<vmem>> -> memref<1x128xi32, #tpu.memory_space<vmem>>
    %dma_start3A_26 = tpu.memref_squeeze %dma_start3A_25 : memref<1x128xi32, #tpu.memory_space<vmem>> -> memref<128xi32, #tpu.memory_space<vmem>>
    %dma_start3A_27 = arith.constant 0 : i32
    %dma_start3A_28 = arith.constant 0 : i32
    %dma_start3A_29 = tpu.memref_slice %arg4[%arg0, %dma_start3A_27, %dma_start3A_28] : memref<2x10240x64xf32, #tpu.memory_space<hbm>> -> memref<1x10240x64xf32, #tpu.memory_space<hbm>>
    %dma_start3A_30 = tpu.memref_squeeze %dma_start3A_29 : memref<1x10240x64xf32, #tpu.memory_space<hbm>> -> memref<10240x64xf32, #tpu.memory_space<hbm>>
    %dma_start3A_31 = arith.constant 0 : i32
    %dma_start3A_32 = arith.constant 0 : i32
    %dma_start3A_33 = tpu.memref_slice %dma_start3A_30[%dma_start3A_31, %dma_start3A_32] : memref<10240x64xf32, #tpu.memory_space<hbm>> -> memref<10240x64xf32, #tpu.memory_space<hbm>>
    tpu.enqueue_indirect_dma source(%dma_start3A_33 : memref<10240x64xf32, #tpu.memory_space<hbm>>) target(%dma_start3A_23 : memref<128x64xf32, #tpu.memory_space<vmem>>) offsets(%dma_start3A_26 : memref<128xi32, #tpu.memory_space<vmem>>) semaphore(%arg11 : memref<!tpu.dma_semaphore, #tpu.memory_space<semaphore_mem>>)
    %dma_start3A_34 = arith.constant 2 : i32
    %dma_start3A_35 = arith.constant 2 : i32
    %dma_start3A_36 = arith.constant 0 : i32
    %dma_start3A_37 = arith.constant 0 : i32
    %dma_start3A_38 = tpu.memref_slice %arg9[%dma_start3A_35, %dma_start3A_36, %dma_start3A_37] : memref<5x128x64xf32, #tpu.memory_space<vmem>> -> memref<1x128x64xf32, #tpu.memory_space<vmem>>
    %dma_start3A_39 = tpu.memref_squeeze %dma_start3A_38 : memref<1x128x64xf32, #tpu.memory_space<vmem>> -> memref<128x64xf32, #tpu.memory_space<vmem>>
    %dma_start3A_40 = arith.constant 0 : i32
    %dma_start3A_41 = tpu.memref_slice %arg7[%dma_start3A_34, %dma_start3A_40] : memref<160x128xi32, #tpu.memory_space<vmem>> -> memref<1x128xi32, #tpu.memory_space<vmem>>
    %dma_start3A_42 = tpu.memref_squeeze %dma_start3A_41 : memref<1x128xi32, #tpu.memory_space<vmem>> -> memref<128xi32, #tpu.memory_space<vmem>>
    %dma_start3A_43 = arith.constant 0 : i32
    %dma_start3A_44 = arith.constant 0 : i32
    %dma_start3A_45 = tpu.memref_slice %arg4[%arg0, %dma_start3A_43, %dma_start3A_44] : memref<2x10240x64xf32, #tpu.memory_space<hbm>> -> memref<1x10240x64xf32, #tpu.memory_space<hbm>>
    %dma_start3A_46 = tpu.memref_squeeze %dma_start3A_45 : memref<1x10240x64xf32, #tpu.memory_space<hbm>> -> memref<10240x64xf32, #tpu.memory_space<hbm>>
    %dma_start3A_47 = arith.constant 0 : i32
    %dma_start3A_48 = arith.constant 0 : i32
    %dma_start3A_49 = tpu.memref_slice %dma_start3A_46[%dma_start3A_47, %dma_start3A_48] : memref<10240x64xf32, #tpu.memory_space<hbm>> -> memref<10240x64xf32, #tpu.memory_space<hbm>>
    tpu.enqueue_indirect_dma source(%dma_start3A_49 : memref<10240x64xf32, #tpu.memory_space<hbm>>) target(%dma_start3A_39 : memref<128x64xf32, #tpu.memory_space<vmem>>) offsets(%dma_start3A_42 : memref<128xi32, #tpu.memory_space<vmem>>) semaphore(%arg11 : memref<!tpu.dma_semaphore, #tpu.memory_space<semaphore_mem>>)
    %scan3A = arith.constant 0 : i32
    %scan3A_50 = arith.constant 0 : i32
    %scan3A_51 = arith.constant 32 : i32
    %scan3A_52 = arith.addi %scan3A_50, %scan3A_51 : i32
    %scan3A_53 = arith.constant 1 : i32
    %scan3A_54 = scf.for %scan3A_84 = %scan3A_50 to %scan3A_52 step %scan3A_53 iter_args(%scan3A_85 = %scan3A) -> (i32)  : i32 {
      %mul3A_86 = arith.constant 5 : i32
      %mul3A_87 = arith.muli %mul3A_86, %scan3A_84 : i32
      %add3A = arith.constant 0 : i32
      %add3A_88 = arith.addi %mul3A_87, %add3A : i32
      %dma_wait3A_89 = arith.constant 0 : i32
      %dma_wait3A_90 = arith.constant 0 : i32
      %dma_wait3A_91 = arith.constant 0 : i32
      %dma_wait3A_92 = tpu.memref_slice %arg9[%dma_wait3A_89, %dma_wait3A_90, %dma_wait3A_91] : memref<5x128x64xf32, #tpu.memory_space<vmem>> -> memref<1x128x64xf32, #tpu.memory_space<vmem>>
      %dma_wait3A_93 = tpu.memref_squeeze %dma_wait3A_92 : memref<1x128x64xf32, #tpu.memory_space<vmem>> -> memref<128x64xf32, #tpu.memory_space<vmem>>
      %dma_wait3A_94 = arith.constant 0 : i32
      %dma_wait3A_95 = tpu.memref_slice %arg7[%add3A_88, %dma_wait3A_94] : memref<160x128xi32, #tpu.memory_space<vmem>> -> memref<1x128xi32, #tpu.memory_space<vmem>>
      %dma_wait3A_96 = tpu.memref_squeeze %dma_wait3A_95 : memref<1x128xi32, #tpu.memory_space<vmem>> -> memref<128xi32, #tpu.memory_space<vmem>>
      %dma_wait3A_97 = arith.constant 0 : i32
      %dma_wait3A_98 = arith.constant 0 : i32
      %dma_wait3A_99 = tpu.memref_slice %arg4[%arg0, %dma_wait3A_97, %dma_wait3A_98] : memref<2x10240x64xf32, #tpu.memory_space<hbm>> -> memref<1x10240x64xf32, #tpu.memory_space<hbm>>
      %dma_wait3A_100 = tpu.memref_squeeze %dma_wait3A_99 : memref<1x10240x64xf32, #tpu.memory_space<hbm>> -> memref<10240x64xf32, #tpu.memory_space<hbm>>
      %dma_wait3A_101 = arith.constant 0 : i32
      %dma_wait3A_102 = arith.constant 0 : i32
      %dma_wait3A_103 = tpu.memref_slice %dma_wait3A_100[%dma_wait3A_101, %dma_wait3A_102] : memref<10240x64xf32, #tpu.memory_space<hbm>> -> memref<10240x64xf32, #tpu.memory_space<hbm>>
      tpu.wait_indirect_dma semaphore(%arg11 : memref<!tpu.dma_semaphore, #tpu.memory_space<semaphore_mem>>) src(%dma_wait3A_103 : memref<10240x64xf32, #tpu.memory_space<hbm>>) dst(%dma_wait3A_93 : memref<128x64xf32, #tpu.memory_space<vmem>>)
      %dma_start3A_104 = arith.constant 0 : i32
      %dma_start3A_105 = arith.constant 0 : i32
      %dma_start3A_106 = arith.constant 0 : i32
      %dma_start3A_107 = tpu.memref_slice %arg9[%dma_start3A_104, %dma_start3A_105, %dma_start3A_106] : memref<5x128x64xf32, #tpu.memory_space<vmem>> -> memref<1x128x64xf32, #tpu.memory_space<vmem>>
      %dma_start3A_108 = tpu.memref_squeeze %dma_start3A_107 : memref<1x128x64xf32, #tpu.memory_space<vmem>> -> memref<128x64xf32, #tpu.memory_space<vmem>>
      %dma_start3A_109 = arith.constant 0 : i32
      %dma_start3A_110 = tpu.memref_slice %arg8[%add3A_88, %dma_start3A_109] : memref<160x128xi32, #tpu.memory_space<vmem>> -> memref<1x128xi32, #tpu.memory_space<vmem>>
      %dma_start3A_111 = tpu.memref_squeeze %dma_start3A_110 : memref<1x128xi32, #tpu.memory_space<vmem>> -> memref<128xi32, #tpu.memory_space<vmem>>
      %dma_start3A_112 = arith.constant 0 : i32
      %dma_start3A_113 = arith.constant 0 : i32
      %dma_start3A_114 = tpu.memref_slice %arg10[%dma_start3A_112, %dma_start3A_113] : memref<10240x64xf32, #tpu.memory_space<vmem_shared>> -> memref<10240x64xf32, #tpu.memory_space<vmem_shared>>
      tpu.enqueue_indirect_dma source(%dma_start3A_108 : memref<128x64xf32, #tpu.memory_space<vmem>>) target(%dma_start3A_114 : memref<10240x64xf32, #tpu.memory_space<vmem_shared>>) offsets(%dma_start3A_111 : memref<128xi32, #tpu.memory_space<vmem>>) semaphore(%arg12 : memref<!tpu.dma_semaphore, #tpu.memory_space<semaphore_mem>>) {add = true}
      %ge3A = arith.constant 2 : i32
      %ge3A_115 = arith.cmpi sge, %add3A_88, %ge3A : i32
      %convert_element_type3A = arith.extui %ge3A_115 : i1 to i32
      %cond3A = arith.constant 0 : i32
      %cond3A_116 = arith.cmpi ne, %convert_element_type3A, %cond3A : i32
      scf.if %cond3A_116 {
        %dma_wait3A_292 = arith.constant 3 : i32
        %dma_wait3A_293 = arith.constant 0 : i32
        %dma_wait3A_294 = arith.constant 0 : i32
        %dma_wait3A_295 = arith.constant 0 : i32
        %dma_wait3A_296 = tpu.memref_slice %arg9[%dma_wait3A_292, %dma_wait3A_294, %dma_wait3A_295] : memref<5x128x64xf32, #tpu.memory_space<vmem>> -> memref<1x128x64xf32, #tpu.memory_space<vmem>>
        %dma_wait3A_297 = tpu.memref_squeeze %dma_wait3A_296 : memref<1x128x64xf32, #tpu.memory_space<vmem>> -> memref<128x64xf32, #tpu.memory_space<vmem>>
        %dma_wait3A_298 = arith.constant 0 : i32
        %dma_wait3A_299 = tpu.memref_slice %arg8[%dma_wait3A_293, %dma_wait3A_298] : memref<160x128xi32, #tpu.memory_space<vmem>> -> memref<1x128xi32, #tpu.memory_space<vmem>>
        %dma_wait3A_300 = tpu.memref_squeeze %dma_wait3A_299 : memref<1x128xi32, #tpu.memory_space<vmem>> -> memref<128xi32, #tpu.memory_space<vmem>>
        %dma_wait3A_301 = arith.constant 0 : i32
        %dma_wait3A_302 = arith.constant 0 : i32
        %dma_wait3A_303 = tpu.memref_slice %arg10[%dma_wait3A_301, %dma_wait3A_302] : memref<10240x64xf32, #tpu.memory_space<vmem_shared>> -> memref<10240x64xf32, #tpu.memory_space<vmem_shared>>
        tpu.wait_indirect_dma semaphore(%arg12 : memref<!tpu.dma_semaphore, #tpu.memory_space<semaphore_mem>>) src(%dma_wait3A_297 : memref<128x64xf32, #tpu.memory_space<vmem>>) dst(%dma_wait3A_303 : memref<10240x64xf32, #tpu.memory_space<vmem_shared>>)
      } else {
      }
      %add3A_117 = arith.constant 3 : i32
      %add3A_118 = arith.addi %add3A_88, %add3A_117 : i32
      %lt3A = arith.constant 160 : i32
      %lt3A_119 = arith.cmpi slt, %add3A_118, %lt3A : i32
      %convert_element_type3A_120 = arith.extui %lt3A_119 : i1 to i32
      %cond3A_121 = arith.constant 0 : i32
      %cond3A_122 = arith.cmpi ne, %convert_element_type3A_120, %cond3A_121 : i32
      scf.if %cond3A_122 {
        %add3A_292 = arith.constant 3 : i32
        %add3A_293 = arith.addi %add3A_88, %add3A_292 : i32
        %dma_start3A_294 = arith.constant 3 : i32
        %dma_start3A_295 = arith.constant 0 : i32
        %dma_start3A_296 = arith.constant 0 : i32
        %dma_start3A_297 = tpu.memref_slice %arg9[%dma_start3A_294, %dma_start3A_295, %dma_start3A_296] : memref<5x128x64xf32, #tpu.memory_space<vmem>> -> memref<1x128x64xf32, #tpu.memory_space<vmem>>
        %dma_start3A_298 = tpu.memref_squeeze %dma_start3A_297 : memref<1x128x64xf32, #tpu.memory_space<vmem>> -> memref<128x64xf32, #tpu.memory_space<vmem>>
        %dma_start3A_299 = arith.constant 0 : i32
        %dma_start3A_300 = tpu.memref_slice %arg7[%add3A_293, %dma_start3A_299] : memref<160x128xi32, #tpu.memory_space<vmem>> -> memref<1x128xi32, #tpu.memory_space<vmem>>
        %dma_start3A_301 = tpu.memref_squeeze %dma_start3A_300 : memref<1x128xi32, #tpu.memory_space<vmem>> -> memref<128xi32, #tpu.memory_space<vmem>>
        %dma_start3A_302 = arith.constant 0 : i32
        %dma_start3A_303 = arith.constant 0 : i32
        %dma_start3A_304 = tpu.memref_slice %arg4[%arg0, %dma_start3A_302, %dma_start3A_303] : memref<2x10240x64xf32, #tpu.memory_space<hbm>> -> memref<1x10240x64xf32, #tpu.memory_space<hbm>>
        %dma_start3A_305 = tpu.memref_squeeze %dma_start3A_304 : memref<1x10240x64xf32, #tpu.memory_space<hbm>> -> memref<10240x64xf32, #tpu.memory_space<hbm>>
        %dma_start3A_306 = arith.constant 0 : i32
        %dma_start3A_307 = arith.constant 0 : i32
        %dma_start3A_308 = tpu.memref_slice %dma_start3A_305[%dma_start3A_306, %dma_start3A_307] : memref<10240x64xf32, #tpu.memory_space<hbm>> -> memref<10240x64xf32, #tpu.memory_space<hbm>>
        tpu.enqueue_indirect_dma source(%dma_start3A_308 : memref<10240x64xf32, #tpu.memory_space<hbm>>) target(%dma_start3A_298 : memref<128x64xf32, #tpu.memory_space<vmem>>) offsets(%dma_start3A_301 : memref<128xi32, #tpu.memory_space<vmem>>) semaphore(%arg11 : memref<!tpu.dma_semaphore, #tpu.memory_space<semaphore_mem>>)
      } else {
      }
      %mul3A_123 = arith.constant 5 : i32
      %mul3A_124 = arith.muli %mul3A_123, %scan3A_84 : i32
      %add3A_125 = arith.constant 1 : i32
      %add3A_126 = arith.addi %mul3A_124, %add3A_125 : i32
      %dma_wait3A_127 = arith.constant 1 : i32
      %dma_wait3A_128 = arith.constant 0 : i32
      %dma_wait3A_129 = arith.constant 0 : i32
      %dma_wait3A_130 = tpu.memref_slice %arg9[%dma_wait3A_127, %dma_wait3A_128, %dma_wait3A_129] : memref<5x128x64xf32, #tpu.memory_space<vmem>> -> memref<1x128x64xf32, #tpu.memory_space<vmem>>
      %dma_wait3A_131 = tpu.memref_squeeze %dma_wait3A_130 : memref<1x128x64xf32, #tpu.memory_space<vmem>> -> memref<128x64xf32, #tpu.memory_space<vmem>>
      %dma_wait3A_132 = arith.constant 0 : i32
      %dma_wait3A_133 = tpu.memref_slice %arg7[%add3A_126, %dma_wait3A_132] : memref<160x128xi32, #tpu.memory_space<vmem>> -> memref<1x128xi32, #tpu.memory_space<vmem>>
      %dma_wait3A_134 = tpu.memref_squeeze %dma_wait3A_133 : memref<1x128xi32, #tpu.memory_space<vmem>> -> memref<128xi32, #tpu.memory_space<vmem>>
      %dma_wait3A_135 = arith.constant 0 : i32
      %dma_wait3A_136 = arith.constant 0 : i32
      %dma_wait3A_137 = tpu.memref_slice %arg4[%arg0, %dma_wait3A_135, %dma_wait3A_136] : memref<2x10240x64xf32, #tpu.memory_space<hbm>> -> memref<1x10240x64xf32, #tpu.memory_space<hbm>>
      %dma_wait3A_138 = tpu.memref_squeeze %dma_wait3A_137 : memref<1x10240x64xf32, #tpu.memory_space<hbm>> -> memref<10240x64xf32, #tpu.memory_space<hbm>>
      %dma_wait3A_139 = arith.constant 0 : i32
      %dma_wait3A_140 = arith.constant 0 : i32
      %dma_wait3A_141 = tpu.memref_slice %dma_wait3A_138[%dma_wait3A_139, %dma_wait3A_140] : memref<10240x64xf32, #tpu.memory_space<hbm>> -> memref<10240x64xf32, #tpu.memory_space<hbm>>
      tpu.wait_indirect_dma semaphore(%arg11 : memref<!tpu.dma_semaphore, #tpu.memory_space<semaphore_mem>>) src(%dma_wait3A_141 : memref<10240x64xf32, #tpu.memory_space<hbm>>) dst(%dma_wait3A_131 : memref<128x64xf32, #tpu.memory_space<vmem>>)
      %dma_start3A_142 = arith.constant 1 : i32
      %dma_start3A_143 = arith.constant 0 : i32
      %dma_start3A_144 = arith.constant 0 : i32
      %dma_start3A_145 = tpu.memref_slice %arg9[%dma_start3A_142, %dma_start3A_143, %dma_start3A_144] : memref<5x128x64xf32, #tpu.memory_space<vmem>> -> memref<1x128x64xf32, #tpu.memory_space<vmem>>
      %dma_start3A_146 = tpu.memref_squeeze %dma_start3A_145 : memref<1x128x64xf32, #tpu.memory_space<vmem>> -> memref<128x64xf32, #tpu.memory_space<vmem>>
      %dma_start3A_147 = arith.constant 0 : i32
      %dma_start3A_148 = tpu.memref_slice %arg8[%add3A_126, %dma_start3A_147] : memref<160x128xi32, #tpu.memory_space<vmem>> -> memref<1x128xi32, #tpu.memory_space<vmem>>
      %dma_start3A_149 = tpu.memref_squeeze %dma_start3A_148 : memref<1x128xi32, #tpu.memory_space<vmem>> -> memref<128xi32, #tpu.memory_space<vmem>>
      %dma_start3A_150 = arith.constant 0 : i32
      %dma_start3A_151 = arith.constant 0 : i32
      %dma_start3A_152 = tpu.memref_slice %arg10[%dma_start3A_150, %dma_start3A_151] : memref<10240x64xf32, #tpu.memory_space<vmem_shared>> -> memref<10240x64xf32, #tpu.memory_space<vmem_shared>>
      tpu.enqueue_indirect_dma source(%dma_start3A_146 : memref<128x64xf32, #tpu.memory_space<vmem>>) target(%dma_start3A_152 : memref<10240x64xf32, #tpu.memory_space<vmem_shared>>) offsets(%dma_start3A_149 : memref<128xi32, #tpu.memory_space<vmem>>) semaphore(%arg12 : memref<!tpu.dma_semaphore, #tpu.memory_space<semaphore_mem>>) {add = true}
      %ge3A_153 = arith.constant 2 : i32
      %ge3A_154 = arith.cmpi sge, %add3A_126, %ge3A_153 : i32
      %convert_element_type3A_155 = arith.extui %ge3A_154 : i1 to i32
      %cond3A_156 = arith.constant 0 : i32
      %cond3A_157 = arith.cmpi ne, %convert_element_type3A_155, %cond3A_156 : i32
      scf.if %cond3A_157 {
        %dma_wait3A_292 = arith.constant 4 : i32
        %dma_wait3A_293 = arith.constant 0 : i32
        %dma_wait3A_294 = arith.constant 0 : i32
        %dma_wait3A_295 = arith.constant 0 : i32
        %dma_wait3A_296 = tpu.memref_slice %arg9[%dma_wait3A_292, %dma_wait3A_294, %dma_wait3A_295] : memref<5x128x64xf32, #tpu.memory_space<vmem>> -> memref<1x128x64xf32, #tpu.memory_space<vmem>>
        %dma_wait3A_297 = tpu.memref_squeeze %dma_wait3A_296 : memref<1x128x64xf32, #tpu.memory_space<vmem>> -> memref<128x64xf32, #tpu.memory_space<vmem>>
        %dma_wait3A_298 = arith.constant 0 : i32
        %dma_wait3A_299 = tpu.memref_slice %arg8[%dma_wait3A_293, %dma_wait3A_298] : memref<160x128xi32, #tpu.memory_space<vmem>> -> memref<1x128xi32, #tpu.memory_space<vmem>>
        %dma_wait3A_300 = tpu.memref_squeeze %dma_wait3A_299 : memref<1x128xi32, #tpu.memory_space<vmem>> -> memref<128xi32, #tpu.memory_space<vmem>>
        %dma_wait3A_301 = arith.constant 0 : i32
        %dma_wait3A_302 = arith.constant 0 : i32
        %dma_wait3A_303 = tpu.memref_slice %arg10[%dma_wait3A_301, %dma_wait3A_302] : memref<10240x64xf32, #tpu.memory_space<vmem_shared>> -> memref<10240x64xf32, #tpu.memory_space<vmem_shared>>
        tpu.wait_indirect_dma semaphore(%arg12 : memref<!tpu.dma_semaphore, #tpu.memory_space<semaphore_mem>>) src(%dma_wait3A_297 : memref<128x64xf32, #tpu.memory_space<vmem>>) dst(%dma_wait3A_303 : memref<10240x64xf32, #tpu.memory_space<vmem_shared>>)
      } else {
      }
      %add3A_158 = arith.constant 3 : i32
      %add3A_159 = arith.addi %add3A_126, %add3A_158 : i32
      %lt3A_160 = arith.constant 160 : i32
      %lt3A_161 = arith.cmpi slt, %add3A_159, %lt3A_160 : i32
      %convert_element_type3A_162 = arith.extui %lt3A_161 : i1 to i32
      %cond3A_163 = arith.constant 0 : i32
      %cond3A_164 = arith.cmpi ne, %convert_element_type3A_162, %cond3A_163 : i32
      scf.if %cond3A_164 {
        %add3A_292 = arith.constant 3 : i32
        %add3A_293 = arith.addi %add3A_126, %add3A_292 : i32
        %dma_start3A_294 = arith.constant 4 : i32
        %dma_start3A_295 = arith.constant 0 : i32
        %dma_start3A_296 = arith.constant 0 : i32
        %dma_start3A_297 = tpu.memref_slice %arg9[%dma_start3A_294, %dma_start3A_295, %dma_start3A_296] : memref<5x128x64xf32, #tpu.memory_space<vmem>> -> memref<1x128x64xf32, #tpu.memory_space<vmem>>
        %dma_start3A_298 = tpu.memref_squeeze %dma_start3A_297 : memref<1x128x64xf32, #tpu.memory_space<vmem>> -> memref<128x64xf32, #tpu.memory_space<vmem>>
        %dma_start3A_299 = arith.constant 0 : i32
        %dma_start3A_300 = tpu.memref_slice %arg7[%add3A_293, %dma_start3A_299] : memref<160x128xi32, #tpu.memory_space<vmem>> -> memref<1x128xi32, #tpu.memory_space<vmem>>
        %dma_start3A_301 = tpu.memref_squeeze %dma_start3A_300 : memref<1x128xi32, #tpu.memory_space<vmem>> -> memref<128xi32, #tpu.memory_space<vmem>>
        %dma_start3A_302 = arith.constant 0 : i32
        %dma_start3A_303 = arith.constant 0 : i32
        %dma_start3A_304 = tpu.memref_slice %arg4[%arg0, %dma_start3A_302, %dma_start3A_303] : memref<2x10240x64xf32, #tpu.memory_space<hbm>> -> memref<1x10240x64xf32, #tpu.memory_space<hbm>>
        %dma_start3A_305 = tpu.memref_squeeze %dma_start3A_304 : memref<1x10240x64xf32, #tpu.memory_space<hbm>> -> memref<10240x64xf32, #tpu.memory_space<hbm>>
        %dma_start3A_306 = arith.constant 0 : i32
        %dma_start3A_307 = arith.constant 0 : i32
        %dma_start3A_308 = tpu.memref_slice %dma_start3A_305[%dma_start3A_306, %dma_start3A_307] : memref<10240x64xf32, #tpu.memory_space<hbm>> -> memref<10240x64xf32, #tpu.memory_space<hbm>>
        tpu.enqueue_indirect_dma source(%dma_start3A_308 : memref<10240x64xf32, #tpu.memory_space<hbm>>) target(%dma_start3A_298 : memref<128x64xf32, #tpu.memory_space<vmem>>) offsets(%dma_start3A_301 : memref<128xi32, #tpu.memory_space<vmem>>) semaphore(%arg11 : memref<!tpu.dma_semaphore, #tpu.memory_space<semaphore_mem>>)
      } else {
      }
      %mul3A_165 = arith.constant 5 : i32
      %mul3A_166 = arith.muli %mul3A_165, %scan3A_84 : i32
      %add3A_167 = arith.constant 2 : i32
      %add3A_168 = arith.addi %mul3A_166, %add3A_167 : i32
      %dma_wait3A_169 = arith.constant 2 : i32
      %dma_wait3A_170 = arith.constant 0 : i32
      %dma_wait3A_171 = arith.constant 0 : i32
      %dma_wait3A_172 = tpu.memref_slice %arg9[%dma_wait3A_169, %dma_wait3A_170, %dma_wait3A_171] : memref<5x128x64xf32, #tpu.memory_space<vmem>> -> memref<1x128x64xf32, #tpu.memory_space<vmem>>
      %dma_wait3A_173 = tpu.memref_squeeze %dma_wait3A_172 : memref<1x128x64xf32, #tpu.memory_space<vmem>> -> memref<128x64xf32, #tpu.memory_space<vmem>>
      %dma_wait3A_174 = arith.constant 0 : i32
      %dma_wait3A_175 = tpu.memref_slice %arg7[%add3A_168, %dma_wait3A_174] : memref<160x128xi32, #tpu.memory_space<vmem>> -> memref<1x128xi32, #tpu.memory_space<vmem>>
      %dma_wait3A_176 = tpu.memref_squeeze %dma_wait3A_175 : memref<1x128xi32, #tpu.memory_space<vmem>> -> memref<128xi32, #tpu.memory_space<vmem>>
      %dma_wait3A_177 = arith.constant 0 : i32
      %dma_wait3A_178 = arith.constant 0 : i32
      %dma_wait3A_179 = tpu.memref_slice %arg4[%arg0, %dma_wait3A_177, %dma_wait3A_178] : memref<2x10240x64xf32, #tpu.memory_space<hbm>> -> memref<1x10240x64xf32, #tpu.memory_space<hbm>>
      %dma_wait3A_180 = tpu.memref_squeeze %dma_wait3A_179 : memref<1x10240x64xf32, #tpu.memory_space<hbm>> -> memref<10240x64xf32, #tpu.memory_space<hbm>>
      %dma_wait3A_181 = arith.constant 0 : i32
      %dma_wait3A_182 = arith.constant 0 : i32
      %dma_wait3A_183 = tpu.memref_slice %dma_wait3A_180[%dma_wait3A_181, %dma_wait3A_182] : memref<10240x64xf32, #tpu.memory_space<hbm>> -> memref<10240x64xf32, #tpu.memory_space<hbm>>
      tpu.wait_indirect_dma semaphore(%arg11 : memref<!tpu.dma_semaphore, #tpu.memory_space<semaphore_mem>>) src(%dma_wait3A_183 : memref<10240x64xf32, #tpu.memory_space<hbm>>) dst(%dma_wait3A_173 : memref<128x64xf32, #tpu.memory_space<vmem>>)
      %dma_start3A_184 = arith.constant 2 : i32
      %dma_start3A_185 = arith.constant 0 : i32
      %dma_start3A_186 = arith.constant 0 : i32
      %dma_start3A_187 = tpu.memref_slice %arg9[%dma_start3A_184, %dma_start3A_185, %dma_start3A_186] : memref<5x128x64xf32, #tpu.memory_space<vmem>> -> memref<1x128x64xf32, #tpu.memory_space<vmem>>
      %dma_start3A_188 = tpu.memref_squeeze %dma_start3A_187 : memref<1x128x64xf32, #tpu.memory_space<vmem>> -> memref<128x64xf32, #tpu.memory_space<vmem>>
      %dma_start3A_189 = arith.constant 0 : i32
      %dma_start3A_190 = tpu.memref_slice %arg8[%add3A_168, %dma_start3A_189] : memref<160x128xi32, #tpu.memory_space<vmem>> -> memref<1x128xi32, #tpu.memory_space<vmem>>
      %dma_start3A_191 = tpu.memref_squeeze %dma_start3A_190 : memref<1x128xi32, #tpu.memory_space<vmem>> -> memref<128xi32, #tpu.memory_space<vmem>>
      %dma_start3A_192 = arith.constant 0 : i32
      %dma_start3A_193 = arith.constant 0 : i32
      %dma_start3A_194 = tpu.memref_slice %arg10[%dma_start3A_192, %dma_start3A_193] : memref<10240x64xf32, #tpu.memory_space<vmem_shared>> -> memref<10240x64xf32, #tpu.memory_space<vmem_shared>>
      tpu.enqueue_indirect_dma source(%dma_start3A_188 : memref<128x64xf32, #tpu.memory_space<vmem>>) target(%dma_start3A_194 : memref<10240x64xf32, #tpu.memory_space<vmem_shared>>) offsets(%dma_start3A_191 : memref<128xi32, #tpu.memory_space<vmem>>) semaphore(%arg12 : memref<!tpu.dma_semaphore, #tpu.memory_space<semaphore_mem>>) {add = true}
      %ge3A_195 = arith.constant 2 : i32
      %ge3A_196 = arith.cmpi sge, %add3A_168, %ge3A_195 : i32
      %convert_element_type3A_197 = arith.extui %ge3A_196 : i1 to i32
      %cond3A_198 = arith.constant 0 : i32
      %cond3A_199 = arith.cmpi ne, %convert_element_type3A_197, %cond3A_198 : i32
      scf.if %cond3A_199 {
        %dma_wait3A_292 = arith.constant 0 : i32
        %dma_wait3A_293 = arith.constant 0 : i32
        %dma_wait3A_294 = arith.constant 0 : i32
        %dma_wait3A_295 = arith.constant 0 : i32
        %dma_wait3A_296 = tpu.memref_slice %arg9[%dma_wait3A_292, %dma_wait3A_294, %dma_wait3A_295] : memref<5x128x64xf32, #tpu.memory_space<vmem>> -> memref<1x128x64xf32, #tpu.memory_space<vmem>>
        %dma_wait3A_297 = tpu.memref_squeeze %dma_wait3A_296 : memref<1x128x64xf32, #tpu.memory_space<vmem>> -> memref<128x64xf32, #tpu.memory_space<vmem>>
        %dma_wait3A_298 = arith.constant 0 : i32
        %dma_wait3A_299 = tpu.memref_slice %arg8[%dma_wait3A_293, %dma_wait3A_298] : memref<160x128xi32, #tpu.memory_space<vmem>> -> memref<1x128xi32, #tpu.memory_space<vmem>>
        %dma_wait3A_300 = tpu.memref_squeeze %dma_wait3A_299 : memref<1x128xi32, #tpu.memory_space<vmem>> -> memref<128xi32, #tpu.memory_space<vmem>>
        %dma_wait3A_301 = arith.constant 0 : i32
        %dma_wait3A_302 = arith.constant 0 : i32
        %dma_wait3A_303 = tpu.memref_slice %arg10[%dma_wait3A_301, %dma_wait3A_302] : memref<10240x64xf32, #tpu.memory_space<vmem_shared>> -> memref<10240x64xf32, #tpu.memory_space<vmem_shared>>
        tpu.wait_indirect_dma semaphore(%arg12 : memref<!tpu.dma_semaphore, #tpu.memory_space<semaphore_mem>>) src(%dma_wait3A_297 : memref<128x64xf32, #tpu.memory_space<vmem>>) dst(%dma_wait3A_303 : memref<10240x64xf32, #tpu.memory_space<vmem_shared>>)
      } else {
      }
      %add3A_200 = arith.constant 3 : i32
      %add3A_201 = arith.addi %add3A_168, %add3A_200 : i32
      %lt3A_202 = arith.constant 160 : i32
      %lt3A_203 = arith.cmpi slt, %add3A_201, %lt3A_202 : i32
      %convert_element_type3A_204 = arith.extui %lt3A_203 : i1 to i32
      %cond3A_205 = arith.constant 0 : i32
      %cond3A_206 = arith.cmpi ne, %convert_element_type3A_204, %cond3A_205 : i32
      scf.if %cond3A_206 {
        %add3A_292 = arith.constant 3 : i32
        %add3A_293 = arith.addi %add3A_168, %add3A_292 : i32
        %dma_start3A_294 = arith.constant 0 : i32
        %dma_start3A_295 = arith.constant 0 : i32
        %dma_start3A_296 = arith.constant 0 : i32
        %dma_start3A_297 = tpu.memref_slice %arg9[%dma_start3A_294, %dma_start3A_295, %dma_start3A_296] : memref<5x128x64xf32, #tpu.memory_space<vmem>> -> memref<1x128x64xf32, #tpu.memory_space<vmem>>
        %dma_start3A_298 = tpu.memref_squeeze %dma_start3A_297 : memref<1x128x64xf32, #tpu.memory_space<vmem>> -> memref<128x64xf32, #tpu.memory_space<vmem>>
        %dma_start3A_299 = arith.constant 0 : i32
        %dma_start3A_300 = tpu.memref_slice %arg7[%add3A_293, %dma_start3A_299] : memref<160x128xi32, #tpu.memory_space<vmem>> -> memref<1x128xi32, #tpu.memory_space<vmem>>
        %dma_start3A_301 = tpu.memref_squeeze %dma_start3A_300 : memref<1x128xi32, #tpu.memory_space<vmem>> -> memref<128xi32, #tpu.memory_space<vmem>>
        %dma_start3A_302 = arith.constant 0 : i32
        %dma_start3A_303 = arith.constant 0 : i32
        %dma_start3A_304 = tpu.memref_slice %arg4[%arg0, %dma_start3A_302, %dma_start3A_303] : memref<2x10240x64xf32, #tpu.memory_space<hbm>> -> memref<1x10240x64xf32, #tpu.memory_space<hbm>>
        %dma_start3A_305 = tpu.memref_squeeze %dma_start3A_304 : memref<1x10240x64xf32, #tpu.memory_space<hbm>> -> memref<10240x64xf32, #tpu.memory_space<hbm>>
        %dma_start3A_306 = arith.constant 0 : i32
        %dma_start3A_307 = arith.constant 0 : i32
        %dma_start3A_308 = tpu.memref_slice %dma_start3A_305[%dma_start3A_306, %dma_start3A_307] : memref<10240x64xf32, #tpu.memory_space<hbm>> -> memref<10240x64xf32, #tpu.memory_space<hbm>>
        tpu.enqueue_indirect_dma source(%dma_start3A_308 : memref<10240x64xf32, #tpu.memory_space<hbm>>) target(%dma_start3A_298 : memref<128x64xf32, #tpu.memory_space<vmem>>) offsets(%dma_start3A_301 : memref<128xi32, #tpu.memory_space<vmem>>) semaphore(%arg11 : memref<!tpu.dma_semaphore, #tpu.memory_space<semaphore_mem>>)
      } else {
      }
      %mul3A_207 = arith.constant 5 : i32
      %mul3A_208 = arith.muli %mul3A_207, %scan3A_84 : i32
      %add3A_209 = arith.constant 3 : i32
      %add3A_210 = arith.addi %mul3A_208, %add3A_209 : i32
      %dma_wait3A_211 = arith.constant 3 : i32
      %dma_wait3A_212 = arith.constant 0 : i32
      %dma_wait3A_213 = arith.constant 0 : i32
      %dma_wait3A_214 = tpu.memref_slice %arg9[%dma_wait3A_211, %dma_wait3A_212, %dma_wait3A_213] : memref<5x128x64xf32, #tpu.memory_space<vmem>> -> memref<1x128x64xf32, #tpu.memory_space<vmem>>
      %dma_wait3A_215 = tpu.memref_squeeze %dma_wait3A_214 : memref<1x128x64xf32, #tpu.memory_space<vmem>> -> memref<128x64xf32, #tpu.memory_space<vmem>>
      %dma_wait3A_216 = arith.constant 0 : i32
      %dma_wait3A_217 = tpu.memref_slice %arg7[%add3A_210, %dma_wait3A_216] : memref<160x128xi32, #tpu.memory_space<vmem>> -> memref<1x128xi32, #tpu.memory_space<vmem>>
      %dma_wait3A_218 = tpu.memref_squeeze %dma_wait3A_217 : memref<1x128xi32, #tpu.memory_space<vmem>> -> memref<128xi32, #tpu.memory_space<vmem>>
      %dma_wait3A_219 = arith.constant 0 : i32
      %dma_wait3A_220 = arith.constant 0 : i32
      %dma_wait3A_221 = tpu.memref_slice %arg4[%arg0, %dma_wait3A_219, %dma_wait3A_220] : memref<2x10240x64xf32, #tpu.memory_space<hbm>> -> memref<1x10240x64xf32, #tpu.memory_space<hbm>>
      %dma_wait3A_222 = tpu.memref_squeeze %dma_wait3A_221 : memref<1x10240x64xf32, #tpu.memory_space<hbm>> -> memref<10240x64xf32, #tpu.memory_space<hbm>>
      %dma_wait3A_223 = arith.constant 0 : i32
      %dma_wait3A_224 = arith.constant 0 : i32
      %dma_wait3A_225 = tpu.memref_slice %dma_wait3A_222[%dma_wait3A_223, %dma_wait3A_224] : memref<10240x64xf32, #tpu.memory_space<hbm>> -> memref<10240x64xf32, #tpu.memory_space<hbm>>
      tpu.wait_indirect_dma semaphore(%arg11 : memref<!tpu.dma_semaphore, #tpu.memory_space<semaphore_mem>>) src(%dma_wait3A_225 : memref<10240x64xf32, #tpu.memory_space<hbm>>) dst(%dma_wait3A_215 : memref<128x64xf32, #tpu.memory_space<vmem>>)
      %dma_start3A_226 = arith.constant 3 : i32
      %dma_start3A_227 = arith.constant 0 : i32
      %dma_start3A_228 = arith.constant 0 : i32
      %dma_start3A_229 = tpu.memref_slice %arg9[%dma_start3A_226, %dma_start3A_227, %dma_start3A_228] : memref<5x128x64xf32, #tpu.memory_space<vmem>> -> memref<1x128x64xf32, #tpu.memory_space<vmem>>
      %dma_start3A_230 = tpu.memref_squeeze %dma_start3A_229 : memref<1x128x64xf32, #tpu.memory_space<vmem>> -> memref<128x64xf32, #tpu.memory_space<vmem>>
      %dma_start3A_231 = arith.constant 0 : i32
      %dma_start3A_232 = tpu.memref_slice %arg8[%add3A_210, %dma_start3A_231] : memref<160x128xi32, #tpu.memory_space<vmem>> -> memref<1x128xi32, #tpu.memory_space<vmem>>
      %dma_start3A_233 = tpu.memref_squeeze %dma_start3A_232 : memref<1x128xi32, #tpu.memory_space<vmem>> -> memref<128xi32, #tpu.memory_space<vmem>>
      %dma_start3A_234 = arith.constant 0 : i32
      %dma_start3A_235 = arith.constant 0 : i32
      %dma_start3A_236 = tpu.memref_slice %arg10[%dma_start3A_234, %dma_start3A_235] : memref<10240x64xf32, #tpu.memory_space<vmem_shared>> -> memref<10240x64xf32, #tpu.memory_space<vmem_shared>>
      tpu.enqueue_indirect_dma source(%dma_start3A_230 : memref<128x64xf32, #tpu.memory_space<vmem>>) target(%dma_start3A_236 : memref<10240x64xf32, #tpu.memory_space<vmem_shared>>) offsets(%dma_start3A_233 : memref<128xi32, #tpu.memory_space<vmem>>) semaphore(%arg12 : memref<!tpu.dma_semaphore, #tpu.memory_space<semaphore_mem>>) {add = true}
      %ge3A_237 = arith.constant 2 : i32
      %ge3A_238 = arith.cmpi sge, %add3A_210, %ge3A_237 : i32
      %convert_element_type3A_239 = arith.extui %ge3A_238 : i1 to i32
      %cond3A_240 = arith.constant 0 : i32
      %cond3A_241 = arith.cmpi ne, %convert_element_type3A_239, %cond3A_240 : i32
      scf.if %cond3A_241 {
        %dma_wait3A_292 = arith.constant 1 : i32
        %dma_wait3A_293 = arith.constant 0 : i32
        %dma_wait3A_294 = arith.constant 0 : i32
        %dma_wait3A_295 = arith.constant 0 : i32
        %dma_wait3A_296 = tpu.memref_slice %arg9[%dma_wait3A_292, %dma_wait3A_294, %dma_wait3A_295] : memref<5x128x64xf32, #tpu.memory_space<vmem>> -> memref<1x128x64xf32, #tpu.memory_space<vmem>>
        %dma_wait3A_297 = tpu.memref_squeeze %dma_wait3A_296 : memref<1x128x64xf32, #tpu.memory_space<vmem>> -> memref<128x64xf32, #tpu.memory_space<vmem>>
        %dma_wait3A_298 = arith.constant 0 : i32
        %dma_wait3A_299 = tpu.memref_slice %arg8[%dma_wait3A_293, %dma_wait3A_298] : memref<160x128xi32, #tpu.memory_space<vmem>> -> memref<1x128xi32, #tpu.memory_space<vmem>>
        %dma_wait3A_300 = tpu.memref_squeeze %dma_wait3A_299 : memref<1x128xi32, #tpu.memory_space<vmem>> -> memref<128xi32, #tpu.memory_space<vmem>>
        %dma_wait3A_301 = arith.constant 0 : i32
        %dma_wait3A_302 = arith.constant 0 : i32
        %dma_wait3A_303 = tpu.memref_slice %arg10[%dma_wait3A_301, %dma_wait3A_302] : memref<10240x64xf32, #tpu.memory_space<vmem_shared>> -> memref<10240x64xf32, #tpu.memory_space<vmem_shared>>
        tpu.wait_indirect_dma semaphore(%arg12 : memref<!tpu.dma_semaphore, #tpu.memory_space<semaphore_mem>>) src(%dma_wait3A_297 : memref<128x64xf32, #tpu.memory_space<vmem>>) dst(%dma_wait3A_303 : memref<10240x64xf32, #tpu.memory_space<vmem_shared>>)
      } else {
      }
      %add3A_242 = arith.constant 3 : i32
      %add3A_243 = arith.addi %add3A_210, %add3A_242 : i32
      %lt3A_244 = arith.constant 160 : i32
      %lt3A_245 = arith.cmpi slt, %add3A_243, %lt3A_244 : i32
      %convert_element_type3A_246 = arith.extui %lt3A_245 : i1 to i32
      %cond3A_247 = arith.constant 0 : i32
      %cond3A_248 = arith.cmpi ne, %convert_element_type3A_246, %cond3A_247 : i32
      scf.if %cond3A_248 {
        %add3A_292 = arith.constant 3 : i32
        %add3A_293 = arith.addi %add3A_210, %add3A_292 : i32
        %dma_start3A_294 = arith.constant 1 : i32
        %dma_start3A_295 = arith.constant 0 : i32
        %dma_start3A_296 = arith.constant 0 : i32
        %dma_start3A_297 = tpu.memref_slice %arg9[%dma_start3A_294, %dma_start3A_295, %dma_start3A_296] : memref<5x128x64xf32, #tpu.memory_space<vmem>> -> memref<1x128x64xf32, #tpu.memory_space<vmem>>
        %dma_start3A_298 = tpu.memref_squeeze %dma_start3A_297 : memref<1x128x64xf32, #tpu.memory_space<vmem>> -> memref<128x64xf32, #tpu.memory_space<vmem>>
        %dma_start3A_299 = arith.constant 0 : i32
        %dma_start3A_300 = tpu.memref_slice %arg7[%add3A_293, %dma_start3A_299] : memref<160x128xi32, #tpu.memory_space<vmem>> -> memref<1x128xi32, #tpu.memory_space<vmem>>
        %dma_start3A_301 = tpu.memref_squeeze %dma_start3A_300 : memref<1x128xi32, #tpu.memory_space<vmem>> -> memref<128xi32, #tpu.memory_space<vmem>>
        %dma_start3A_302 = arith.constant 0 : i32
        %dma_start3A_303 = arith.constant 0 : i32
        %dma_start3A_304 = tpu.memref_slice %arg4[%arg0, %dma_start3A_302, %dma_start3A_303] : memref<2x10240x64xf32, #tpu.memory_space<hbm>> -> memref<1x10240x64xf32, #tpu.memory_space<hbm>>
        %dma_start3A_305 = tpu.memref_squeeze %dma_start3A_304 : memref<1x10240x64xf32, #tpu.memory_space<hbm>> -> memref<10240x64xf32, #tpu.memory_space<hbm>>
        %dma_start3A_306 = arith.constant 0 : i32
        %dma_start3A_307 = arith.constant 0 : i32
        %dma_start3A_308 = tpu.memref_slice %dma_start3A_305[%dma_start3A_306, %dma_start3A_307] : memref<10240x64xf32, #tpu.memory_space<hbm>> -> memref<10240x64xf32, #tpu.memory_space<hbm>>
        tpu.enqueue_indirect_dma source(%dma_start3A_308 : memref<10240x64xf32, #tpu.memory_space<hbm>>) target(%dma_start3A_298 : memref<128x64xf32, #tpu.memory_space<vmem>>) offsets(%dma_start3A_301 : memref<128xi32, #tpu.memory_space<vmem>>) semaphore(%arg11 : memref<!tpu.dma_semaphore, #tpu.memory_space<semaphore_mem>>)
      } else {
      }
      %mul3A_249 = arith.constant 5 : i32
      %mul3A_250 = arith.muli %mul3A_249, %scan3A_84 : i32
      %add3A_251 = arith.constant 4 : i32
      %add3A_252 = arith.addi %mul3A_250, %add3A_251 : i32
      %dma_wait3A_253 = arith.constant 4 : i32
      %dma_wait3A_254 = arith.constant 0 : i32
      %dma_wait3A_255 = arith.constant 0 : i32
      %dma_wait3A_256 = tpu.memref_slice %arg9[%dma_wait3A_253, %dma_wait3A_254, %dma_wait3A_255] : memref<5x128x64xf32, #tpu.memory_space<vmem>> -> memref<1x128x64xf32, #tpu.memory_space<vmem>>
      %dma_wait3A_257 = tpu.memref_squeeze %dma_wait3A_256 : memref<1x128x64xf32, #tpu.memory_space<vmem>> -> memref<128x64xf32, #tpu.memory_space<vmem>>
      %dma_wait3A_258 = arith.constant 0 : i32
      %dma_wait3A_259 = tpu.memref_slice %arg7[%add3A_252, %dma_wait3A_258] : memref<160x128xi32, #tpu.memory_space<vmem>> -> memref<1x128xi32, #tpu.memory_space<vmem>>
      %dma_wait3A_260 = tpu.memref_squeeze %dma_wait3A_259 : memref<1x128xi32, #tpu.memory_space<vmem>> -> memref<128xi32, #tpu.memory_space<vmem>>
      %dma_wait3A_261 = arith.constant 0 : i32
      %dma_wait3A_262 = arith.constant 0 : i32
      %dma_wait3A_263 = tpu.memref_slice %arg4[%arg0, %dma_wait3A_261, %dma_wait3A_262] : memref<2x10240x64xf32, #tpu.memory_space<hbm>> -> memref<1x10240x64xf32, #tpu.memory_space<hbm>>
      %dma_wait3A_264 = tpu.memref_squeeze %dma_wait3A_263 : memref<1x10240x64xf32, #tpu.memory_space<hbm>> -> memref<10240x64xf32, #tpu.memory_space<hbm>>
      %dma_wait3A_265 = arith.constant 0 : i32
      %dma_wait3A_266 = arith.constant 0 : i32
      %dma_wait3A_267 = tpu.memref_slice %dma_wait3A_264[%dma_wait3A_265, %dma_wait3A_266] : memref<10240x64xf32, #tpu.memory_space<hbm>> -> memref<10240x64xf32, #tpu.memory_space<hbm>>
      tpu.wait_indirect_dma semaphore(%arg11 : memref<!tpu.dma_semaphore, #tpu.memory_space<semaphore_mem>>) src(%dma_wait3A_267 : memref<10240x64xf32, #tpu.memory_space<hbm>>) dst(%dma_wait3A_257 : memref<128x64xf32, #tpu.memory_space<vmem>>)
      %dma_start3A_268 = arith.constant 4 : i32
      %dma_start3A_269 = arith.constant 0 : i32
      %dma_start3A_270 = arith.constant 0 : i32
      %dma_start3A_271 = tpu.memref_slice %arg9[%dma_start3A_268, %dma_start3A_269, %dma_start3A_270] : memref<5x128x64xf32, #tpu.memory_space<vmem>> -> memref<1x128x64xf32, #tpu.memory_space<vmem>>
      %dma_start3A_272 = tpu.memref_squeeze %dma_start3A_271 : memref<1x128x64xf32, #tpu.memory_space<vmem>> -> memref<128x64xf32, #tpu.memory_space<vmem>>
      %dma_start3A_273 = arith.constant 0 : i32
      %dma_start3A_274 = tpu.memref_slice %arg8[%add3A_252, %dma_start3A_273] : memref<160x128xi32, #tpu.memory_space<vmem>> -> memref<1x128xi32, #tpu.memory_space<vmem>>
      %dma_start3A_275 = tpu.memref_squeeze %dma_start3A_274 : memref<1x128xi32, #tpu.memory_space<vmem>> -> memref<128xi32, #tpu.memory_space<vmem>>
      %dma_start3A_276 = arith.constant 0 : i32
      %dma_start3A_277 = arith.constant 0 : i32
      %dma_start3A_278 = tpu.memref_slice %arg10[%dma_start3A_276, %dma_start3A_277] : memref<10240x64xf32, #tpu.memory_space<vmem_shared>> -> memref<10240x64xf32, #tpu.memory_space<vmem_shared>>
      tpu.enqueue_indirect_dma source(%dma_start3A_272 : memref<128x64xf32, #tpu.memory_space<vmem>>) target(%dma_start3A_278 : memref<10240x64xf32, #tpu.memory_space<vmem_shared>>) offsets(%dma_start3A_275 : memref<128xi32, #tpu.memory_space<vmem>>) semaphore(%arg12 : memref<!tpu.dma_semaphore, #tpu.memory_space<semaphore_mem>>) {add = true}
      %ge3A_279 = arith.constant 2 : i32
      %ge3A_280 = arith.cmpi sge, %add3A_252, %ge3A_279 : i32
      %convert_element_type3A_281 = arith.extui %ge3A_280 : i1 to i32
      %cond3A_282 = arith.constant 0 : i32
      %cond3A_283 = arith.cmpi ne, %convert_element_type3A_281, %cond3A_282 : i32
      scf.if %cond3A_283 {
        %dma_wait3A_292 = arith.constant 2 : i32
        %dma_wait3A_293 = arith.constant 0 : i32
        %dma_wait3A_294 = arith.constant 0 : i32
        %dma_wait3A_295 = arith.constant 0 : i32
        %dma_wait3A_296 = tpu.memref_slice %arg9[%dma_wait3A_292, %dma_wait3A_294, %dma_wait3A_295] : memref<5x128x64xf32, #tpu.memory_space<vmem>> -> memref<1x128x64xf32, #tpu.memory_space<vmem>>
        %dma_wait3A_297 = tpu.memref_squeeze %dma_wait3A_296 : memref<1x128x64xf32, #tpu.memory_space<vmem>> -> memref<128x64xf32, #tpu.memory_space<vmem>>
        %dma_wait3A_298 = arith.constant 0 : i32
        %dma_wait3A_299 = tpu.memref_slice %arg8[%dma_wait3A_293, %dma_wait3A_298] : memref<160x128xi32, #tpu.memory_space<vmem>> -> memref<1x128xi32, #tpu.memory_space<vmem>>
        %dma_wait3A_300 = tpu.memref_squeeze %dma_wait3A_299 : memref<1x128xi32, #tpu.memory_space<vmem>> -> memref<128xi32, #tpu.memory_space<vmem>>
        %dma_wait3A_301 = arith.constant 0 : i32
        %dma_wait3A_302 = arith.constant 0 : i32
        %dma_wait3A_303 = tpu.memref_slice %arg10[%dma_wait3A_301, %dma_wait3A_302] : memref<10240x64xf32, #tpu.memory_space<vmem_shared>> -> memref<10240x64xf32, #tpu.memory_space<vmem_shared>>
        tpu.wait_indirect_dma semaphore(%arg12 : memref<!tpu.dma_semaphore, #tpu.memory_space<semaphore_mem>>) src(%dma_wait3A_297 : memref<128x64xf32, #tpu.memory_space<vmem>>) dst(%dma_wait3A_303 : memref<10240x64xf32, #tpu.memory_space<vmem_shared>>)
      } else {
      }
      %add3A_284 = arith.constant 3 : i32
      %add3A_285 = arith.addi %add3A_252, %add3A_284 : i32
      %lt3A_286 = arith.constant 160 : i32
      %lt3A_287 = arith.cmpi slt, %add3A_285, %lt3A_286 : i32
      %convert_element_type3A_288 = arith.extui %lt3A_287 : i1 to i32
      %cond3A_289 = arith.constant 0 : i32
      %cond3A_290 = arith.cmpi ne, %convert_element_type3A_288, %cond3A_289 : i32
      scf.if %cond3A_290 {
        %add3A_292 = arith.constant 3 : i32
        %add3A_293 = arith.addi %add3A_252, %add3A_292 : i32
        %dma_start3A_294 = arith.constant 2 : i32
        %dma_start3A_295 = arith.constant 0 : i32
        %dma_start3A_296 = arith.constant 0 : i32
        %dma_start3A_297 = tpu.memref_slice %arg9[%dma_start3A_294, %dma_start3A_295, %dma_start3A_296] : memref<5x128x64xf32, #tpu.memory_space<vmem>> -> memref<1x128x64xf32, #tpu.memory_space<vmem>>
        %dma_start3A_298 = tpu.memref_squeeze %dma_start3A_297 : memref<1x128x64xf32, #tpu.memory_space<vmem>> -> memref<128x64xf32, #tpu.memory_space<vmem>>
        %dma_start3A_299 = arith.constant 0 : i32
        %dma_start3A_300 = tpu.memref_slice %arg7[%add3A_293, %dma_start3A_299] : memref<160x128xi32, #tpu.memory_space<vmem>> -> memref<1x128xi32, #tpu.memory_space<vmem>>
        %dma_start3A_301 = tpu.memref_squeeze %dma_start3A_300 : memref<1x128xi32, #tpu.memory_space<vmem>> -> memref<128xi32, #tpu.memory_space<vmem>>
        %dma_start3A_302 = arith.constant 0 : i32
        %dma_start3A_303 = arith.constant 0 : i32
        %dma_start3A_304 = tpu.memref_slice %arg4[%arg0, %dma_start3A_302, %dma_start3A_303] : memref<2x10240x64xf32, #tpu.memory_space<hbm>> -> memref<1x10240x64xf32, #tpu.memory_space<hbm>>
        %dma_start3A_305 = tpu.memref_squeeze %dma_start3A_304 : memref<1x10240x64xf32, #tpu.memory_space<hbm>> -> memref<10240x64xf32, #tpu.memory_space<hbm>>
        %dma_start3A_306 = arith.constant 0 : i32
        %dma_start3A_307 = arith.constant 0 : i32
        %dma_start3A_308 = tpu.memref_slice %dma_start3A_305[%dma_start3A_306, %dma_start3A_307] : memref<10240x64xf32, #tpu.memory_space<hbm>> -> memref<10240x64xf32, #tpu.memory_space<hbm>>
        tpu.enqueue_indirect_dma source(%dma_start3A_308 : memref<10240x64xf32, #tpu.memory_space<hbm>>) target(%dma_start3A_298 : memref<128x64xf32, #tpu.memory_space<vmem>>) offsets(%dma_start3A_301 : memref<128xi32, #tpu.memory_space<vmem>>) semaphore(%arg11 : memref<!tpu.dma_semaphore, #tpu.memory_space<semaphore_mem>>)
      } else {
      }
      %scan3A_291 = arith.constant 0 : i32
      scf.yield %scan3A_291 : i32
    }
    %scan3A_55 = arith.constant 32 : i32
    %dma_wait3A = arith.constant 3 : i32
    %dma_wait3A_56 = arith.constant 0 : i32
    %dma_wait3A_57 = arith.constant 0 : i32
    %dma_wait3A_58 = arith.constant 0 : i32
    %dma_wait3A_59 = tpu.memref_slice %arg9[%dma_wait3A, %dma_wait3A_57, %dma_wait3A_58] : memref<5x128x64xf32, #tpu.memory_space<vmem>> -> memref<1x128x64xf32, #tpu.memory_space<vmem>>
    %dma_wait3A_60 = tpu.memref_squeeze %dma_wait3A_59 : memref<1x128x64xf32, #tpu.memory_space<vmem>> -> memref<128x64xf32, #tpu.memory_space<vmem>>
    %dma_wait3A_61 = arith.constant 0 : i32
    %dma_wait3A_62 = tpu.memref_slice %arg8[%dma_wait3A_56, %dma_wait3A_61] : memref<160x128xi32, #tpu.memory_space<vmem>> -> memref<1x128xi32, #tpu.memory_space<vmem>>
    %dma_wait3A_63 = tpu.memref_squeeze %dma_wait3A_62 : memref<1x128xi32, #tpu.memory_space<vmem>> -> memref<128xi32, #tpu.memory_space<vmem>>
    %dma_wait3A_64 = arith.constant 0 : i32
    %dma_wait3A_65 = arith.constant 0 : i32
    %dma_wait3A_66 = tpu.memref_slice %arg10[%dma_wait3A_64, %dma_wait3A_65] : memref<10240x64xf32, #tpu.memory_space<vmem_shared>> -> memref<10240x64xf32, #tpu.memory_space<vmem_shared>>
    tpu.wait_indirect_dma semaphore(%arg12 : memref<!tpu.dma_semaphore, #tpu.memory_space<semaphore_mem>>) src(%dma_wait3A_60 : memref<128x64xf32, #tpu.memory_space<vmem>>) dst(%dma_wait3A_66 : memref<10240x64xf32, #tpu.memory_space<vmem_shared>>)
    %dma_wait3A_67 = arith.constant 4 : i32
    %dma_wait3A_68 = arith.constant 0 : i32
    %dma_wait3A_69 = arith.constant 0 : i32
    %dma_wait3A_70 = arith.constant 0 : i32
    %dma_wait3A_71 = tpu.memref_slice %arg9[%dma_wait3A_67, %dma_wait3A_69, %dma_wait3A_70] : memref<5x128x64xf32, #tpu.memory_space<vmem>> -> memref<1x128x64xf32, #tpu.memory_space<vmem>>
    %dma_wait3A_72 = tpu.memref_squeeze %dma_wait3A_71 : memref<1x128x64xf32, #tpu.memory_space<vmem>> -> memref<128x64xf32, #tpu.memory_space<vmem>>
    %dma_wait3A_73 = arith.constant 0 : i32
    %dma_wait3A_74 = tpu.memref_slice %arg8[%dma_wait3A_68, %dma_wait3A_73] : memref<160x128xi32, #tpu.memory_space<vmem>> -> memref<1x128xi32, #tpu.memory_space<vmem>>
    %dma_wait3A_75 = tpu.memref_squeeze %dma_wait3A_74 : memref<1x128xi32, #tpu.memory_space<vmem>> -> memref<128xi32, #tpu.memory_space<vmem>>
    %dma_wait3A_76 = arith.constant 0 : i32
    %dma_wait3A_77 = arith.constant 0 : i32
    %dma_wait3A_78 = tpu.memref_slice %arg10[%dma_wait3A_76, %dma_wait3A_77] : memref<10240x64xf32, #tpu.memory_space<vmem_shared>> -> memref<10240x64xf32, #tpu.memory_space<vmem_shared>>
    tpu.wait_indirect_dma semaphore(%arg12 : memref<!tpu.dma_semaphore, #tpu.memory_space<semaphore_mem>>) src(%dma_wait3A_72 : memref<128x64xf32, #tpu.memory_space<vmem>>) dst(%dma_wait3A_78 : memref<10240x64xf32, #tpu.memory_space<vmem_shared>>)
    %barrier3A_79 = arith.constant 0 : index
    tpu.barrier barrier_id(%barrier3A_79)
    %mul3A_80 = arith.constant 640 : i32
    %mul3A_81 = arith.muli %arg1, %mul3A_80 : i32
    %mul3A_82 = arith.constant 640 : i32
    %mul3A_83 = arith.muli %arg1, %mul3A_82 : i32
    "tpu.region"() ({
      %run_scoped3A = tpu.sem_alloc : memref<!tpu.dma_semaphore, #tpu.memory_space<semaphore_mem>>
      %dma_start3A_84 = arith.constant 0 : i32
      %dma_start3A_85 = tpu.memref_slice %arg6[%mul3A_83, %arg0, %dma_start3A_84] : memref<10240x2x64xf32, #tpu.memory_space<hbm>> -> memref<640x1x64xf32, #tpu.memory_space<hbm>>
      %dma_start3A_86 = tpu.memref_squeeze %dma_start3A_85 : memref<640x1x64xf32, #tpu.memory_space<hbm>> -> memref<640x64xf32, #tpu.memory_space<hbm>>
      %dma_start3A_87 = arith.constant 0 : i32
      %dma_start3A_88 = tpu.memref_slice %arg10[%mul3A_81, %dma_start3A_87] : memref<10240x64xf32, #tpu.memory_space<vmem_shared>> -> memref<640x64xf32, #tpu.memory_space<vmem_shared>>
      tpu.enqueue_dma source(%dma_start3A_88 : memref<640x64xf32, #tpu.memory_space<vmem_shared>>) target(%dma_start3A_86 : memref<640x64xf32, #tpu.memory_space<hbm>>) target_semaphore(%run_scoped3A : memref<!tpu.dma_semaphore, #tpu.memory_space<semaphore_mem>>)
      %dma_wait3A_89 = arith.constant 0 : i32
      %dma_wait3A_90 = tpu.memref_slice %arg6[%mul3A_83, %arg0, %dma_wait3A_89] : memref<10240x2x64xf32, #tpu.memory_space<hbm>> -> memref<640x1x64xf32, #tpu.memory_space<hbm>>
      %dma_wait3A_91 = tpu.memref_squeeze %dma_wait3A_90 : memref<640x1x64xf32, #tpu.memory_space<hbm>> -> memref<640x64xf32, #tpu.memory_space<hbm>>
      %dma_wait3A_92 = arith.constant 0 : i32
      %dma_wait3A_93 = tpu.memref_slice %arg10[%mul3A_81, %dma_wait3A_92] : memref<10240x64xf32, #tpu.memory_space<vmem_shared>> -> memref<640x64xf32, #tpu.memory_space<vmem_shared>>
      tpu.wait_dma2 semaphore(%run_scoped3A : memref<!tpu.dma_semaphore, #tpu.memory_space<semaphore_mem>>) src(%dma_wait3A_93 : memref<640x64xf32, #tpu.memory_space<vmem_shared>>) dst(%dma_wait3A_91 : memref<640x64xf32, #tpu.memory_space<hbm>>)
      tpu.yield
    }) : () -> ()
    return
  }
}

#map = affine_map<(d0, d1) -> (0, 0, 0)>
#map1 = affine_map<(d0, d1) -> (0, 0)>
module attributes {stable_mosaic.version = 14 : i64} {
  func.func @_sc_agg(%arg0: i32, %arg1: i32, %arg2: memref<16x160x128xi32, #tpu.memory_space<hbm>>, %arg3: memref<16x160x128xi32, #tpu.memory_space<hbm>>, %arg4: memref<2x10240x64xf32, #tpu.memory_space<hbm>>, %arg5: memref<10240x64xf32, #tpu.memory_space<hbm>>, %arg6: memref<10240x2x64xf32, #tpu.memory_space<hbm>>, %arg7: memref<160x128xi32, #tpu.memory_space<vmem>>, %arg8: memref<160x128xi32, #tpu.memory_space<vmem>>, %arg9: memref<5x128x64xf32, #tpu.memory_space<vmem>>, %arg10: memref<10240x64xf32, #tpu.memory_space<vmem_shared>>, %arg11: memref<!tpu.dma_semaphore, #tpu.memory_space<semaphore_mem>>, %arg12: memref<!tpu.dma_semaphore, #tpu.memory_space<semaphore_mem>>) attributes {dimension_semantics = [#tpu.dimension_semantics<core_parallel>, #tpu.dimension_semantics<subcore_parallel>], iteration_bounds = array<i64: 2, 16>, scalar_prefetch = 0 : i64, scratch_operands = 6 : i64, tpu.core_type = #tpu.core_type<sc_vector_subcore>, window_params = [{transform_indices = #map}, {transform_indices = #map}, {transform_indices = #map}, {transform_indices = #map1}, {transform_indices = #map}]} {
    "tpu.region"() ({
      %run_scoped3A = tpu.sem_alloc : memref<!tpu.dma_semaphore, #tpu.memory_space<semaphore_mem>>
      %dma_start3A_84 = arith.constant 0 : i32
      %dma_start3A_85 = arith.constant 0 : i32
      %dma_start3A_86 = tpu.memref_slice %arg2[%arg1, %dma_start3A_84, %dma_start3A_85] : memref<16x160x128xi32, #tpu.memory_space<hbm>> -> memref<1x160x128xi32, #tpu.memory_space<hbm>>
      %dma_start3A_87 = tpu.memref_squeeze %dma_start3A_86 : memref<1x160x128xi32, #tpu.memory_space<hbm>> -> memref<160x128xi32, #tpu.memory_space<hbm>>
      %dma_start3A_88 = arith.constant 0 : i32
      %dma_start3A_89 = arith.constant 0 : i32
      %dma_start3A_90 = tpu.memref_slice %arg2[%arg1, %dma_start3A_88, %dma_start3A_89] : memref<16x160x128xi32, #tpu.memory_space<hbm>> -> memref<1x160x128xi32, #tpu.memory_space<hbm>>
      %dma_start3A_91 = tpu.memref_squeeze %dma_start3A_90 : memref<1x160x128xi32, #tpu.memory_space<hbm>> -> memref<160x128xi32, #tpu.memory_space<hbm>>
      tpu.enqueue_dma source(%dma_start3A_91 : memref<160x128xi32, #tpu.memory_space<hbm>>) target(%arg7 : memref<160x128xi32, #tpu.memory_space<vmem>>) target_semaphore(%run_scoped3A : memref<!tpu.dma_semaphore, #tpu.memory_space<semaphore_mem>>)
      %dma_wait3A_92 = arith.constant 0 : i32
      %dma_wait3A_93 = arith.constant 0 : i32
      %dma_wait3A_94 = tpu.memref_slice %arg2[%arg1, %dma_wait3A_92, %dma_wait3A_93] : memref<16x160x128xi32, #tpu.memory_space<hbm>> -> memref<1x160x128xi32, #tpu.memory_space<hbm>>
      %dma_wait3A_95 = tpu.memref_squeeze %dma_wait3A_94 : memref<1x160x128xi32, #tpu.memory_space<hbm>> -> memref<160x128xi32, #tpu.memory_space<hbm>>
      %dma_wait3A_96 = arith.constant 0 : i32
      %dma_wait3A_97 = arith.constant 0 : i32
      %dma_wait3A_98 = tpu.memref_slice %arg2[%arg1, %dma_wait3A_96, %dma_wait3A_97] : memref<16x160x128xi32, #tpu.memory_space<hbm>> -> memref<1x160x128xi32, #tpu.memory_space<hbm>>
      %dma_wait3A_99 = tpu.memref_squeeze %dma_wait3A_98 : memref<1x160x128xi32, #tpu.memory_space<hbm>> -> memref<160x128xi32, #tpu.memory_space<hbm>>
      tpu.wait_dma2 semaphore(%run_scoped3A : memref<!tpu.dma_semaphore, #tpu.memory_space<semaphore_mem>>) src(%dma_wait3A_99 : memref<160x128xi32, #tpu.memory_space<hbm>>) dst(%arg7 : memref<160x128xi32, #tpu.memory_space<vmem>>)
      tpu.yield
    }) : () -> ()
    "tpu.region"() ({
      %run_scoped3A = tpu.sem_alloc : memref<!tpu.dma_semaphore, #tpu.memory_space<semaphore_mem>>
      %dma_start3A_84 = arith.constant 0 : i32
      %dma_start3A_85 = arith.constant 0 : i32
      %dma_start3A_86 = tpu.memref_slice %arg3[%arg1, %dma_start3A_84, %dma_start3A_85] : memref<16x160x128xi32, #tpu.memory_space<hbm>> -> memref<1x160x128xi32, #tpu.memory_space<hbm>>
      %dma_start3A_87 = tpu.memref_squeeze %dma_start3A_86 : memref<1x160x128xi32, #tpu.memory_space<hbm>> -> memref<160x128xi32, #tpu.memory_space<hbm>>
      %dma_start3A_88 = arith.constant 0 : i32
      %dma_start3A_89 = arith.constant 0 : i32
      %dma_start3A_90 = tpu.memref_slice %arg3[%arg1, %dma_start3A_88, %dma_start3A_89] : memref<16x160x128xi32, #tpu.memory_space<hbm>> -> memref<1x160x128xi32, #tpu.memory_space<hbm>>
      %dma_start3A_91 = tpu.memref_squeeze %dma_start3A_90 : memref<1x160x128xi32, #tpu.memory_space<hbm>> -> memref<160x128xi32, #tpu.memory_space<hbm>>
      tpu.enqueue_dma source(%dma_start3A_91 : memref<160x128xi32, #tpu.memory_space<hbm>>) target(%arg8 : memref<160x128xi32, #tpu.memory_space<vmem>>) target_semaphore(%run_scoped3A : memref<!tpu.dma_semaphore, #tpu.memory_space<semaphore_mem>>)
      %dma_wait3A_92 = arith.constant 0 : i32
      %dma_wait3A_93 = arith.constant 0 : i32
      %dma_wait3A_94 = tpu.memref_slice %arg3[%arg1, %dma_wait3A_92, %dma_wait3A_93] : memref<16x160x128xi32, #tpu.memory_space<hbm>> -> memref<1x160x128xi32, #tpu.memory_space<hbm>>
      %dma_wait3A_95 = tpu.memref_squeeze %dma_wait3A_94 : memref<1x160x128xi32, #tpu.memory_space<hbm>> -> memref<160x128xi32, #tpu.memory_space<hbm>>
      %dma_wait3A_96 = arith.constant 0 : i32
      %dma_wait3A_97 = arith.constant 0 : i32
      %dma_wait3A_98 = tpu.memref_slice %arg3[%arg1, %dma_wait3A_96, %dma_wait3A_97] : memref<16x160x128xi32, #tpu.memory_space<hbm>> -> memref<1x160x128xi32, #tpu.memory_space<hbm>>
      %dma_wait3A_99 = tpu.memref_squeeze %dma_wait3A_98 : memref<1x160x128xi32, #tpu.memory_space<hbm>> -> memref<160x128xi32, #tpu.memory_space<hbm>>
      tpu.wait_dma2 semaphore(%run_scoped3A : memref<!tpu.dma_semaphore, #tpu.memory_space<semaphore_mem>>) src(%dma_wait3A_99 : memref<160x128xi32, #tpu.memory_space<hbm>>) dst(%arg8 : memref<160x128xi32, #tpu.memory_space<vmem>>)
      tpu.yield
    }) : () -> ()
    %mul3A = arith.constant 640 : i32
    %mul3A_0 = arith.muli %arg1, %mul3A : i32
    %mul3A_1 = arith.constant 640 : i32
    %mul3A_2 = arith.muli %arg1, %mul3A_1 : i32
    "tpu.region"() ({
      %run_scoped3A = tpu.sem_alloc : memref<!tpu.dma_semaphore, #tpu.memory_space<semaphore_mem>>
      %dma_start3A_84 = arith.constant 0 : i32
      %dma_start3A_85 = tpu.memref_slice %arg10[%mul3A_2, %dma_start3A_84] : memref<10240x64xf32, #tpu.memory_space<vmem_shared>> -> memref<640x64xf32, #tpu.memory_space<vmem_shared>>
      %dma_start3A_86 = arith.constant 0 : i32
      %dma_start3A_87 = tpu.memref_slice %arg5[%mul3A_0, %dma_start3A_86] : memref<10240x64xf32, #tpu.memory_space<hbm>> -> memref<640x64xf32, #tpu.memory_space<hbm>>
      tpu.enqueue_dma source(%dma_start3A_87 : memref<640x64xf32, #tpu.memory_space<hbm>>) target(%dma_start3A_85 : memref<640x64xf32, #tpu.memory_space<vmem_shared>>) target_semaphore(%run_scoped3A : memref<!tpu.dma_semaphore, #tpu.memory_space<semaphore_mem>>)
      %dma_wait3A_88 = arith.constant 0 : i32
      %dma_wait3A_89 = tpu.memref_slice %arg10[%mul3A_2, %dma_wait3A_88] : memref<10240x64xf32, #tpu.memory_space<vmem_shared>> -> memref<640x64xf32, #tpu.memory_space<vmem_shared>>
      %dma_wait3A_90 = arith.constant 0 : i32
      %dma_wait3A_91 = tpu.memref_slice %arg5[%mul3A_0, %dma_wait3A_90] : memref<10240x64xf32, #tpu.memory_space<hbm>> -> memref<640x64xf32, #tpu.memory_space<hbm>>
      tpu.wait_dma2 semaphore(%run_scoped3A : memref<!tpu.dma_semaphore, #tpu.memory_space<semaphore_mem>>) src(%dma_wait3A_91 : memref<640x64xf32, #tpu.memory_space<hbm>>) dst(%dma_wait3A_89 : memref<640x64xf32, #tpu.memory_space<vmem_shared>>)
      tpu.yield
    }) : () -> ()
    %barrier3A = arith.constant 0 : index
    tpu.barrier barrier_id(%barrier3A)
    %dma_start3A = arith.constant 0 : i32
    %dma_start3A_3 = arith.constant 0 : i32
    %dma_start3A_4 = arith.constant 0 : i32
    %dma_start3A_5 = arith.constant 0 : i32
    %dma_start3A_6 = tpu.memref_slice %arg9[%dma_start3A_3, %dma_start3A_4, %dma_start3A_5] : memref<5x128x64xf32, #tpu.memory_space<vmem>> -> memref<1x128x64xf32, #tpu.memory_space<vmem>>
    %dma_start3A_7 = tpu.memref_squeeze %dma_start3A_6 : memref<1x128x64xf32, #tpu.memory_space<vmem>> -> memref<128x64xf32, #tpu.memory_space<vmem>>
    %dma_start3A_8 = arith.constant 0 : i32
    %dma_start3A_9 = tpu.memref_slice %arg7[%dma_start3A, %dma_start3A_8] : memref<160x128xi32, #tpu.memory_space<vmem>> -> memref<1x128xi32, #tpu.memory_space<vmem>>
    %dma_start3A_10 = tpu.memref_squeeze %dma_start3A_9 : memref<1x128xi32, #tpu.memory_space<vmem>> -> memref<128xi32, #tpu.memory_space<vmem>>
    %dma_start3A_11 = arith.constant 0 : i32
    %dma_start3A_12 = arith.constant 0 : i32
    %dma_start3A_13 = tpu.memref_slice %arg4[%arg0, %dma_start3A_11, %dma_start3A_12] : memref<2x10240x64xf32, #tpu.memory_space<hbm>> -> memref<1x10240x64xf32, #tpu.memory_space<hbm>>
    %dma_start3A_14 = tpu.memref_squeeze %dma_start3A_13 : memref<1x10240x64xf32, #tpu.memory_space<hbm>> -> memref<10240x64xf32, #tpu.memory_space<hbm>>
    %dma_start3A_15 = arith.constant 0 : i32
    %dma_start3A_16 = arith.constant 0 : i32
    %dma_start3A_17 = tpu.memref_slice %dma_start3A_14[%dma_start3A_15, %dma_start3A_16] : memref<10240x64xf32, #tpu.memory_space<hbm>> -> memref<10240x64xf32, #tpu.memory_space<hbm>>
    tpu.enqueue_indirect_dma source(%dma_start3A_17 : memref<10240x64xf32, #tpu.memory_space<hbm>>) target(%dma_start3A_7 : memref<128x64xf32, #tpu.memory_space<vmem>>) offsets(%dma_start3A_10 : memref<128xi32, #tpu.memory_space<vmem>>) semaphore(%arg11 : memref<!tpu.dma_semaphore, #tpu.memory_space<semaphore_mem>>)
    %dma_start3A_18 = arith.constant 1 : i32
    %dma_start3A_19 = arith.constant 1 : i32
    %dma_start3A_20 = arith.constant 0 : i32
    %dma_start3A_21 = arith.constant 0 : i32
    %dma_start3A_22 = tpu.memref_slice %arg9[%dma_start3A_19, %dma_start3A_20, %dma_start3A_21] : memref<5x128x64xf32, #tpu.memory_space<vmem>> -> memref<1x128x64xf32, #tpu.memory_space<vmem>>
    %dma_start3A_23 = tpu.memref_squeeze %dma_start3A_22 : memref<1x128x64xf32, #tpu.memory_space<vmem>> -> memref<128x64xf32, #tpu.memory_space<vmem>>
    %dma_start3A_24 = arith.constant 0 : i32
    %dma_start3A_25 = tpu.memref_slice %arg7[%dma_start3A_18, %dma_start3A_24] : memref<160x128xi32, #tpu.memory_space<vmem>> -> memref<1x128xi32, #tpu.memory_space<vmem>>
    %dma_start3A_26 = tpu.memref_squeeze %dma_start3A_25 : memref<1x128xi32, #tpu.memory_space<vmem>> -> memref<128xi32, #tpu.memory_space<vmem>>
    %dma_start3A_27 = arith.constant 0 : i32
    %dma_start3A_28 = arith.constant 0 : i32
    %dma_start3A_29 = tpu.memref_slice %arg4[%arg0, %dma_start3A_27, %dma_start3A_28] : memref<2x10240x64xf32, #tpu.memory_space<hbm>> -> memref<1x10240x64xf32, #tpu.memory_space<hbm>>
    %dma_start3A_30 = tpu.memref_squeeze %dma_start3A_29 : memref<1x10240x64xf32, #tpu.memory_space<hbm>> -> memref<10240x64xf32, #tpu.memory_space<hbm>>
    %dma_start3A_31 = arith.constant 0 : i32
    %dma_start3A_32 = arith.constant 0 : i32
    %dma_start3A_33 = tpu.memref_slice %dma_start3A_30[%dma_start3A_31, %dma_start3A_32] : memref<10240x64xf32, #tpu.memory_space<hbm>> -> memref<10240x64xf32, #tpu.memory_space<hbm>>
    tpu.enqueue_indirect_dma source(%dma_start3A_33 : memref<10240x64xf32, #tpu.memory_space<hbm>>) target(%dma_start3A_23 : memref<128x64xf32, #tpu.memory_space<vmem>>) offsets(%dma_start3A_26 : memref<128xi32, #tpu.memory_space<vmem>>) semaphore(%arg11 : memref<!tpu.dma_semaphore, #tpu.memory_space<semaphore_mem>>)
    %dma_start3A_34 = arith.constant 2 : i32
    %dma_start3A_35 = arith.constant 2 : i32
    %dma_start3A_36 = arith.constant 0 : i32
    %dma_start3A_37 = arith.constant 0 : i32
    %dma_start3A_38 = tpu.memref_slice %arg9[%dma_start3A_35, %dma_start3A_36, %dma_start3A_37] : memref<5x128x64xf32, #tpu.memory_space<vmem>> -> memref<1x128x64xf32, #tpu.memory_space<vmem>>
    %dma_start3A_39 = tpu.memref_squeeze %dma_start3A_38 : memref<1x128x64xf32, #tpu.memory_space<vmem>> -> memref<128x64xf32, #tpu.memory_space<vmem>>
    %dma_start3A_40 = arith.constant 0 : i32
    %dma_start3A_41 = tpu.memref_slice %arg7[%dma_start3A_34, %dma_start3A_40] : memref<160x128xi32, #tpu.memory_space<vmem>> -> memref<1x128xi32, #tpu.memory_space<vmem>>
    %dma_start3A_42 = tpu.memref_squeeze %dma_start3A_41 : memref<1x128xi32, #tpu.memory_space<vmem>> -> memref<128xi32, #tpu.memory_space<vmem>>
    %dma_start3A_43 = arith.constant 0 : i32
    %dma_start3A_44 = arith.constant 0 : i32
    %dma_start3A_45 = tpu.memref_slice %arg4[%arg0, %dma_start3A_43, %dma_start3A_44] : memref<2x10240x64xf32, #tpu.memory_space<hbm>> -> memref<1x10240x64xf32, #tpu.memory_space<hbm>>
    %dma_start3A_46 = tpu.memref_squeeze %dma_start3A_45 : memref<1x10240x64xf32, #tpu.memory_space<hbm>> -> memref<10240x64xf32, #tpu.memory_space<hbm>>
    %dma_start3A_47 = arith.constant 0 : i32
    %dma_start3A_48 = arith.constant 0 : i32
    %dma_start3A_49 = tpu.memref_slice %dma_start3A_46[%dma_start3A_47, %dma_start3A_48] : memref<10240x64xf32, #tpu.memory_space<hbm>> -> memref<10240x64xf32, #tpu.memory_space<hbm>>
    tpu.enqueue_indirect_dma source(%dma_start3A_49 : memref<10240x64xf32, #tpu.memory_space<hbm>>) target(%dma_start3A_39 : memref<128x64xf32, #tpu.memory_space<vmem>>) offsets(%dma_start3A_42 : memref<128xi32, #tpu.memory_space<vmem>>) semaphore(%arg11 : memref<!tpu.dma_semaphore, #tpu.memory_space<semaphore_mem>>)
    %scan3A = arith.constant 0 : i32
    %scan3A_50 = arith.constant 0 : i32
    %scan3A_51 = arith.constant 32 : i32
    %scan3A_52 = arith.addi %scan3A_50, %scan3A_51 : i32
    %scan3A_53 = arith.constant 1 : i32
    %scan3A_54 = scf.for %scan3A_84 = %scan3A_50 to %scan3A_52 step %scan3A_53 iter_args(%scan3A_85 = %scan3A) -> (i32)  : i32 {
      %mul3A_86 = arith.constant 5 : i32
      %mul3A_87 = arith.muli %mul3A_86, %scan3A_84 : i32
      %add3A = arith.constant 0 : i32
      %add3A_88 = arith.addi %mul3A_87, %add3A : i32
      %dma_wait3A_89 = arith.constant 0 : i32
      %dma_wait3A_90 = arith.constant 0 : i32
      %dma_wait3A_91 = arith.constant 0 : i32
      %dma_wait3A_92 = tpu.memref_slice %arg9[%dma_wait3A_89, %dma_wait3A_90, %dma_wait3A_91] : memref<5x128x64xf32, #tpu.memory_space<vmem>> -> memref<1x128x64xf32, #tpu.memory_space<vmem>>
      %dma_wait3A_93 = tpu.memref_squeeze %dma_wait3A_92 : memref<1x128x64xf32, #tpu.memory_space<vmem>> -> memref<128x64xf32, #tpu.memory_space<vmem>>
      %dma_wait3A_94 = arith.constant 0 : i32
      %dma_wait3A_95 = tpu.memref_slice %arg7[%add3A_88, %dma_wait3A_94] : memref<160x128xi32, #tpu.memory_space<vmem>> -> memref<1x128xi32, #tpu.memory_space<vmem>>
      %dma_wait3A_96 = tpu.memref_squeeze %dma_wait3A_95 : memref<1x128xi32, #tpu.memory_space<vmem>> -> memref<128xi32, #tpu.memory_space<vmem>>
      %dma_wait3A_97 = arith.constant 0 : i32
      %dma_wait3A_98 = arith.constant 0 : i32
      %dma_wait3A_99 = tpu.memref_slice %arg4[%arg0, %dma_wait3A_97, %dma_wait3A_98] : memref<2x10240x64xf32, #tpu.memory_space<hbm>> -> memref<1x10240x64xf32, #tpu.memory_space<hbm>>
      %dma_wait3A_100 = tpu.memref_squeeze %dma_wait3A_99 : memref<1x10240x64xf32, #tpu.memory_space<hbm>> -> memref<10240x64xf32, #tpu.memory_space<hbm>>
      %dma_wait3A_101 = arith.constant 0 : i32
      %dma_wait3A_102 = arith.constant 0 : i32
      %dma_wait3A_103 = tpu.memref_slice %dma_wait3A_100[%dma_wait3A_101, %dma_wait3A_102] : memref<10240x64xf32, #tpu.memory_space<hbm>> -> memref<10240x64xf32, #tpu.memory_space<hbm>>
      tpu.wait_indirect_dma semaphore(%arg11 : memref<!tpu.dma_semaphore, #tpu.memory_space<semaphore_mem>>) src(%dma_wait3A_103 : memref<10240x64xf32, #tpu.memory_space<hbm>>) dst(%dma_wait3A_93 : memref<128x64xf32, #tpu.memory_space<vmem>>)
      %dma_start3A_104 = arith.constant 0 : i32
      %dma_start3A_105 = arith.constant 0 : i32
      %dma_start3A_106 = arith.constant 0 : i32
      %dma_start3A_107 = tpu.memref_slice %arg9[%dma_start3A_104, %dma_start3A_105, %dma_start3A_106] : memref<5x128x64xf32, #tpu.memory_space<vmem>> -> memref<1x128x64xf32, #tpu.memory_space<vmem>>
      %dma_start3A_108 = tpu.memref_squeeze %dma_start3A_107 : memref<1x128x64xf32, #tpu.memory_space<vmem>> -> memref<128x64xf32, #tpu.memory_space<vmem>>
      %dma_start3A_109 = arith.constant 0 : i32
      %dma_start3A_110 = tpu.memref_slice %arg8[%add3A_88, %dma_start3A_109] : memref<160x128xi32, #tpu.memory_space<vmem>> -> memref<1x128xi32, #tpu.memory_space<vmem>>
      %dma_start3A_111 = tpu.memref_squeeze %dma_start3A_110 : memref<1x128xi32, #tpu.memory_space<vmem>> -> memref<128xi32, #tpu.memory_space<vmem>>
      %dma_start3A_112 = arith.constant 0 : i32
      %dma_start3A_113 = arith.constant 0 : i32
      %dma_start3A_114 = tpu.memref_slice %arg10[%dma_start3A_112, %dma_start3A_113] : memref<10240x64xf32, #tpu.memory_space<vmem_shared>> -> memref<10240x64xf32, #tpu.memory_space<vmem_shared>>
      tpu.enqueue_indirect_dma source(%dma_start3A_108 : memref<128x64xf32, #tpu.memory_space<vmem>>) target(%dma_start3A_114 : memref<10240x64xf32, #tpu.memory_space<vmem_shared>>) offsets(%dma_start3A_111 : memref<128xi32, #tpu.memory_space<vmem>>) semaphore(%arg12 : memref<!tpu.dma_semaphore, #tpu.memory_space<semaphore_mem>>) {add = true}
      %ge3A = arith.constant 2 : i32
      %ge3A_115 = arith.cmpi sge, %add3A_88, %ge3A : i32
      %convert_element_type3A = arith.extui %ge3A_115 : i1 to i32
      %cond3A = arith.constant 0 : i32
      %cond3A_116 = arith.cmpi ne, %convert_element_type3A, %cond3A : i32
      scf.if %cond3A_116 {
        %dma_wait3A_292 = arith.constant 3 : i32
        %dma_wait3A_293 = arith.constant 0 : i32
        %dma_wait3A_294 = arith.constant 0 : i32
        %dma_wait3A_295 = arith.constant 0 : i32
        %dma_wait3A_296 = tpu.memref_slice %arg9[%dma_wait3A_292, %dma_wait3A_294, %dma_wait3A_295] : memref<5x128x64xf32, #tpu.memory_space<vmem>> -> memref<1x128x64xf32, #tpu.memory_space<vmem>>
        %dma_wait3A_297 = tpu.memref_squeeze %dma_wait3A_296 : memref<1x128x64xf32, #tpu.memory_space<vmem>> -> memref<128x64xf32, #tpu.memory_space<vmem>>
        %dma_wait3A_298 = arith.constant 0 : i32
        %dma_wait3A_299 = tpu.memref_slice %arg8[%dma_wait3A_293, %dma_wait3A_298] : memref<160x128xi32, #tpu.memory_space<vmem>> -> memref<1x128xi32, #tpu.memory_space<vmem>>
        %dma_wait3A_300 = tpu.memref_squeeze %dma_wait3A_299 : memref<1x128xi32, #tpu.memory_space<vmem>> -> memref<128xi32, #tpu.memory_space<vmem>>
        %dma_wait3A_301 = arith.constant 0 : i32
        %dma_wait3A_302 = arith.constant 0 : i32
        %dma_wait3A_303 = tpu.memref_slice %arg10[%dma_wait3A_301, %dma_wait3A_302] : memref<10240x64xf32, #tpu.memory_space<vmem_shared>> -> memref<10240x64xf32, #tpu.memory_space<vmem_shared>>
        tpu.wait_indirect_dma semaphore(%arg12 : memref<!tpu.dma_semaphore, #tpu.memory_space<semaphore_mem>>) src(%dma_wait3A_297 : memref<128x64xf32, #tpu.memory_space<vmem>>) dst(%dma_wait3A_303 : memref<10240x64xf32, #tpu.memory_space<vmem_shared>>)
      } else {
      }
      %add3A_117 = arith.constant 3 : i32
      %add3A_118 = arith.addi %add3A_88, %add3A_117 : i32
      %lt3A = arith.constant 160 : i32
      %lt3A_119 = arith.cmpi slt, %add3A_118, %lt3A : i32
      %convert_element_type3A_120 = arith.extui %lt3A_119 : i1 to i32
      %cond3A_121 = arith.constant 0 : i32
      %cond3A_122 = arith.cmpi ne, %convert_element_type3A_120, %cond3A_121 : i32
      scf.if %cond3A_122 {
        %add3A_292 = arith.constant 3 : i32
        %add3A_293 = arith.addi %add3A_88, %add3A_292 : i32
        %dma_start3A_294 = arith.constant 3 : i32
        %dma_start3A_295 = arith.constant 0 : i32
        %dma_start3A_296 = arith.constant 0 : i32
        %dma_start3A_297 = tpu.memref_slice %arg9[%dma_start3A_294, %dma_start3A_295, %dma_start3A_296] : memref<5x128x64xf32, #tpu.memory_space<vmem>> -> memref<1x128x64xf32, #tpu.memory_space<vmem>>
        %dma_start3A_298 = tpu.memref_squeeze %dma_start3A_297 : memref<1x128x64xf32, #tpu.memory_space<vmem>> -> memref<128x64xf32, #tpu.memory_space<vmem>>
        %dma_start3A_299 = arith.constant 0 : i32
        %dma_start3A_300 = tpu.memref_slice %arg7[%add3A_293, %dma_start3A_299] : memref<160x128xi32, #tpu.memory_space<vmem>> -> memref<1x128xi32, #tpu.memory_space<vmem>>
        %dma_start3A_301 = tpu.memref_squeeze %dma_start3A_300 : memref<1x128xi32, #tpu.memory_space<vmem>> -> memref<128xi32, #tpu.memory_space<vmem>>
        %dma_start3A_302 = arith.constant 0 : i32
        %dma_start3A_303 = arith.constant 0 : i32
        %dma_start3A_304 = tpu.memref_slice %arg4[%arg0, %dma_start3A_302, %dma_start3A_303] : memref<2x10240x64xf32, #tpu.memory_space<hbm>> -> memref<1x10240x64xf32, #tpu.memory_space<hbm>>
        %dma_start3A_305 = tpu.memref_squeeze %dma_start3A_304 : memref<1x10240x64xf32, #tpu.memory_space<hbm>> -> memref<10240x64xf32, #tpu.memory_space<hbm>>
        %dma_start3A_306 = arith.constant 0 : i32
        %dma_start3A_307 = arith.constant 0 : i32
        %dma_start3A_308 = tpu.memref_slice %dma_start3A_305[%dma_start3A_306, %dma_start3A_307] : memref<10240x64xf32, #tpu.memory_space<hbm>> -> memref<10240x64xf32, #tpu.memory_space<hbm>>
        tpu.enqueue_indirect_dma source(%dma_start3A_308 : memref<10240x64xf32, #tpu.memory_space<hbm>>) target(%dma_start3A_298 : memref<128x64xf32, #tpu.memory_space<vmem>>) offsets(%dma_start3A_301 : memref<128xi32, #tpu.memory_space<vmem>>) semaphore(%arg11 : memref<!tpu.dma_semaphore, #tpu.memory_space<semaphore_mem>>)
      } else {
      }
      %mul3A_123 = arith.constant 5 : i32
      %mul3A_124 = arith.muli %mul3A_123, %scan3A_84 : i32
      %add3A_125 = arith.constant 1 : i32
      %add3A_126 = arith.addi %mul3A_124, %add3A_125 : i32
      %dma_wait3A_127 = arith.constant 1 : i32
      %dma_wait3A_128 = arith.constant 0 : i32
      %dma_wait3A_129 = arith.constant 0 : i32
      %dma_wait3A_130 = tpu.memref_slice %arg9[%dma_wait3A_127, %dma_wait3A_128, %dma_wait3A_129] : memref<5x128x64xf32, #tpu.memory_space<vmem>> -> memref<1x128x64xf32, #tpu.memory_space<vmem>>
      %dma_wait3A_131 = tpu.memref_squeeze %dma_wait3A_130 : memref<1x128x64xf32, #tpu.memory_space<vmem>> -> memref<128x64xf32, #tpu.memory_space<vmem>>
      %dma_wait3A_132 = arith.constant 0 : i32
      %dma_wait3A_133 = tpu.memref_slice %arg7[%add3A_126, %dma_wait3A_132] : memref<160x128xi32, #tpu.memory_space<vmem>> -> memref<1x128xi32, #tpu.memory_space<vmem>>
      %dma_wait3A_134 = tpu.memref_squeeze %dma_wait3A_133 : memref<1x128xi32, #tpu.memory_space<vmem>> -> memref<128xi32, #tpu.memory_space<vmem>>
      %dma_wait3A_135 = arith.constant 0 : i32
      %dma_wait3A_136 = arith.constant 0 : i32
      %dma_wait3A_137 = tpu.memref_slice %arg4[%arg0, %dma_wait3A_135, %dma_wait3A_136] : memref<2x10240x64xf32, #tpu.memory_space<hbm>> -> memref<1x10240x64xf32, #tpu.memory_space<hbm>>
      %dma_wait3A_138 = tpu.memref_squeeze %dma_wait3A_137 : memref<1x10240x64xf32, #tpu.memory_space<hbm>> -> memref<10240x64xf32, #tpu.memory_space<hbm>>
      %dma_wait3A_139 = arith.constant 0 : i32
      %dma_wait3A_140 = arith.constant 0 : i32
      %dma_wait3A_141 = tpu.memref_slice %dma_wait3A_138[%dma_wait3A_139, %dma_wait3A_140] : memref<10240x64xf32, #tpu.memory_space<hbm>> -> memref<10240x64xf32, #tpu.memory_space<hbm>>
      tpu.wait_indirect_dma semaphore(%arg11 : memref<!tpu.dma_semaphore, #tpu.memory_space<semaphore_mem>>) src(%dma_wait3A_141 : memref<10240x64xf32, #tpu.memory_space<hbm>>) dst(%dma_wait3A_131 : memref<128x64xf32, #tpu.memory_space<vmem>>)
      %dma_start3A_142 = arith.constant 1 : i32
      %dma_start3A_143 = arith.constant 0 : i32
      %dma_start3A_144 = arith.constant 0 : i32
      %dma_start3A_145 = tpu.memref_slice %arg9[%dma_start3A_142, %dma_start3A_143, %dma_start3A_144] : memref<5x128x64xf32, #tpu.memory_space<vmem>> -> memref<1x128x64xf32, #tpu.memory_space<vmem>>
      %dma_start3A_146 = tpu.memref_squeeze %dma_start3A_145 : memref<1x128x64xf32, #tpu.memory_space<vmem>> -> memref<128x64xf32, #tpu.memory_space<vmem>>
      %dma_start3A_147 = arith.constant 0 : i32
      %dma_start3A_148 = tpu.memref_slice %arg8[%add3A_126, %dma_start3A_147] : memref<160x128xi32, #tpu.memory_space<vmem>> -> memref<1x128xi32, #tpu.memory_space<vmem>>
      %dma_start3A_149 = tpu.memref_squeeze %dma_start3A_148 : memref<1x128xi32, #tpu.memory_space<vmem>> -> memref<128xi32, #tpu.memory_space<vmem>>
      %dma_start3A_150 = arith.constant 0 : i32
      %dma_start3A_151 = arith.constant 0 : i32
      %dma_start3A_152 = tpu.memref_slice %arg10[%dma_start3A_150, %dma_start3A_151] : memref<10240x64xf32, #tpu.memory_space<vmem_shared>> -> memref<10240x64xf32, #tpu.memory_space<vmem_shared>>
      tpu.enqueue_indirect_dma source(%dma_start3A_146 : memref<128x64xf32, #tpu.memory_space<vmem>>) target(%dma_start3A_152 : memref<10240x64xf32, #tpu.memory_space<vmem_shared>>) offsets(%dma_start3A_149 : memref<128xi32, #tpu.memory_space<vmem>>) semaphore(%arg12 : memref<!tpu.dma_semaphore, #tpu.memory_space<semaphore_mem>>) {add = true}
      %ge3A_153 = arith.constant 2 : i32
      %ge3A_154 = arith.cmpi sge, %add3A_126, %ge3A_153 : i32
      %convert_element_type3A_155 = arith.extui %ge3A_154 : i1 to i32
      %cond3A_156 = arith.constant 0 : i32
      %cond3A_157 = arith.cmpi ne, %convert_element_type3A_155, %cond3A_156 : i32
      scf.if %cond3A_157 {
        %dma_wait3A_292 = arith.constant 4 : i32
        %dma_wait3A_293 = arith.constant 0 : i32
        %dma_wait3A_294 = arith.constant 0 : i32
        %dma_wait3A_295 = arith.constant 0 : i32
        %dma_wait3A_296 = tpu.memref_slice %arg9[%dma_wait3A_292, %dma_wait3A_294, %dma_wait3A_295] : memref<5x128x64xf32, #tpu.memory_space<vmem>> -> memref<1x128x64xf32, #tpu.memory_space<vmem>>
        %dma_wait3A_297 = tpu.memref_squeeze %dma_wait3A_296 : memref<1x128x64xf32, #tpu.memory_space<vmem>> -> memref<128x64xf32, #tpu.memory_space<vmem>>
        %dma_wait3A_298 = arith.constant 0 : i32
        %dma_wait3A_299 = tpu.memref_slice %arg8[%dma_wait3A_293, %dma_wait3A_298] : memref<160x128xi32, #tpu.memory_space<vmem>> -> memref<1x128xi32, #tpu.memory_space<vmem>>
        %dma_wait3A_300 = tpu.memref_squeeze %dma_wait3A_299 : memref<1x128xi32, #tpu.memory_space<vmem>> -> memref<128xi32, #tpu.memory_space<vmem>>
        %dma_wait3A_301 = arith.constant 0 : i32
        %dma_wait3A_302 = arith.constant 0 : i32
        %dma_wait3A_303 = tpu.memref_slice %arg10[%dma_wait3A_301, %dma_wait3A_302] : memref<10240x64xf32, #tpu.memory_space<vmem_shared>> -> memref<10240x64xf32, #tpu.memory_space<vmem_shared>>
        tpu.wait_indirect_dma semaphore(%arg12 : memref<!tpu.dma_semaphore, #tpu.memory_space<semaphore_mem>>) src(%dma_wait3A_297 : memref<128x64xf32, #tpu.memory_space<vmem>>) dst(%dma_wait3A_303 : memref<10240x64xf32, #tpu.memory_space<vmem_shared>>)
      } else {
      }
      %add3A_158 = arith.constant 3 : i32
      %add3A_159 = arith.addi %add3A_126, %add3A_158 : i32
      %lt3A_160 = arith.constant 160 : i32
      %lt3A_161 = arith.cmpi slt, %add3A_159, %lt3A_160 : i32
      %convert_element_type3A_162 = arith.extui %lt3A_161 : i1 to i32
      %cond3A_163 = arith.constant 0 : i32
      %cond3A_164 = arith.cmpi ne, %convert_element_type3A_162, %cond3A_163 : i32
      scf.if %cond3A_164 {
        %add3A_292 = arith.constant 3 : i32
        %add3A_293 = arith.addi %add3A_126, %add3A_292 : i32
        %dma_start3A_294 = arith.constant 4 : i32
        %dma_start3A_295 = arith.constant 0 : i32
        %dma_start3A_296 = arith.constant 0 : i32
        %dma_start3A_297 = tpu.memref_slice %arg9[%dma_start3A_294, %dma_start3A_295, %dma_start3A_296] : memref<5x128x64xf32, #tpu.memory_space<vmem>> -> memref<1x128x64xf32, #tpu.memory_space<vmem>>
        %dma_start3A_298 = tpu.memref_squeeze %dma_start3A_297 : memref<1x128x64xf32, #tpu.memory_space<vmem>> -> memref<128x64xf32, #tpu.memory_space<vmem>>
        %dma_start3A_299 = arith.constant 0 : i32
        %dma_start3A_300 = tpu.memref_slice %arg7[%add3A_293, %dma_start3A_299] : memref<160x128xi32, #tpu.memory_space<vmem>> -> memref<1x128xi32, #tpu.memory_space<vmem>>
        %dma_start3A_301 = tpu.memref_squeeze %dma_start3A_300 : memref<1x128xi32, #tpu.memory_space<vmem>> -> memref<128xi32, #tpu.memory_space<vmem>>
        %dma_start3A_302 = arith.constant 0 : i32
        %dma_start3A_303 = arith.constant 0 : i32
        %dma_start3A_304 = tpu.memref_slice %arg4[%arg0, %dma_start3A_302, %dma_start3A_303] : memref<2x10240x64xf32, #tpu.memory_space<hbm>> -> memref<1x10240x64xf32, #tpu.memory_space<hbm>>
        %dma_start3A_305 = tpu.memref_squeeze %dma_start3A_304 : memref<1x10240x64xf32, #tpu.memory_space<hbm>> -> memref<10240x64xf32, #tpu.memory_space<hbm>>
        %dma_start3A_306 = arith.constant 0 : i32
        %dma_start3A_307 = arith.constant 0 : i32
        %dma_start3A_308 = tpu.memref_slice %dma_start3A_305[%dma_start3A_306, %dma_start3A_307] : memref<10240x64xf32, #tpu.memory_space<hbm>> -> memref<10240x64xf32, #tpu.memory_space<hbm>>
        tpu.enqueue_indirect_dma source(%dma_start3A_308 : memref<10240x64xf32, #tpu.memory_space<hbm>>) target(%dma_start3A_298 : memref<128x64xf32, #tpu.memory_space<vmem>>) offsets(%dma_start3A_301 : memref<128xi32, #tpu.memory_space<vmem>>) semaphore(%arg11 : memref<!tpu.dma_semaphore, #tpu.memory_space<semaphore_mem>>)
      } else {
      }
      %mul3A_165 = arith.constant 5 : i32
      %mul3A_166 = arith.muli %mul3A_165, %scan3A_84 : i32
      %add3A_167 = arith.constant 2 : i32
      %add3A_168 = arith.addi %mul3A_166, %add3A_167 : i32
      %dma_wait3A_169 = arith.constant 2 : i32
      %dma_wait3A_170 = arith.constant 0 : i32
      %dma_wait3A_171 = arith.constant 0 : i32
      %dma_wait3A_172 = tpu.memref_slice %arg9[%dma_wait3A_169, %dma_wait3A_170, %dma_wait3A_171] : memref<5x128x64xf32, #tpu.memory_space<vmem>> -> memref<1x128x64xf32, #tpu.memory_space<vmem>>
      %dma_wait3A_173 = tpu.memref_squeeze %dma_wait3A_172 : memref<1x128x64xf32, #tpu.memory_space<vmem>> -> memref<128x64xf32, #tpu.memory_space<vmem>>
      %dma_wait3A_174 = arith.constant 0 : i32
      %dma_wait3A_175 = tpu.memref_slice %arg7[%add3A_168, %dma_wait3A_174] : memref<160x128xi32, #tpu.memory_space<vmem>> -> memref<1x128xi32, #tpu.memory_space<vmem>>
      %dma_wait3A_176 = tpu.memref_squeeze %dma_wait3A_175 : memref<1x128xi32, #tpu.memory_space<vmem>> -> memref<128xi32, #tpu.memory_space<vmem>>
      %dma_wait3A_177 = arith.constant 0 : i32
      %dma_wait3A_178 = arith.constant 0 : i32
      %dma_wait3A_179 = tpu.memref_slice %arg4[%arg0, %dma_wait3A_177, %dma_wait3A_178] : memref<2x10240x64xf32, #tpu.memory_space<hbm>> -> memref<1x10240x64xf32, #tpu.memory_space<hbm>>
      %dma_wait3A_180 = tpu.memref_squeeze %dma_wait3A_179 : memref<1x10240x64xf32, #tpu.memory_space<hbm>> -> memref<10240x64xf32, #tpu.memory_space<hbm>>
      %dma_wait3A_181 = arith.constant 0 : i32
      %dma_wait3A_182 = arith.constant 0 : i32
      %dma_wait3A_183 = tpu.memref_slice %dma_wait3A_180[%dma_wait3A_181, %dma_wait3A_182] : memref<10240x64xf32, #tpu.memory_space<hbm>> -> memref<10240x64xf32, #tpu.memory_space<hbm>>
      tpu.wait_indirect_dma semaphore(%arg11 : memref<!tpu.dma_semaphore, #tpu.memory_space<semaphore_mem>>) src(%dma_wait3A_183 : memref<10240x64xf32, #tpu.memory_space<hbm>>) dst(%dma_wait3A_173 : memref<128x64xf32, #tpu.memory_space<vmem>>)
      %dma_start3A_184 = arith.constant 2 : i32
      %dma_start3A_185 = arith.constant 0 : i32
      %dma_start3A_186 = arith.constant 0 : i32
      %dma_start3A_187 = tpu.memref_slice %arg9[%dma_start3A_184, %dma_start3A_185, %dma_start3A_186] : memref<5x128x64xf32, #tpu.memory_space<vmem>> -> memref<1x128x64xf32, #tpu.memory_space<vmem>>
      %dma_start3A_188 = tpu.memref_squeeze %dma_start3A_187 : memref<1x128x64xf32, #tpu.memory_space<vmem>> -> memref<128x64xf32, #tpu.memory_space<vmem>>
      %dma_start3A_189 = arith.constant 0 : i32
      %dma_start3A_190 = tpu.memref_slice %arg8[%add3A_168, %dma_start3A_189] : memref<160x128xi32, #tpu.memory_space<vmem>> -> memref<1x128xi32, #tpu.memory_space<vmem>>
      %dma_start3A_191 = tpu.memref_squeeze %dma_start3A_190 : memref<1x128xi32, #tpu.memory_space<vmem>> -> memref<128xi32, #tpu.memory_space<vmem>>
      %dma_start3A_192 = arith.constant 0 : i32
      %dma_start3A_193 = arith.constant 0 : i32
      %dma_start3A_194 = tpu.memref_slice %arg10[%dma_start3A_192, %dma_start3A_193] : memref<10240x64xf32, #tpu.memory_space<vmem_shared>> -> memref<10240x64xf32, #tpu.memory_space<vmem_shared>>
      tpu.enqueue_indirect_dma source(%dma_start3A_188 : memref<128x64xf32, #tpu.memory_space<vmem>>) target(%dma_start3A_194 : memref<10240x64xf32, #tpu.memory_space<vmem_shared>>) offsets(%dma_start3A_191 : memref<128xi32, #tpu.memory_space<vmem>>) semaphore(%arg12 : memref<!tpu.dma_semaphore, #tpu.memory_space<semaphore_mem>>) {add = true}
      %ge3A_195 = arith.constant 2 : i32
      %ge3A_196 = arith.cmpi sge, %add3A_168, %ge3A_195 : i32
      %convert_element_type3A_197 = arith.extui %ge3A_196 : i1 to i32
      %cond3A_198 = arith.constant 0 : i32
      %cond3A_199 = arith.cmpi ne, %convert_element_type3A_197, %cond3A_198 : i32
      scf.if %cond3A_199 {
        %dma_wait3A_292 = arith.constant 0 : i32
        %dma_wait3A_293 = arith.constant 0 : i32
        %dma_wait3A_294 = arith.constant 0 : i32
        %dma_wait3A_295 = arith.constant 0 : i32
        %dma_wait3A_296 = tpu.memref_slice %arg9[%dma_wait3A_292, %dma_wait3A_294, %dma_wait3A_295] : memref<5x128x64xf32, #tpu.memory_space<vmem>> -> memref<1x128x64xf32, #tpu.memory_space<vmem>>
        %dma_wait3A_297 = tpu.memref_squeeze %dma_wait3A_296 : memref<1x128x64xf32, #tpu.memory_space<vmem>> -> memref<128x64xf32, #tpu.memory_space<vmem>>
        %dma_wait3A_298 = arith.constant 0 : i32
        %dma_wait3A_299 = tpu.memref_slice %arg8[%dma_wait3A_293, %dma_wait3A_298] : memref<160x128xi32, #tpu.memory_space<vmem>> -> memref<1x128xi32, #tpu.memory_space<vmem>>
        %dma_wait3A_300 = tpu.memref_squeeze %dma_wait3A_299 : memref<1x128xi32, #tpu.memory_space<vmem>> -> memref<128xi32, #tpu.memory_space<vmem>>
        %dma_wait3A_301 = arith.constant 0 : i32
        %dma_wait3A_302 = arith.constant 0 : i32
        %dma_wait3A_303 = tpu.memref_slice %arg10[%dma_wait3A_301, %dma_wait3A_302] : memref<10240x64xf32, #tpu.memory_space<vmem_shared>> -> memref<10240x64xf32, #tpu.memory_space<vmem_shared>>
        tpu.wait_indirect_dma semaphore(%arg12 : memref<!tpu.dma_semaphore, #tpu.memory_space<semaphore_mem>>) src(%dma_wait3A_297 : memref<128x64xf32, #tpu.memory_space<vmem>>) dst(%dma_wait3A_303 : memref<10240x64xf32, #tpu.memory_space<vmem_shared>>)
      } else {
      }
      %add3A_200 = arith.constant 3 : i32
      %add3A_201 = arith.addi %add3A_168, %add3A_200 : i32
      %lt3A_202 = arith.constant 160 : i32
      %lt3A_203 = arith.cmpi slt, %add3A_201, %lt3A_202 : i32
      %convert_element_type3A_204 = arith.extui %lt3A_203 : i1 to i32
      %cond3A_205 = arith.constant 0 : i32
      %cond3A_206 = arith.cmpi ne, %convert_element_type3A_204, %cond3A_205 : i32
      scf.if %cond3A_206 {
        %add3A_292 = arith.constant 3 : i32
        %add3A_293 = arith.addi %add3A_168, %add3A_292 : i32
        %dma_start3A_294 = arith.constant 0 : i32
        %dma_start3A_295 = arith.constant 0 : i32
        %dma_start3A_296 = arith.constant 0 : i32
        %dma_start3A_297 = tpu.memref_slice %arg9[%dma_start3A_294, %dma_start3A_295, %dma_start3A_296] : memref<5x128x64xf32, #tpu.memory_space<vmem>> -> memref<1x128x64xf32, #tpu.memory_space<vmem>>
        %dma_start3A_298 = tpu.memref_squeeze %dma_start3A_297 : memref<1x128x64xf32, #tpu.memory_space<vmem>> -> memref<128x64xf32, #tpu.memory_space<vmem>>
        %dma_start3A_299 = arith.constant 0 : i32
        %dma_start3A_300 = tpu.memref_slice %arg7[%add3A_293, %dma_start3A_299] : memref<160x128xi32, #tpu.memory_space<vmem>> -> memref<1x128xi32, #tpu.memory_space<vmem>>
        %dma_start3A_301 = tpu.memref_squeeze %dma_start3A_300 : memref<1x128xi32, #tpu.memory_space<vmem>> -> memref<128xi32, #tpu.memory_space<vmem>>
        %dma_start3A_302 = arith.constant 0 : i32
        %dma_start3A_303 = arith.constant 0 : i32
        %dma_start3A_304 = tpu.memref_slice %arg4[%arg0, %dma_start3A_302, %dma_start3A_303] : memref<2x10240x64xf32, #tpu.memory_space<hbm>> -> memref<1x10240x64xf32, #tpu.memory_space<hbm>>
        %dma_start3A_305 = tpu.memref_squeeze %dma_start3A_304 : memref<1x10240x64xf32, #tpu.memory_space<hbm>> -> memref<10240x64xf32, #tpu.memory_space<hbm>>
        %dma_start3A_306 = arith.constant 0 : i32
        %dma_start3A_307 = arith.constant 0 : i32
        %dma_start3A_308 = tpu.memref_slice %dma_start3A_305[%dma_start3A_306, %dma_start3A_307] : memref<10240x64xf32, #tpu.memory_space<hbm>> -> memref<10240x64xf32, #tpu.memory_space<hbm>>
        tpu.enqueue_indirect_dma source(%dma_start3A_308 : memref<10240x64xf32, #tpu.memory_space<hbm>>) target(%dma_start3A_298 : memref<128x64xf32, #tpu.memory_space<vmem>>) offsets(%dma_start3A_301 : memref<128xi32, #tpu.memory_space<vmem>>) semaphore(%arg11 : memref<!tpu.dma_semaphore, #tpu.memory_space<semaphore_mem>>)
      } else {
      }
      %mul3A_207 = arith.constant 5 : i32
      %mul3A_208 = arith.muli %mul3A_207, %scan3A_84 : i32
      %add3A_209 = arith.constant 3 : i32
      %add3A_210 = arith.addi %mul3A_208, %add3A_209 : i32
      %dma_wait3A_211 = arith.constant 3 : i32
      %dma_wait3A_212 = arith.constant 0 : i32
      %dma_wait3A_213 = arith.constant 0 : i32
      %dma_wait3A_214 = tpu.memref_slice %arg9[%dma_wait3A_211, %dma_wait3A_212, %dma_wait3A_213] : memref<5x128x64xf32, #tpu.memory_space<vmem>> -> memref<1x128x64xf32, #tpu.memory_space<vmem>>
      %dma_wait3A_215 = tpu.memref_squeeze %dma_wait3A_214 : memref<1x128x64xf32, #tpu.memory_space<vmem>> -> memref<128x64xf32, #tpu.memory_space<vmem>>
      %dma_wait3A_216 = arith.constant 0 : i32
      %dma_wait3A_217 = tpu.memref_slice %arg7[%add3A_210, %dma_wait3A_216] : memref<160x128xi32, #tpu.memory_space<vmem>> -> memref<1x128xi32, #tpu.memory_space<vmem>>
      %dma_wait3A_218 = tpu.memref_squeeze %dma_wait3A_217 : memref<1x128xi32, #tpu.memory_space<vmem>> -> memref<128xi32, #tpu.memory_space<vmem>>
      %dma_wait3A_219 = arith.constant 0 : i32
      %dma_wait3A_220 = arith.constant 0 : i32
      %dma_wait3A_221 = tpu.memref_slice %arg4[%arg0, %dma_wait3A_219, %dma_wait3A_220] : memref<2x10240x64xf32, #tpu.memory_space<hbm>> -> memref<1x10240x64xf32, #tpu.memory_space<hbm>>
      %dma_wait3A_222 = tpu.memref_squeeze %dma_wait3A_221 : memref<1x10240x64xf32, #tpu.memory_space<hbm>> -> memref<10240x64xf32, #tpu.memory_space<hbm>>
      %dma_wait3A_223 = arith.constant 0 : i32
      %dma_wait3A_224 = arith.constant 0 : i32
      %dma_wait3A_225 = tpu.memref_slice %dma_wait3A_222[%dma_wait3A_223, %dma_wait3A_224] : memref<10240x64xf32, #tpu.memory_space<hbm>> -> memref<10240x64xf32, #tpu.memory_space<hbm>>
      tpu.wait_indirect_dma semaphore(%arg11 : memref<!tpu.dma_semaphore, #tpu.memory_space<semaphore_mem>>) src(%dma_wait3A_225 : memref<10240x64xf32, #tpu.memory_space<hbm>>) dst(%dma_wait3A_215 : memref<128x64xf32, #tpu.memory_space<vmem>>)
      %dma_start3A_226 = arith.constant 3 : i32
      %dma_start3A_227 = arith.constant 0 : i32
      %dma_start3A_228 = arith.constant 0 : i32
      %dma_start3A_229 = tpu.memref_slice %arg9[%dma_start3A_226, %dma_start3A_227, %dma_start3A_228] : memref<5x128x64xf32, #tpu.memory_space<vmem>> -> memref<1x128x64xf32, #tpu.memory_space<vmem>>
      %dma_start3A_230 = tpu.memref_squeeze %dma_start3A_229 : memref<1x128x64xf32, #tpu.memory_space<vmem>> -> memref<128x64xf32, #tpu.memory_space<vmem>>
      %dma_start3A_231 = arith.constant 0 : i32
      %dma_start3A_232 = tpu.memref_slice %arg8[%add3A_210, %dma_start3A_231] : memref<160x128xi32, #tpu.memory_space<vmem>> -> memref<1x128xi32, #tpu.memory_space<vmem>>
      %dma_start3A_233 = tpu.memref_squeeze %dma_start3A_232 : memref<1x128xi32, #tpu.memory_space<vmem>> -> memref<128xi32, #tpu.memory_space<vmem>>
      %dma_start3A_234 = arith.constant 0 : i32
      %dma_start3A_235 = arith.constant 0 : i32
      %dma_start3A_236 = tpu.memref_slice %arg10[%dma_start3A_234, %dma_start3A_235] : memref<10240x64xf32, #tpu.memory_space<vmem_shared>> -> memref<10240x64xf32, #tpu.memory_space<vmem_shared>>
      tpu.enqueue_indirect_dma source(%dma_start3A_230 : memref<128x64xf32, #tpu.memory_space<vmem>>) target(%dma_start3A_236 : memref<10240x64xf32, #tpu.memory_space<vmem_shared>>) offsets(%dma_start3A_233 : memref<128xi32, #tpu.memory_space<vmem>>) semaphore(%arg12 : memref<!tpu.dma_semaphore, #tpu.memory_space<semaphore_mem>>) {add = true}
      %ge3A_237 = arith.constant 2 : i32
      %ge3A_238 = arith.cmpi sge, %add3A_210, %ge3A_237 : i32
      %convert_element_type3A_239 = arith.extui %ge3A_238 : i1 to i32
      %cond3A_240 = arith.constant 0 : i32
      %cond3A_241 = arith.cmpi ne, %convert_element_type3A_239, %cond3A_240 : i32
      scf.if %cond3A_241 {
        %dma_wait3A_292 = arith.constant 1 : i32
        %dma_wait3A_293 = arith.constant 0 : i32
        %dma_wait3A_294 = arith.constant 0 : i32
        %dma_wait3A_295 = arith.constant 0 : i32
        %dma_wait3A_296 = tpu.memref_slice %arg9[%dma_wait3A_292, %dma_wait3A_294, %dma_wait3A_295] : memref<5x128x64xf32, #tpu.memory_space<vmem>> -> memref<1x128x64xf32, #tpu.memory_space<vmem>>
        %dma_wait3A_297 = tpu.memref_squeeze %dma_wait3A_296 : memref<1x128x64xf32, #tpu.memory_space<vmem>> -> memref<128x64xf32, #tpu.memory_space<vmem>>
        %dma_wait3A_298 = arith.constant 0 : i32
        %dma_wait3A_299 = tpu.memref_slice %arg8[%dma_wait3A_293, %dma_wait3A_298] : memref<160x128xi32, #tpu.memory_space<vmem>> -> memref<1x128xi32, #tpu.memory_space<vmem>>
        %dma_wait3A_300 = tpu.memref_squeeze %dma_wait3A_299 : memref<1x128xi32, #tpu.memory_space<vmem>> -> memref<128xi32, #tpu.memory_space<vmem>>
        %dma_wait3A_301 = arith.constant 0 : i32
        %dma_wait3A_302 = arith.constant 0 : i32
        %dma_wait3A_303 = tpu.memref_slice %arg10[%dma_wait3A_301, %dma_wait3A_302] : memref<10240x64xf32, #tpu.memory_space<vmem_shared>> -> memref<10240x64xf32, #tpu.memory_space<vmem_shared>>
        tpu.wait_indirect_dma semaphore(%arg12 : memref<!tpu.dma_semaphore, #tpu.memory_space<semaphore_mem>>) src(%dma_wait3A_297 : memref<128x64xf32, #tpu.memory_space<vmem>>) dst(%dma_wait3A_303 : memref<10240x64xf32, #tpu.memory_space<vmem_shared>>)
      } else {
      }
      %add3A_242 = arith.constant 3 : i32
      %add3A_243 = arith.addi %add3A_210, %add3A_242 : i32
      %lt3A_244 = arith.constant 160 : i32
      %lt3A_245 = arith.cmpi slt, %add3A_243, %lt3A_244 : i32
      %convert_element_type3A_246 = arith.extui %lt3A_245 : i1 to i32
      %cond3A_247 = arith.constant 0 : i32
      %cond3A_248 = arith.cmpi ne, %convert_element_type3A_246, %cond3A_247 : i32
      scf.if %cond3A_248 {
        %add3A_292 = arith.constant 3 : i32
        %add3A_293 = arith.addi %add3A_210, %add3A_292 : i32
        %dma_start3A_294 = arith.constant 1 : i32
        %dma_start3A_295 = arith.constant 0 : i32
        %dma_start3A_296 = arith.constant 0 : i32
        %dma_start3A_297 = tpu.memref_slice %arg9[%dma_start3A_294, %dma_start3A_295, %dma_start3A_296] : memref<5x128x64xf32, #tpu.memory_space<vmem>> -> memref<1x128x64xf32, #tpu.memory_space<vmem>>
        %dma_start3A_298 = tpu.memref_squeeze %dma_start3A_297 : memref<1x128x64xf32, #tpu.memory_space<vmem>> -> memref<128x64xf32, #tpu.memory_space<vmem>>
        %dma_start3A_299 = arith.constant 0 : i32
        %dma_start3A_300 = tpu.memref_slice %arg7[%add3A_293, %dma_start3A_299] : memref<160x128xi32, #tpu.memory_space<vmem>> -> memref<1x128xi32, #tpu.memory_space<vmem>>
        %dma_start3A_301 = tpu.memref_squeeze %dma_start3A_300 : memref<1x128xi32, #tpu.memory_space<vmem>> -> memref<128xi32, #tpu.memory_space<vmem>>
        %dma_start3A_302 = arith.constant 0 : i32
        %dma_start3A_303 = arith.constant 0 : i32
        %dma_start3A_304 = tpu.memref_slice %arg4[%arg0, %dma_start3A_302, %dma_start3A_303] : memref<2x10240x64xf32, #tpu.memory_space<hbm>> -> memref<1x10240x64xf32, #tpu.memory_space<hbm>>
        %dma_start3A_305 = tpu.memref_squeeze %dma_start3A_304 : memref<1x10240x64xf32, #tpu.memory_space<hbm>> -> memref<10240x64xf32, #tpu.memory_space<hbm>>
        %dma_start3A_306 = arith.constant 0 : i32
        %dma_start3A_307 = arith.constant 0 : i32
        %dma_start3A_308 = tpu.memref_slice %dma_start3A_305[%dma_start3A_306, %dma_start3A_307] : memref<10240x64xf32, #tpu.memory_space<hbm>> -> memref<10240x64xf32, #tpu.memory_space<hbm>>
        tpu.enqueue_indirect_dma source(%dma_start3A_308 : memref<10240x64xf32, #tpu.memory_space<hbm>>) target(%dma_start3A_298 : memref<128x64xf32, #tpu.memory_space<vmem>>) offsets(%dma_start3A_301 : memref<128xi32, #tpu.memory_space<vmem>>) semaphore(%arg11 : memref<!tpu.dma_semaphore, #tpu.memory_space<semaphore_mem>>)
      } else {
      }
      %mul3A_249 = arith.constant 5 : i32
      %mul3A_250 = arith.muli %mul3A_249, %scan3A_84 : i32
      %add3A_251 = arith.constant 4 : i32
      %add3A_252 = arith.addi %mul3A_250, %add3A_251 : i32
      %dma_wait3A_253 = arith.constant 4 : i32
      %dma_wait3A_254 = arith.constant 0 : i32
      %dma_wait3A_255 = arith.constant 0 : i32
      %dma_wait3A_256 = tpu.memref_slice %arg9[%dma_wait3A_253, %dma_wait3A_254, %dma_wait3A_255] : memref<5x128x64xf32, #tpu.memory_space<vmem>> -> memref<1x128x64xf32, #tpu.memory_space<vmem>>
      %dma_wait3A_257 = tpu.memref_squeeze %dma_wait3A_256 : memref<1x128x64xf32, #tpu.memory_space<vmem>> -> memref<128x64xf32, #tpu.memory_space<vmem>>
      %dma_wait3A_258 = arith.constant 0 : i32
      %dma_wait3A_259 = tpu.memref_slice %arg7[%add3A_252, %dma_wait3A_258] : memref<160x128xi32, #tpu.memory_space<vmem>> -> memref<1x128xi32, #tpu.memory_space<vmem>>
      %dma_wait3A_260 = tpu.memref_squeeze %dma_wait3A_259 : memref<1x128xi32, #tpu.memory_space<vmem>> -> memref<128xi32, #tpu.memory_space<vmem>>
      %dma_wait3A_261 = arith.constant 0 : i32
      %dma_wait3A_262 = arith.constant 0 : i32
      %dma_wait3A_263 = tpu.memref_slice %arg4[%arg0, %dma_wait3A_261, %dma_wait3A_262] : memref<2x10240x64xf32, #tpu.memory_space<hbm>> -> memref<1x10240x64xf32, #tpu.memory_space<hbm>>
      %dma_wait3A_264 = tpu.memref_squeeze %dma_wait3A_263 : memref<1x10240x64xf32, #tpu.memory_space<hbm>> -> memref<10240x64xf32, #tpu.memory_space<hbm>>
      %dma_wait3A_265 = arith.constant 0 : i32
      %dma_wait3A_266 = arith.constant 0 : i32
      %dma_wait3A_267 = tpu.memref_slice %dma_wait3A_264[%dma_wait3A_265, %dma_wait3A_266] : memref<10240x64xf32, #tpu.memory_space<hbm>> -> memref<10240x64xf32, #tpu.memory_space<hbm>>
      tpu.wait_indirect_dma semaphore(%arg11 : memref<!tpu.dma_semaphore, #tpu.memory_space<semaphore_mem>>) src(%dma_wait3A_267 : memref<10240x64xf32, #tpu.memory_space<hbm>>) dst(%dma_wait3A_257 : memref<128x64xf32, #tpu.memory_space<vmem>>)
      %dma_start3A_268 = arith.constant 4 : i32
      %dma_start3A_269 = arith.constant 0 : i32
      %dma_start3A_270 = arith.constant 0 : i32
      %dma_start3A_271 = tpu.memref_slice %arg9[%dma_start3A_268, %dma_start3A_269, %dma_start3A_270] : memref<5x128x64xf32, #tpu.memory_space<vmem>> -> memref<1x128x64xf32, #tpu.memory_space<vmem>>
      %dma_start3A_272 = tpu.memref_squeeze %dma_start3A_271 : memref<1x128x64xf32, #tpu.memory_space<vmem>> -> memref<128x64xf32, #tpu.memory_space<vmem>>
      %dma_start3A_273 = arith.constant 0 : i32
      %dma_start3A_274 = tpu.memref_slice %arg8[%add3A_252, %dma_start3A_273] : memref<160x128xi32, #tpu.memory_space<vmem>> -> memref<1x128xi32, #tpu.memory_space<vmem>>
      %dma_start3A_275 = tpu.memref_squeeze %dma_start3A_274 : memref<1x128xi32, #tpu.memory_space<vmem>> -> memref<128xi32, #tpu.memory_space<vmem>>
      %dma_start3A_276 = arith.constant 0 : i32
      %dma_start3A_277 = arith.constant 0 : i32
      %dma_start3A_278 = tpu.memref_slice %arg10[%dma_start3A_276, %dma_start3A_277] : memref<10240x64xf32, #tpu.memory_space<vmem_shared>> -> memref<10240x64xf32, #tpu.memory_space<vmem_shared>>
      tpu.enqueue_indirect_dma source(%dma_start3A_272 : memref<128x64xf32, #tpu.memory_space<vmem>>) target(%dma_start3A_278 : memref<10240x64xf32, #tpu.memory_space<vmem_shared>>) offsets(%dma_start3A_275 : memref<128xi32, #tpu.memory_space<vmem>>) semaphore(%arg12 : memref<!tpu.dma_semaphore, #tpu.memory_space<semaphore_mem>>) {add = true}
      %ge3A_279 = arith.constant 2 : i32
      %ge3A_280 = arith.cmpi sge, %add3A_252, %ge3A_279 : i32
      %convert_element_type3A_281 = arith.extui %ge3A_280 : i1 to i32
      %cond3A_282 = arith.constant 0 : i32
      %cond3A_283 = arith.cmpi ne, %convert_element_type3A_281, %cond3A_282 : i32
      scf.if %cond3A_283 {
        %dma_wait3A_292 = arith.constant 2 : i32
        %dma_wait3A_293 = arith.constant 0 : i32
        %dma_wait3A_294 = arith.constant 0 : i32
        %dma_wait3A_295 = arith.constant 0 : i32
        %dma_wait3A_296 = tpu.memref_slice %arg9[%dma_wait3A_292, %dma_wait3A_294, %dma_wait3A_295] : memref<5x128x64xf32, #tpu.memory_space<vmem>> -> memref<1x128x64xf32, #tpu.memory_space<vmem>>
        %dma_wait3A_297 = tpu.memref_squeeze %dma_wait3A_296 : memref<1x128x64xf32, #tpu.memory_space<vmem>> -> memref<128x64xf32, #tpu.memory_space<vmem>>
        %dma_wait3A_298 = arith.constant 0 : i32
        %dma_wait3A_299 = tpu.memref_slice %arg8[%dma_wait3A_293, %dma_wait3A_298] : memref<160x128xi32, #tpu.memory_space<vmem>> -> memref<1x128xi32, #tpu.memory_space<vmem>>
        %dma_wait3A_300 = tpu.memref_squeeze %dma_wait3A_299 : memref<1x128xi32, #tpu.memory_space<vmem>> -> memref<128xi32, #tpu.memory_space<vmem>>
        %dma_wait3A_301 = arith.constant 0 : i32
        %dma_wait3A_302 = arith.constant 0 : i32
        %dma_wait3A_303 = tpu.memref_slice %arg10[%dma_wait3A_301, %dma_wait3A_302] : memref<10240x64xf32, #tpu.memory_space<vmem_shared>> -> memref<10240x64xf32, #tpu.memory_space<vmem_shared>>
        tpu.wait_indirect_dma semaphore(%arg12 : memref<!tpu.dma_semaphore, #tpu.memory_space<semaphore_mem>>) src(%dma_wait3A_297 : memref<128x64xf32, #tpu.memory_space<vmem>>) dst(%dma_wait3A_303 : memref<10240x64xf32, #tpu.memory_space<vmem_shared>>)
      } else {
      }
      %add3A_284 = arith.constant 3 : i32
      %add3A_285 = arith.addi %add3A_252, %add3A_284 : i32
      %lt3A_286 = arith.constant 160 : i32
      %lt3A_287 = arith.cmpi slt, %add3A_285, %lt3A_286 : i32
      %convert_element_type3A_288 = arith.extui %lt3A_287 : i1 to i32
      %cond3A_289 = arith.constant 0 : i32
      %cond3A_290 = arith.cmpi ne, %convert_element_type3A_288, %cond3A_289 : i32
      scf.if %cond3A_290 {
        %add3A_292 = arith.constant 3 : i32
        %add3A_293 = arith.addi %add3A_252, %add3A_292 : i32
        %dma_start3A_294 = arith.constant 2 : i32
        %dma_start3A_295 = arith.constant 0 : i32
        %dma_start3A_296 = arith.constant 0 : i32
        %dma_start3A_297 = tpu.memref_slice %arg9[%dma_start3A_294, %dma_start3A_295, %dma_start3A_296] : memref<5x128x64xf32, #tpu.memory_space<vmem>> -> memref<1x128x64xf32, #tpu.memory_space<vmem>>
        %dma_start3A_298 = tpu.memref_squeeze %dma_start3A_297 : memref<1x128x64xf32, #tpu.memory_space<vmem>> -> memref<128x64xf32, #tpu.memory_space<vmem>>
        %dma_start3A_299 = arith.constant 0 : i32
        %dma_start3A_300 = tpu.memref_slice %arg7[%add3A_293, %dma_start3A_299] : memref<160x128xi32, #tpu.memory_space<vmem>> -> memref<1x128xi32, #tpu.memory_space<vmem>>
        %dma_start3A_301 = tpu.memref_squeeze %dma_start3A_300 : memref<1x128xi32, #tpu.memory_space<vmem>> -> memref<128xi32, #tpu.memory_space<vmem>>
        %dma_start3A_302 = arith.constant 0 : i32
        %dma_start3A_303 = arith.constant 0 : i32
        %dma_start3A_304 = tpu.memref_slice %arg4[%arg0, %dma_start3A_302, %dma_start3A_303] : memref<2x10240x64xf32, #tpu.memory_space<hbm>> -> memref<1x10240x64xf32, #tpu.memory_space<hbm>>
        %dma_start3A_305 = tpu.memref_squeeze %dma_start3A_304 : memref<1x10240x64xf32, #tpu.memory_space<hbm>> -> memref<10240x64xf32, #tpu.memory_space<hbm>>
        %dma_start3A_306 = arith.constant 0 : i32
        %dma_start3A_307 = arith.constant 0 : i32
        %dma_start3A_308 = tpu.memref_slice %dma_start3A_305[%dma_start3A_306, %dma_start3A_307] : memref<10240x64xf32, #tpu.memory_space<hbm>> -> memref<10240x64xf32, #tpu.memory_space<hbm>>
        tpu.enqueue_indirect_dma source(%dma_start3A_308 : memref<10240x64xf32, #tpu.memory_space<hbm>>) target(%dma_start3A_298 : memref<128x64xf32, #tpu.memory_space<vmem>>) offsets(%dma_start3A_301 : memref<128xi32, #tpu.memory_space<vmem>>) semaphore(%arg11 : memref<!tpu.dma_semaphore, #tpu.memory_space<semaphore_mem>>)
      } else {
      }
      %scan3A_291 = arith.constant 0 : i32
      scf.yield %scan3A_291 : i32
    }
    %scan3A_55 = arith.constant 32 : i32
    %dma_wait3A = arith.constant 3 : i32
    %dma_wait3A_56 = arith.constant 0 : i32
    %dma_wait3A_57 = arith.constant 0 : i32
    %dma_wait3A_58 = arith.constant 0 : i32
    %dma_wait3A_59 = tpu.memref_slice %arg9[%dma_wait3A, %dma_wait3A_57, %dma_wait3A_58] : memref<5x128x64xf32, #tpu.memory_space<vmem>> -> memref<1x128x64xf32, #tpu.memory_space<vmem>>
    %dma_wait3A_60 = tpu.memref_squeeze %dma_wait3A_59 : memref<1x128x64xf32, #tpu.memory_space<vmem>> -> memref<128x64xf32, #tpu.memory_space<vmem>>
    %dma_wait3A_61 = arith.constant 0 : i32
    %dma_wait3A_62 = tpu.memref_slice %arg8[%dma_wait3A_56, %dma_wait3A_61] : memref<160x128xi32, #tpu.memory_space<vmem>> -> memref<1x128xi32, #tpu.memory_space<vmem>>
    %dma_wait3A_63 = tpu.memref_squeeze %dma_wait3A_62 : memref<1x128xi32, #tpu.memory_space<vmem>> -> memref<128xi32, #tpu.memory_space<vmem>>
    %dma_wait3A_64 = arith.constant 0 : i32
    %dma_wait3A_65 = arith.constant 0 : i32
    %dma_wait3A_66 = tpu.memref_slice %arg10[%dma_wait3A_64, %dma_wait3A_65] : memref<10240x64xf32, #tpu.memory_space<vmem_shared>> -> memref<10240x64xf32, #tpu.memory_space<vmem_shared>>
    tpu.wait_indirect_dma semaphore(%arg12 : memref<!tpu.dma_semaphore, #tpu.memory_space<semaphore_mem>>) src(%dma_wait3A_60 : memref<128x64xf32, #tpu.memory_space<vmem>>) dst(%dma_wait3A_66 : memref<10240x64xf32, #tpu.memory_space<vmem_shared>>)
    %dma_wait3A_67 = arith.constant 4 : i32
    %dma_wait3A_68 = arith.constant 0 : i32
    %dma_wait3A_69 = arith.constant 0 : i32
    %dma_wait3A_70 = arith.constant 0 : i32
    %dma_wait3A_71 = tpu.memref_slice %arg9[%dma_wait3A_67, %dma_wait3A_69, %dma_wait3A_70] : memref<5x128x64xf32, #tpu.memory_space<vmem>> -> memref<1x128x64xf32, #tpu.memory_space<vmem>>
    %dma_wait3A_72 = tpu.memref_squeeze %dma_wait3A_71 : memref<1x128x64xf32, #tpu.memory_space<vmem>> -> memref<128x64xf32, #tpu.memory_space<vmem>>
    %dma_wait3A_73 = arith.constant 0 : i32
    %dma_wait3A_74 = tpu.memref_slice %arg8[%dma_wait3A_68, %dma_wait3A_73] : memref<160x128xi32, #tpu.memory_space<vmem>> -> memref<1x128xi32, #tpu.memory_space<vmem>>
    %dma_wait3A_75 = tpu.memref_squeeze %dma_wait3A_74 : memref<1x128xi32, #tpu.memory_space<vmem>> -> memref<128xi32, #tpu.memory_space<vmem>>
    %dma_wait3A_76 = arith.constant 0 : i32
    %dma_wait3A_77 = arith.constant 0 : i32
    %dma_wait3A_78 = tpu.memref_slice %arg10[%dma_wait3A_76, %dma_wait3A_77] : memref<10240x64xf32, #tpu.memory_space<vmem_shared>> -> memref<10240x64xf32, #tpu.memory_space<vmem_shared>>
    tpu.wait_indirect_dma semaphore(%arg12 : memref<!tpu.dma_semaphore, #tpu.memory_space<semaphore_mem>>) src(%dma_wait3A_72 : memref<128x64xf32, #tpu.memory_space<vmem>>) dst(%dma_wait3A_78 : memref<10240x64xf32, #tpu.memory_space<vmem_shared>>)
    %barrier3A_79 = arith.constant 0 : index
    tpu.barrier barrier_id(%barrier3A_79)
    %mul3A_80 = arith.constant 640 : i32
    %mul3A_81 = arith.muli %arg1, %mul3A_80 : i32
    %mul3A_82 = arith.constant 640 : i32
    %mul3A_83 = arith.muli %arg1, %mul3A_82 : i32
    "tpu.region"() ({
      %run_scoped3A = tpu.sem_alloc : memref<!tpu.dma_semaphore, #tpu.memory_space<semaphore_mem>>
      %dma_start3A_84 = arith.constant 0 : i32
      %dma_start3A_85 = tpu.memref_slice %arg6[%mul3A_83, %arg0, %dma_start3A_84] : memref<10240x2x64xf32, #tpu.memory_space<hbm>> -> memref<640x1x64xf32, #tpu.memory_space<hbm>>
      %dma_start3A_86 = tpu.memref_squeeze %dma_start3A_85 : memref<640x1x64xf32, #tpu.memory_space<hbm>> -> memref<640x64xf32, #tpu.memory_space<hbm>>
      %dma_start3A_87 = arith.constant 0 : i32
      %dma_start3A_88 = tpu.memref_slice %arg10[%mul3A_81, %dma_start3A_87] : memref<10240x64xf32, #tpu.memory_space<vmem_shared>> -> memref<640x64xf32, #tpu.memory_space<vmem_shared>>
      tpu.enqueue_dma source(%dma_start3A_88 : memref<640x64xf32, #tpu.memory_space<vmem_shared>>) target(%dma_start3A_86 : memref<640x64xf32, #tpu.memory_space<hbm>>) target_semaphore(%run_scoped3A : memref<!tpu.dma_semaphore, #tpu.memory_space<semaphore_mem>>)
      %dma_wait3A_89 = arith.constant 0 : i32
      %dma_wait3A_90 = tpu.memref_slice %arg6[%mul3A_83, %arg0, %dma_wait3A_89] : memref<10240x2x64xf32, #tpu.memory_space<hbm>> -> memref<640x1x64xf32, #tpu.memory_space<hbm>>
      %dma_wait3A_91 = tpu.memref_squeeze %dma_wait3A_90 : memref<640x1x64xf32, #tpu.memory_space<hbm>> -> memref<640x64xf32, #tpu.memory_space<hbm>>
      %dma_wait3A_92 = arith.constant 0 : i32
      %dma_wait3A_93 = tpu.memref_slice %arg10[%mul3A_81, %dma_wait3A_92] : memref<10240x64xf32, #tpu.memory_space<vmem_shared>> -> memref<640x64xf32, #tpu.memory_space<vmem_shared>>
      tpu.wait_dma2 semaphore(%run_scoped3A : memref<!tpu.dma_semaphore, #tpu.memory_space<semaphore_mem>>) src(%dma_wait3A_93 : memref<640x64xf32, #tpu.memory_space<vmem_shared>>) dst(%dma_wait3A_91 : memref<640x64xf32, #tpu.memory_space<hbm>>)
      tpu.yield
    }) : () -> ()
    return
  }
}

module attributes {stable_mosaic.version = 14 : i64} {
  func.func @_tc0_body(%arg0: i32, %arg1: memref<2x2000x16xf32, #tpu.memory_space<vmem>>, %arg2: memref<2000x128xf32, #tpu.memory_space<vmem>>, %arg3: memref<128x128xf32, #tpu.memory_space<vmem>>, %arg4: memref<2x2000x64xf32, #tpu.memory_space<vmem>>) attributes {dimension_semantics = [#tpu.dimension_semantics<arbitrary>], iteration_bounds = array<i64: 5>, scalar_prefetch = 0 : i64, scratch_operands = 0 : i64, tpu.core_type = #tpu.core_type<tc>, window_params = [{transform_indices = @transform_0, window_bounds = array<i64: 2, 2000, 16>}, {transform_indices = @transform_1, window_bounds = array<i64: 2000, 128>}, {pipeline_mode = #tpu.pipeline_mode<synchronous>, transform_indices = @transform_2, window_bounds = array<i64: 128, 128>}, {transform_indices = @transform_3, window_bounds = array<i64: 2, 2000, 64>}]} {
    %get3A = arith.constant 0 : index
    %get3A_0 = arith.constant 0 : index
    %get3A_1 = arith.constant 0 : index
    %get3A_2 = vector.load %arg1[%get3A, %get3A_0, %get3A_1] : memref<2x2000x16xf32, #tpu.memory_space<vmem>>, vector<2x2000x16xf32>
    %reduce_sum3A = arith.constant dense<0.000000e+00> : vector<2000xf32>
    %reduce_sum3A_3 = vector.multi_reduction <add>, %get3A_2, %reduce_sum3A [0, 2] : vector<2x2000x16xf32> to vector<2000xf32>
    %mul3A = arith.constant 6.250000e-02 : f32
    %mul3A_4 = vector.broadcast %mul3A : f32 to vector<2000xf32>
    %mul3A_5 = arith.mulf %reduce_sum3A_3, %mul3A_4 : vector<2000xf32>
    %max3A = arith.constant 1.000000e+00 : f32
    %max3A_6 = vector.broadcast %max3A : f32 to vector<2000xf32>
    %max3A_7 = arith.maximumf %mul3A_5, %max3A_6 : vector<2000xf32>
    %rsqrt3A = math.rsqrt %max3A_7 : vector<2000xf32>
    %get3A_8 = arith.constant 0 : index
    %get3A_9 = arith.constant 0 : index
    %get3A_10 = vector.load %arg2[%get3A_8, %get3A_9] : memref<2000x128xf32, #tpu.memory_space<vmem>>, vector<2000x128xf32>
    %get3A_11 = arith.constant 0 : index
    %get3A_12 = arith.constant 0 : index
    %get3A_13 = vector.load %arg3[%get3A_11, %get3A_12] : memref<128x128xf32, #tpu.memory_space<vmem>>, vector<128x128xf32>
    %dot_general3A = arith.constant dense<0.000000e+00> : vector<2000x128xf32>
    %dot_general3A_14 = tpu.matmul %get3A_10, %get3A_13, %dot_general3A {dimension_numbers = #tpu.dot_dimension_numbers<[1], [0], [0], [1], [0, 0, 1, 1], [], []>, transpose_lhs_hint = false} : vector<2000x128xf32>, vector<128x128xf32>, vector<2000x128xf32> -> vector<2000x128xf32>
    %broadcast_in_dim3A = vector.shape_cast %rsqrt3A : vector<2000xf32> to vector<2000x1xf32>
    %mul3A_15 = vector.broadcast %broadcast_in_dim3A : vector<2000x1xf32> to vector<2000x128xf32>
    %mul3A_16 = arith.mulf %dot_general3A_14, %mul3A_15 : vector<2000x128xf32>
    %slice3A = vector.extract_strided_slice %mul3A_16 {offsets = [0, 0], sizes = [2000, 64], strides = [1, 1]} : vector<2000x128xf32> to vector<2000x64xf32>
    %swap3A = arith.constant 0 : index
    %swap3A_17 = arith.constant 0 : index
    %swap3A_18 = arith.constant 0 : index
    %swap3A_19 = vector.load %arg4[%swap3A, %swap3A_17, %swap3A_18] : memref<2x2000x64xf32, #tpu.memory_space<vmem>>, vector<1x2000x64xf32>
    %swap3A_20 = vector.shape_cast %swap3A_19 : vector<1x2000x64xf32> to vector<2000x64xf32>
    %swap3A_21 = vector.shape_cast %slice3A : vector<2000x64xf32> to vector<1x2000x64xf32>
    tpu.vector_store %arg4[%swap3A, %swap3A_17, %swap3A_18], %swap3A_21 {strides = array<i32>} : memref<2x2000x64xf32, #tpu.memory_space<vmem>>, vector<1x2000x64xf32>,
    %slice3A_22 = vector.extract_strided_slice %mul3A_16 {offsets = [0, 64], sizes = [2000, 64], strides = [1, 1]} : vector<2000x128xf32> to vector<2000x64xf32>
    %swap3A_23 = arith.constant 1 : index
    %swap3A_24 = arith.constant 0 : index
    %swap3A_25 = arith.constant 0 : index
    %swap3A_26 = vector.load %arg4[%swap3A_23, %swap3A_24, %swap3A_25] : memref<2x2000x64xf32, #tpu.memory_space<vmem>>, vector<1x2000x64xf32>
    %swap3A_27 = vector.shape_cast %swap3A_26 : vector<1x2000x64xf32> to vector<2000x64xf32>
    %swap3A_28 = vector.shape_cast %slice3A_22 : vector<2000x64xf32> to vector<1x2000x64xf32>
    tpu.vector_store %arg4[%swap3A_23, %swap3A_24, %swap3A_25], %swap3A_28 {strides = array<i32>} : memref<2x2000x64xf32, #tpu.memory_space<vmem>>, vector<1x2000x64xf32>,
    return
  }
  func.func @transform_0(%arg0: i32) -> (i32, i32, i32) {
    %c0_i32 = arith.constant 0 : i32
    %c0_i32_0 = arith.constant 0 : i32
    %c0_i32_1 = arith.constant 0 : i32
    return %c0_i32, %arg0, %c0_i32_0 : i32, i32, i32
  }
  func.func @transform_1(%arg0: i32) -> (i32, i32) {
    %c0_i32 = arith.constant 0 : i32
    %c0_i32_0 = arith.constant 0 : i32
    return %arg0, %c0_i32 : i32, i32
  }
  func.func @transform_2(%arg0: i32) -> (i32, i32) {
    %c0_i32 = arith.constant 0 : i32
    %c0_i32_0 = arith.constant 0 : i32
    %c0_i32_1 = arith.constant 0 : i32
    return %c0_i32, %c0_i32_0 : i32, i32
  }
  func.func @transform_3(%arg0: i32) -> (i32, i32, i32) {
    %c0_i32 = arith.constant 0 : i32
    %c0_i32_0 = arith.constant 0 : i32
    %c0_i32_1 = arith.constant 0 : i32
    return %c0_i32, %arg0, %c0_i32_0 : i32, i32, i32
  }
}

module attributes {stable_mosaic.version = 14 : i64} {
  func.func @_tc1_body(%arg0: i32, %arg1: memref<2x1024x16xf32, #tpu.memory_space<vmem>>, %arg2: memref<128x8x128xf32, #tpu.memory_space<vmem>>, %arg3: memref<128x128xf32, #tpu.memory_space<vmem>>, %arg4: memref<1x128xf32, #tpu.memory_space<vmem>>, %arg5: memref<2x1024x64xf32, #tpu.memory_space<vmem>>) attributes {dimension_semantics = [#tpu.dimension_semantics<arbitrary>], iteration_bounds = array<i64: 10>, scalar_prefetch = 0 : i64, scratch_operands = 0 : i64, tpu.core_type = #tpu.core_type<tc>, window_params = [{transform_indices = @transform_0, window_bounds = array<i64: 2, 1024, 16>}, {transform_indices = @transform_1, window_bounds = array<i64: 128, 8, 128>}, {pipeline_mode = #tpu.pipeline_mode<synchronous>, transform_indices = @transform_2, window_bounds = array<i64: 128, 128>}, {pipeline_mode = #tpu.pipeline_mode<synchronous>, transform_indices = @transform_3, window_bounds = array<i64: 1, 128>}, {transform_indices = @transform_4, window_bounds = array<i64: 2, 1024, 64>}]} {
    %get3A = arith.constant 0 : index
    %get3A_0 = arith.constant 0 : index
    %get3A_1 = arith.constant 0 : index
    %get3A_2 = vector.load %arg1[%get3A, %get3A_0, %get3A_1] : memref<2x1024x16xf32, #tpu.memory_space<vmem>>, vector<2x1024x16xf32>
    %reduce_sum3A = arith.constant dense<0.000000e+00> : vector<1024xf32>
    %reduce_sum3A_3 = vector.multi_reduction <add>, %get3A_2, %reduce_sum3A [0, 2] : vector<2x1024x16xf32> to vector<1024xf32>
    %mul3A = arith.constant 6.250000e-02 : f32
    %mul3A_4 = vector.broadcast %mul3A : f32 to vector<1024xf32>
    %mul3A_5 = arith.mulf %reduce_sum3A_3, %mul3A_4 : vector<1024xf32>
    %max3A = arith.constant 1.000000e+00 : f32
    %max3A_6 = vector.broadcast %max3A : f32 to vector<1024xf32>
    %max3A_7 = arith.maximumf %mul3A_5, %max3A_6 : vector<1024xf32>
    %rsqrt3A = math.rsqrt %max3A_7 : vector<1024xf32>
    %get3A_8 = arith.constant 0 : index
    %get3A_9 = arith.constant 0 : index
    %get3A_10 = arith.constant 0 : index
    %get3A_11 = vector.load %arg2[%get3A_8, %get3A_9, %get3A_10] : memref<128x8x128xf32, #tpu.memory_space<vmem>>, vector<128x8x128xf32>
    %reshape3A = vector.shape_cast %get3A_11 : vector<128x8x128xf32> to vector<1024x128xf32>
    %broadcast_in_dim3A = vector.shape_cast %rsqrt3A : vector<1024xf32> to vector<1024x1xf32>
    %mul3A_12 = vector.broadcast %broadcast_in_dim3A : vector<1024x1xf32> to vector<1024x128xf32>
    %mul3A_13 = arith.mulf %reshape3A, %mul3A_12 : vector<1024x128xf32>
    %get3A_14 = arith.constant 0 : index
    %get3A_15 = arith.constant 0 : index
    %get3A_16 = vector.load %arg4[%get3A_14, %get3A_15] : memref<1x128xf32, #tpu.memory_space<vmem>>, vector<1x128xf32>
    %add3A = vector.broadcast %get3A_16 : vector<1x128xf32> to vector<1024x128xf32>
    %add3A_17 = arith.addf %mul3A_13, %add3A : vector<1024x128xf32>
    %max3A_18 = arith.constant 0.000000e+00 : f32
    %max3A_19 = vector.broadcast %max3A_18 : f32 to vector<1024x128xf32>
    %max3A_20 = arith.maximumf %add3A_17, %max3A_19 : vector<1024x128xf32>
    %get3A_21 = arith.constant 0 : index
    %get3A_22 = arith.constant 0 : index
    %get3A_23 = vector.load %arg3[%get3A_21, %get3A_22] : memref<128x128xf32, #tpu.memory_space<vmem>>, vector<128x128xf32>
    %dot_general3A = arith.constant dense<0.000000e+00> : vector<1024x128xf32>
    %dot_general3A_24 = tpu.matmul %max3A_20, %get3A_23, %dot_general3A {dimension_numbers = #tpu.dot_dimension_numbers<[1], [0], [0], [1], [0, 0, 1, 1], [], []>, transpose_lhs_hint = false} : vector<1024x128xf32>, vector<128x128xf32>, vector<1024x128xf32> -> vector<1024x128xf32>
    %broadcast_in_dim3A_25 = vector.shape_cast %rsqrt3A : vector<1024xf32> to vector<1024x1xf32>
    %mul3A_26 = vector.broadcast %broadcast_in_dim3A_25 : vector<1024x1xf32> to vector<1024x128xf32>
    %mul3A_27 = arith.mulf %dot_general3A_24, %mul3A_26 : vector<1024x128xf32>
    %slice3A = vector.extract_strided_slice %mul3A_27 {offsets = [0, 0], sizes = [1024, 64], strides = [1, 1]} : vector<1024x128xf32> to vector<1024x64xf32>
    %swap3A = arith.constant 0 : index
    %swap3A_28 = arith.constant 0 : index
    %swap3A_29 = arith.constant 0 : index
    %swap3A_30 = vector.load %arg5[%swap3A, %swap3A_28, %swap3A_29] : memref<2x1024x64xf32, #tpu.memory_space<vmem>>, vector<1x1024x64xf32>
    %swap3A_31 = vector.shape_cast %swap3A_30 : vector<1x1024x64xf32> to vector<1024x64xf32>
    %swap3A_32 = vector.shape_cast %slice3A : vector<1024x64xf32> to vector<1x1024x64xf32>
    tpu.vector_store %arg5[%swap3A, %swap3A_28, %swap3A_29], %swap3A_32 {strides = array<i32>} : memref<2x1024x64xf32, #tpu.memory_space<vmem>>, vector<1x1024x64xf32>,
    %slice3A_33 = vector.extract_strided_slice %mul3A_27 {offsets = [0, 64], sizes = [1024, 64], strides = [1, 1]} : vector<1024x128xf32> to vector<1024x64xf32>
    %swap3A_34 = arith.constant 1 : index
    %swap3A_35 = arith.constant 0 : index
    %swap3A_36 = arith.constant 0 : index
    %swap3A_37 = vector.load %arg5[%swap3A_34, %swap3A_35, %swap3A_36] : memref<2x1024x64xf32, #tpu.memory_space<vmem>>, vector<1x1024x64xf32>
    %swap3A_38 = vector.shape_cast %swap3A_37 : vector<1x1024x64xf32> to vector<1024x64xf32>
    %swap3A_39 = vector.shape_cast %slice3A_33 : vector<1024x64xf32> to vector<1x1024x64xf32>
    tpu.vector_store %arg5[%swap3A_34, %swap3A_35, %swap3A_36], %swap3A_39 {strides = array<i32>} : memref<2x1024x64xf32, #tpu.memory_space<vmem>>, vector<1x1024x64xf32>,
    return
  }
  func.func @transform_0(%arg0: i32) -> (i32, i32, i32) {
    %c0_i32 = arith.constant 0 : i32
    %c0_i32_0 = arith.constant 0 : i32
    %c0_i32_1 = arith.constant 0 : i32
    return %c0_i32, %arg0, %c0_i32_0 : i32, i32, i32
  }
  func.func @transform_1(%arg0: i32) -> (i32, i32, i32) {
    %c0_i32 = arith.constant 0 : i32
    %c0_i32_0 = arith.constant 0 : i32
    %c0_i32_1 = arith.constant 0 : i32
    return %arg0, %c0_i32, %c0_i32_0 : i32, i32, i32
  }
  func.func @transform_2(%arg0: i32) -> (i32, i32) {
    %c0_i32 = arith.constant 0 : i32
    %c0_i32_0 = arith.constant 0 : i32
    %c0_i32_1 = arith.constant 0 : i32
    return %c0_i32, %c0_i32_0 : i32, i32
  }
  func.func @transform_3(%arg0: i32) -> (i32, i32) {
    %c0_i32 = arith.constant 0 : i32
    %c0_i32_0 = arith.constant 0 : i32
    %c0_i32_1 = arith.constant 0 : i32
    return %c0_i32, %c0_i32_0 : i32, i32
  }
  func.func @transform_4(%arg0: i32) -> (i32, i32, i32) {
    %c0_i32 = arith.constant 0 : i32
    %c0_i32_0 = arith.constant 0 : i32
    %c0_i32_1 = arith.constant 0 : i32
    return %c0_i32, %arg0, %c0_i32_0 : i32, i32, i32
  }
}

module attributes {stable_mosaic.version = 14 : i64} {
  func.func @_tc2_body(%arg0: i32, %arg1: memref<2x1000x16xf32, #tpu.memory_space<vmem>>, %arg2: memref<125x8x128xf32, #tpu.memory_space<vmem>>, %arg3: memref<1x128xf32, #tpu.memory_space<vmem>>, %arg4: memref<1000x128xf32, #tpu.memory_space<vmem>>) attributes {dimension_semantics = [#tpu.dimension_semantics<arbitrary>], iteration_bounds = array<i64: 10>, scalar_prefetch = 0 : i64, scratch_operands = 0 : i64, tpu.core_type = #tpu.core_type<tc>, window_params = [{transform_indices = @transform_0, window_bounds = array<i64: 2, 1000, 16>}, {transform_indices = @transform_1, window_bounds = array<i64: 125, 8, 128>}, {pipeline_mode = #tpu.pipeline_mode<synchronous>, transform_indices = @transform_2, window_bounds = array<i64: 1, 128>}, {transform_indices = @transform_3, window_bounds = array<i64: 1000, 128>}]} {
    %get3A = arith.constant 0 : index
    %get3A_0 = arith.constant 0 : index
    %get3A_1 = arith.constant 0 : index
    %get3A_2 = vector.load %arg1[%get3A, %get3A_0, %get3A_1] : memref<2x1000x16xf32, #tpu.memory_space<vmem>>, vector<2x1000x16xf32>
    %reduce_sum3A = arith.constant dense<0.000000e+00> : vector<1000xf32>
    %reduce_sum3A_3 = vector.multi_reduction <add>, %get3A_2, %reduce_sum3A [0, 2] : vector<2x1000x16xf32> to vector<1000xf32>
    %mul3A = arith.constant 6.250000e-02 : f32
    %mul3A_4 = vector.broadcast %mul3A : f32 to vector<1000xf32>
    %mul3A_5 = arith.mulf %reduce_sum3A_3, %mul3A_4 : vector<1000xf32>
    %max3A = arith.constant 1.000000e+00 : f32
    %max3A_6 = vector.broadcast %max3A : f32 to vector<1000xf32>
    %max3A_7 = arith.maximumf %mul3A_5, %max3A_6 : vector<1000xf32>
    %rsqrt3A = math.rsqrt %max3A_7 : vector<1000xf32>
    %get3A_8 = arith.constant 0 : index
    %get3A_9 = arith.constant 0 : index
    %get3A_10 = arith.constant 0 : index
    %get3A_11 = vector.load %arg2[%get3A_8, %get3A_9, %get3A_10] : memref<125x8x128xf32, #tpu.memory_space<vmem>>, vector<125x8x128xf32>
    %reshape3A = vector.shape_cast %get3A_11 : vector<125x8x128xf32> to vector<1000x128xf32>
    %broadcast_in_dim3A = vector.shape_cast %rsqrt3A : vector<1000xf32> to vector<1000x1xf32>
    %mul3A_12 = vector.broadcast %broadcast_in_dim3A : vector<1000x1xf32> to vector<1000x128xf32>
    %mul3A_13 = arith.mulf %reshape3A, %mul3A_12 : vector<1000x128xf32>
    %get3A_14 = arith.constant 0 : index
    %get3A_15 = arith.constant 0 : index
    %get3A_16 = vector.load %arg3[%get3A_14, %get3A_15] : memref<1x128xf32, #tpu.memory_space<vmem>>, vector<1x128xf32>
    %add3A = vector.broadcast %get3A_16 : vector<1x128xf32> to vector<1000x128xf32>
    %add3A_17 = arith.addf %mul3A_13, %add3A : vector<1000x128xf32>
    %swap3A = arith.constant 0 : index
    %swap3A_18 = arith.constant 0 : index
    %swap3A_19 = vector.load %arg4[%swap3A, %swap3A_18] : memref<1000x128xf32, #tpu.memory_space<vmem>>, vector<1000x128xf32>
    tpu.vector_store %arg4[%swap3A, %swap3A_18], %add3A_17 {strides = array<i32>} : memref<1000x128xf32, #tpu.memory_space<vmem>>, vector<1000x128xf32>,
    return
  }
  func.func @transform_0(%arg0: i32) -> (i32, i32, i32) {
    %c0_i32 = arith.constant 0 : i32
    %c0_i32_0 = arith.constant 0 : i32
    %c0_i32_1 = arith.constant 0 : i32
    return %c0_i32, %arg0, %c0_i32_0 : i32, i32, i32
  }
  func.func @transform_1(%arg0: i32) -> (i32, i32, i32) {
    %c0_i32 = arith.constant 0 : i32
    %c0_i32_0 = arith.constant 0 : i32
    %c0_i32_1 = arith.constant 0 : i32
    return %arg0, %c0_i32, %c0_i32_0 : i32, i32, i32
  }
  func.func @transform_2(%arg0: i32) -> (i32, i32) {
    %c0_i32 = arith.constant 0 : i32
    %c0_i32_0 = arith.constant 0 : i32
    %c0_i32_1 = arith.constant 0 : i32
    return %c0_i32, %c0_i32_0 : i32, i32
  }
  func.func @transform_3(%arg0: i32) -> (i32, i32) {
    %c0_i32 = arith.constant 0 : i32
    %c0_i32_0 = arith.constant 0 : i32
    return %arg0, %c0_i32 : i32, i32
  }
}

</mosaic_0001>

<sc_bundles>
// kernel: kernel.11.cloned.1.call-start
scs
__scs_entry_jumppad:
0x0: {  	(pc) =	sbr.rel $0x88, $3  }
0x1: {  	(tag) =	ssettag $0x0;
	lr =	simm.s32 $0x1  }
0x2: {  	[smem:$0x3F9B] =	sst lr;
	_ =	strace $0xD0000000  }
0x3: {  	_ = 	snop  }
0x4: {  	_ = 	snop  }
0x5: {  	_ = 	snop  }
0x6: {  	_ = 	snop  }
0x7: {  	_ = 	snop  }
__scs_overlays_trampoline_lowered:
0x8: {  	[smem:$0x3FAA] =	sst s0  }
0x9: {  	[smem:$0x3FAB] =	sst s1  }
0xa: {  	[smem:$0x3FAC] =	sst s2  }
0xb: {  	[smem:$0x3FAD] =	sst s3  }
0xc: {  	[smem:$0x3FAE] =	sst s4  }
0xd: {  	[smem:$0x3FAF] =	sst s5  }
0xe: {  	[smem:$0x3FB0] =	sst s6  }
0xf: {  	[smem:$0x3FB1] =	sst s7  }
0x10: {  	[smem:$0x3FB2] =	sst s8  }
0x11: {  	[smem:$0x3FB3] =	sst s9;
	s0 =	simm.s32 @!p0 $0x0  }
0x12: {  	s1 =	sld [smem:$0x3F99];
	s0 =	simm.s32 @p0 $0x1  }
0x13: {  	[smem:$0x3FB4] =	sst s0;
	s0 =	simm.s32 @!p1 $0x0  }
0x14: {  	s2 =	sld [smem:$0x3F98];
	s0 =	simm.s32 @p1 $0x1  }
0x15: {  	[smem:$0x3FB5] =	sst s0;
	s0 =	simm.s32 @!p2 $0x0  }
0x16: {  	s3 =	sld [smem:$0x3FDB];
	s0 =	simm.s32 @p2 $0x1  }
0x17: {  	s4 =	simm.s32 $0x1BF5;
	[smem:$0x3FB7] =	sst s0  }
0x18: {  	s0 =	sld [smem:$0x3F9A];
	_ =	swait.ge [sflag:s4], $0x0  }
0x19: {  	s7 =	sld [smem:$0x3F9B]  }
0x1a: {  	s8 =	sadd.s32 $0xFFFFE003, lr  }
0x1b: {  	s9 =	sadd.s32 $0xFFFFFEF7, lr;
	s5 =	simm.s32 $0xFFFFFFFF;
	p2 =	slt.u32 s8, $0xFFFFF086  }
0x1c: {  	p1 =	slt.u32 s9, $0xF7A;
	s5 =	simm.s32 @!p2 $0x0  }
0x1d: {  	s5 =	simm.s32 @p1 $0x1;
	p0 =	seq.s32 s7, s2  }
0x1e: {  	s7 =	smul.u32 @!p0 $0xF7A, s2;
	p2 =	seq.s32 @!p0 s5, $0x0  }
0x1f: {  	s9 =	smul.u32 $0xF7A, s1;
	s8 =	simm.s32 @!p0 $0x1BF5;
	p2 =	por !p2, p0  }
0x20: {  	[sflag:s8] =	ssyncset.s32 @!p0 $0xFFFFF086;
	s6 =	sadd.s32 @!p0 s3, s7;
	s7 =	simm.s32 @!p0 $0x108  }
0x21: {  	s3 =	sadd.s32 s3, s9;
	s6 =	sadd.s32 @!p0 $0x88, s6;
	s7 =	simm.s32 @p2 $0x1082  }
0x22: {  	[simem:s7], [sflag:s8] =	dma.local @!p0 [hbm:s6], $0xF7A  }
0x23: {  	s9 =	sor.u32 $0xD0000000, s2;
	s6 =	simm.s32 $0x108;
	_ =	swait.ge @!p0 [sflag:s8], $0x0  }
0x24: {  	s3 =	sadd.s32 $0x88, s3;
	s6 =	simm.s32 @!p1 $0x1082;
	[sflag:s4] =	ssyncset.s32 $0xFFFFF086  }
0x25: {  	[simem:s6], [sflag:s4] =	dma.local [hbm:s3], $0xF7A  }
0x26: {  	[smem:$0x3F9B] =	sst s1;
	(tag) =	ssettag s2;
	_ =	strace s9  }
0x27: {  	s1 =	sld [smem:$0x3FAB]  }
0x28: {  	s2 =	sld [smem:$0x3FAC]  }
0x29: {  	s4 =	sld [smem:$0x3FAE]  }
0x2a: {  	p0 =	seq.s32 s5, $0x0;
	s5 =	sld [smem:$0x3FAF]  }
0x2b: {  	s6 =	sld [smem:$0x3FB0]  }
0x2c: {  	s7 =	sld [smem:$0x3FB1]  }
0x2d: {  	s3 =	simm.s32 $0x108;
	s8 =	sld [smem:$0x3FB2]  }
0x2e: {  	s3 =	simm.s32 @!p0 $0x1082;
	s9 =	sld [smem:$0x3FB3]  }
0x2f: {  	lr =	sadd.s32 s0, s3;
	s0 =	sld [smem:$0x3FAA]  }
0x30: {  	s3 =	sld [smem:$0x3FAD]  }
0x31: {  	[smem:$0x3FB6] =	sst s10  }
0x32: {  	s10 =	sld [smem:$0x3FB4];
	_ =	sdelay $0x3  }
0x33: {  	p0 =	seq.s32 s10, $0x1;
	s10 =	sld [smem:$0x3FB6];
	_ =	sdelay $0x3  }
0x34: {  	[smem:$0x3FB6] =	sst s10  }
0x35: {  	s10 =	sld [smem:$0x3FB5];
	_ =	sdelay $0x3  }
0x36: {  	p1 =	seq.s32 s10, $0x1;
	s10 =	sld [smem:$0x3FB6];
	_ =	sdelay $0x3  }
0x37: {  	[smem:$0x3FB6] =	sst s10  }
0x38: {  	s10 =	sld [smem:$0x3FB7]  }
0x39: {  	_ = 	snop;
	(pc) =	sbr.ind lr, $3  }
0x3a: {  	_ = 	snop  }
0x3b: {  	_ = 	snop  }
0x3c: {  	p2 =	seq.s32 s10, $0x1;
	s10 =	sld [smem:$0x3FB6]  }
0x3d: {  	_ =	shalt  }
0x3e: {  	_ =	shalt  }
0x3f: {  	_ =	shalt  }
0x40: {  	_ =	shalt  }
0x41: {  	_ =	shalt  }
0x42: {  	_ =	shalt  }
0x43: {  	_ =	shalt  }
0x44: {  	_ =	shalt  }
0x45: {  	_ =	shalt  }
0x46: {  	_ =	shalt  }
0x47: {  	_ =	shalt  }
0x48: {  	_ =	shalt  }
0x49: {  	_ =	shalt  }
0x4a: {  	_ =	shalt  }
0x4b: {  	_ =	shalt  }
0x4c: {  	_ =	shalt  }
0x4d: {  	_ =	shalt  }
0x4e: {  	_ =	shalt  }
0x4f: {  	_ =	shalt  }
0x50: {  	_ =	shalt  }
0x51: {  	_ =	shalt  }
0x52: {  	_ =	shalt  }
0x53: {  	_ =	shalt  }
0x54: {  	_ =	shalt  }
0x55: {  	_ =	shalt  }
0x56: {  	_ =	shalt  }
0x57: {  	_ =	shalt  }
0x58: {  	_ =	shalt  }
0x59: {  	_ =	shalt  }
0x5a: {  	_ =	shalt  }
0x5b: {  	_ =	shalt  }
0x5c: {  	_ =	shalt  }
0x5d: {  	_ =	shalt  }
0x5e: {  	_ =	shalt  }
0x5f: {  	_ =	shalt  }
0x60: {  	_ =	shalt  }
0x61: {  	_ =	shalt  }
0x62: {  	_ =	shalt  }
0x63: {  	_ =	shalt  }
0x64: {  	_ =	shalt  }
0x65: {  	_ =	shalt  }
0x66: {  	_ =	shalt  }
0x67: {  	_ =	shalt  }
0x68: {  	_ =	shalt  }
0x69: {  	_ =	shalt  }
0x6a: {  	_ =	shalt  }
0x6b: {  	_ =	shalt  }
0x6c: {  	_ =	shalt  }
0x6d: {  	_ =	shalt  }
0x6e: {  	_ =	shalt  }
0x6f: {  	_ =	shalt  }
0x70: {  	_ =	shalt  }
0x71: {  	_ =	shalt  }
0x72: {  	_ =	shalt  }
0x73: {  	_ =	shalt  }
0x74: {  	_ =	shalt  }
0x75: {  	_ =	shalt  }
0x76: {  	_ =	shalt  }
0x77: {  	_ =	shalt  }
0x78: {  	_ =	shalt  }
0x79: {  	_ =	shalt  }
0x7a: {  	_ =	shalt  }
0x7b: {  	_ =	shalt  }
0x7c: {  	_ =	shalt  }
0x7d: {  	_ =	shalt  }
0x7e: {  	_ =	shalt  }
0x7f: {  	_ =	shalt  }
0x80: {  	_ =	shalt  }
0x81: {  	_ =	shalt  }
0x82: {  	_ =	shalt  }
0x83: {  	_ =	shalt  }
0x84: {  	_ =	shalt  }
0x85: {  	_ =	shalt  }
0x86: {  	_ =	shalt  }
0x87: {  	_ =	shalt  }
.Lfunc_end0:
.L_simem_size_0:
called_computation.1_lowered:
.L_overlay_start_0:
0x88: {  	s2 =	sld [smem:$0x3FD9]  }
0x89: {  	s3 =	sld [smem:$0x3FFE];
	_ =	sdelay $0x1  }
0x8a: {  	s1 =	srdreg.scid  }
0x8b: {  	s0 =	sand.u32 $0x1, s1  }
0x8c: {  	s17 =	sshll.u32 s0, $0xA;
	s2 =	sadd.s32 s3, s2  }
0x8d: {  	s2 =	sadd.s32 s2, s17  }
0x8e: {  	[smem:$0x3FC2] =	sst s2  }
0x8f: {  	_ = 	snop  }
0x90: {  	s2 =	sld [smem:$0x3FD0];
	(tm) =	ssettm $0x1  }
0x91: {  	s18 =	sld [smem:$0x3FFB];
	_ =	sdelay $0x3  }
0x92: {  	_ =	strace s18  }
0x93: {  	s3 =	sld [smem:$0x3FFC];
	_ =	sdelay $0x3  }
0x94: {  	_ =	strace s3  }
0x95: {  	s3 =	sld [smem:$0x3FFD];
	_ =	sdelay $0x3  }
0x96: {  	_ =	strace s3  }
0x97: {  	_ =	strace $0x8FFFFFFF  }
0x98: {  	s19 =	sld [smem:$0x3FDB];
	_ =	sdelay $0x1  }
0x99: {  	s4 =	simm.s32 $_scs_section_size  }
0x9a: {  	s5 =	simm.s32 $_size__tile_overlayer_lowered;
	s6 =	simm.s32 $_tile_overlayer_lowered  }
0x9b: {  	s22 =	simm.s32 $0x1BFF;
	s21 =	sshll.u32 s6, $0x1;
	s3 =	sadd.s32 s4, s19  }
0x9c: {  	s7 =	simm.s32 $0x0;
	s20 =	sshll.u32 s5, $0x1;
	s5 =	sadd.s32 s21, s3  }
0x9d: {  	[timem:s7], [sflag:s22] =	dma.local [hbm:s5], s20  }
0x9e: {  	_ =	swait.ge [sflag:s22], s20  }
0x9f: {  	s4 =	ssub.s32 $0x0, s20;
	[sflag:s22] =	ssyncset.done $0x0  }
0xa0: {  	[sflag:s22] =	ssyncadd.s32 s4;
	_ =	sdelay $0x1  }
0xa1: {  	s23 =	simm.s32 $0x1B8B  }
0xa2: {  	_ =	swait.ge [sflag:s23], $0x1  }
0xa3: {  	[sflag:s23] =	ssyncset.done $0x0  }
0xa4: {  	s25 =	simm.s32 $0x1B8E;
	s24 =	sld [smem:$0x3FFE];
	[sflag:s23] =	ssyncadd.s32 $0xFFFFFFFF  }
0xa5: {  	s26 =	simm.s32 $execute0_lowered;
	[smem:$0x3FD2] =	sst s25  }
0xa6: {  	s5 =	sshll.u32 s26, $0x1;
	_ =	strace $0x80000049;
	[dreg:$0x1] =	wrdreg $0xFFFFFFFF  }
0xa7: {  	s28 =	simm.s32 $_size_execute0_lowered;
	s3 =	sadd.s32 s3, s5;
	[dreg:$0x0] =	wrdreg $0x0  }
0xa8: {  	s5 =	sshll.u32 s28, $0x1;
	[dreg:$0x2] =	wrdreg s3  }
0xa9: {  	[dreg:$0x3] =	wrdreg s5  }
0xaa: {  	[dreg:$0x4] =	wrdreg $0xC0  }
0xab: {  	_ =	task [dreg:s7], $0x5FFFF  }
0xac: {  	[dreg:$0x1] =	wrdreg $0xFFFFFFFF  }
0xad: {  	[dreg:$0x0] =	wrdreg $0x60  }
0xae: {  	[dreg:$0x2] =	wrdreg s24  }
0xaf: {  	[dreg:$0x3] =	wrdreg s2  }
0xb0: {  	[dreg:$0x4] =	wrdreg $0x140000  }
0xb1: {  	[dreg:$0x5] =	wrdreg $0x9  }
0xb2: {  	_ =	task.clear_ibuf [dreg:s7], $0x6FFFF;
	_ =	strace $0x90000049  }
0xb3: {  	s29 =	simm.s32 $0x9;
	_ =	strace $0x8000004B  }
0xb4: {  	_ =	swait.ge [sflag:s29], $0x1  }
0xb5: {  	[sflag:s29] =	ssyncadd.s32 $0xFFFFFFFF  }
0xb6: {  	_ =	strace $0x9000004B  }
0xb7: {  	_ =	sfence  }
0xb8: {  	s30 =	sld [smem:$0x0];
	_ =	sdelay $0x2  }
0xb9: {  	s31 =	sshll.u32 s1, $0xD;
	s1 =	sshrl.u32 s1, $0x2  }
0xba: {  	s3 =	sand.u32 $0x4000, s31;
	s1 =	sadd.s32 s1, s30  }
0xbb: {  	s0 =	sor.u32 s3, s0;
	s1 =	sshll.u32 s1, $0x11  }
0xbc: {  	s0 =	sor.u32 s1, s0  }
0xbd: {  	s0 =	sadd.s32 $0x8F2B, s0  }
0xbe: {  	[sflag:s0] =	ssyncadd.remote.s32 $0x1  }
0xbf: {  	_ =	sfence.sel $0xFFFF  }
0xc0: {  	[dreg:$0x0] =	wrdreg $0xFFFFFFFF;
	(pc) =	sbr.abs _section_cstart, $3  }
0xc1: {  	[dreg:$0x1] =	wrdreg $0xFFFFFFFF  }
0xc2: {  	_ =	task.clear_ibuf [dreg:s7], $0x2FFFF;
	_ =	strace $0x9FFFFFFF  }
0xc3: {  	(tm) =	ssettm $0x7FFFFFFF  }
tec
execute0_lowered:
.L_overlay_start_1:
0x0: {  	(tag) =	ssettag $0x1  }
0x1: {  	s0 =	rddreg [dreg:$0x0]  }
0x2: {  	s1 =	rddreg [dreg:$0x1]  }
0x3: {  	s11 =	stileid.u32;
	s3 =	srdreg.scid  }
0x4: {  	s2 =	rddreg [dreg:$0x2];
	s14 =	simm.s32 $0x80;
	s15 =	simm.s32 $0xA000  }
0x5: {  	s16 =	simm.s32 $0xC000;
	s18 =	simm.s32 $0xE000;
	s19 =	simm.s32 $0x1  }
0x6: {  	s21 =	simm.s32 $0x10000;
	s24 =	simm.s32 $0x12000;
	s31 =	simm.s32 $0x5200  }
0x7: {  	s17 =	simm.s32 $0x8;
	s20 =	simm.s32 $0x0;
	s4 =	smul.u32 $0xA00, s11  }
0x8: {  	s5 =	sand.u32 $0x1, s3;
	s3 =	simm.s32 $0x0;
	s7 =	smul.u32 $0x14000, s11  }
0x9: {  	s28 =	smul.u32 $0xA000, s11;
	s30 =	sshll.u32 s11, $0x6;
	s11 =	simm.s32 $0x5000  }
0xa: {  	s6 =	smul.u32 $0x14000, s5;
	[smem:$0x7FF] =	sst s3;
	s25 =	sshll.u32 s5, $0x6  }
0xb: {  	s5 =	ssub.s32 $0x2, s5;
	s12 =	sor.u32 $0x1C03, s30;
	_ =	strace $0x8000004A  }
0xc: {  	s8 =	sadd.s32 s4, s0;
	s4 =	sor.u32 s25, s7;
	s26 =	sshrl.u32 s5, $0x1  }
0xd: {  	s13 =	sadd.s32 s28, s2;
	s29 =	sshrl.u32 s28, $0x3;
	s9 =	sadd.s32 s6, s0  }
.Ltmp0:
0xe: {  	s4 =	sshrl.u32 s4, $0x3;
	s10 =	ssub.s32 s5, s26;
	(pc) =	sbr.rel .LBB2_1-.Ltmp0, $4  }
0xf: {  	s5 =	sadd.s32 $0x2400, s8;
	s6 =	sadd.s32 s1, s29;
	s13 =	sshrl.u32 s13, $0x3  }
0x10: {  	s26 =	simm.s32 $0x2;
	s1 =	simm.s32 $0x380;
	s0 =	sadd.s32 s4, s0  }
0x11: {  	s4 =	sadd.s32 $0x11600, s8;
	s7 =	sadd.s32 $0x6B600, s9;
	s9 =	smax.u32 s10, $0x1  }
0x12: {  	s10 =	simm.s32 $0x3;
	s8 =	sadd.s32 $0x93600, s0;
	s0 =	simm.s32 $0x10  }
.LBB2_4:
0x13: {  	_ =	swait.ge [sflag:s26], $0x2000  }
0x14: {  	[sflag:s26] =	ssyncset.done $0x0  }
0x15: {  	[sflag:s26] =	ssyncadd.s32 $0xFFFFE000  }
0x16: {  	_ =	swait.ge [sflag:s26], $0x2000  }
0x17: {  	s20 =	sadd.s32 $0x1, s20;
	[sflag:s26] =	ssyncset.done $0x0  }
0x18: {  	p0 =	sne.s32 s20, s9;
	[sflag:s26] =	ssyncadd.s32 $0xFFFFE000  }
.Ltmp1:
0x19: {  	[bflag:$0x0] =	sbarrier.arrive $0xFFFF;
	(pc) =	sbr.rel @!p0 .LBB2_5-.Ltmp1, $4  }
0x1a: {  	[hbm:s8@s0], [sflag:s12] =	dma.strided [spmem:s13@s17], $0x1400, s19, $0x8   }
0x1b: {  	_ =	swait.ge [sflag:s10], $0x1400  }
0x1c: {  	[sflag:s10] =	ssyncset.done $0x0  }
0x1d: {  	[sflag:s10] =	ssyncadd.s32 $0xFFFFEC00  }
.LBB2_1:
0x1e: {  	[tilespmem:s3], [sflag:$0x3] =	stream.linear.gather [hbm4b:s4+s3], $0x5000, $0x38;
	[tilespmem:$0x1E000] =	vst v63  }
0x1f: {  	_ =	swait.ge [sflag:s10], $0x5000  }
0x20: {  	[sflag:s10] =	ssyncset.done $0x0  }
0x21: {  	[sflag:s10] =	ssyncadd.s32 $0xFFFFB000  }
0x22: {  	[tilespmem:s11], [sflag:$0x3] =	stream.linear.gather [hbm4b:s5+s3], $0x5000, $0x38;
	[tilespmem:$0x1E000] =	vst v63  }
0x23: {  	_ =	swait.ge [sflag:s10], $0x5000  }
0x24: {  	[sflag:s10] =	ssyncset.done $0x0  }
0x25: {  	[sflag:s10] =	ssyncadd.s32 $0xFFFFB000  }
0x26: {  	[spmem:s13], [sflag:s12] =	dma.local [hbm:s6], $0x1400  }
0x27: {  	_ =	swait.ge [sflag:s10], $0x1400  }
0x28: {  	[sflag:s10] =	ssyncset.done $0x0  }
0x29: {  	[sflag:s10] =	ssyncadd.s32 $0xFFFFEC00  }
0x2a: {  	[bflag:$0x0] =	sbarrier.arrive $0xFFFF  }
0x2b: {  	[tilespmem:s15], [sflag:$0x1] =	stream.indirect.gather [hbm4b:s7+s14], $0x40, s3, s14, $0xb8;
	[tilespmem:$0x1E000] =	vst v63  }
0x2c: {  	_ = 	snop  }
0x2d: {  	[tilespmem:s16], [sflag:$0x1] =	stream.indirect.gather [hbm4b:s7+s14], $0x40, s14, s14, $0xb8;
	[tilespmem:$0x1E000] =	vst v63  }
0x2e: {  	s22 =	simm.s32 $0x100  }
0x2f: {  	[tilespmem:s18], [sflag:$0x1] =	stream.indirect.gather [hbm4b:s7+s14], $0x40, s22, s14, $0xb8;
	[tilespmem:$0x1E000] =	vst v63  }
0x30: {  	_ =	swait.ge [sflag:s19], $0x2000  }
0x31: {  	[sflag:s19] =	ssyncset.done $0x0  }
0x32: {  	[sflag:s19] =	ssyncadd.s32 $0xFFFFE000  }
0x33: {  	[spmem:s2] =	stream.indirect.scatter.add.f32 [tilespmem:s15], [sflag:$0x2], $0x40, s11, s14, $0xb8;
	[tilespmem:$0x1E000] =	vst v63  }
0x34: {  	s29 =	simm.s32 $0x180  }
0x35: {  	[tilespmem:s21], [sflag:$0x1] =	stream.indirect.gather [hbm4b:s7+s14], $0x40, s29, s14, $0xb8;
	[tilespmem:$0x1E000] =	vst v63  }
0x36: {  	_ =	swait.ge [sflag:s19], $0x2000  }
0x37: {  	[sflag:s19] =	ssyncset.done $0x0  }
0x38: {  	s30 =	simm.s32 $0x5080;
	[sflag:s19] =	ssyncadd.s32 $0xFFFFE000  }
0x39: {  	[spmem:s2] =	stream.indirect.scatter.add.f32 [tilespmem:s16], [sflag:$0x2], $0x40, s30, s14, $0xb8;
	[tilespmem:$0x1E000] =	vst v63  }
0x3a: {  	s23 =	simm.s32 $0x200  }
0x3b: {  	[tilespmem:s24], [sflag:$0x1] =	stream.indirect.gather [hbm4b:s7+s14], $0x40, s23, s14, $0xb8;
	[tilespmem:$0x1E000] =	vst v63  }
0x3c: {  	_ =	swait.ge [sflag:s19], $0x2000  }
0x3d: {  	[sflag:s19] =	ssyncset.done $0x0  }
0x3e: {  	s25 =	simm.s32 $0x5100;
	[sflag:s19] =	ssyncadd.s32 $0xFFFFE000  }
0x3f: {  	[spmem:s2] =	stream.indirect.scatter.add.f32 [tilespmem:s18], [sflag:$0x2], $0x40, s25, s14, $0xb8;
	[tilespmem:$0x1E000] =	vst v63  }
0x40: {  	_ =	swait.ge [sflag:s26], $0x2000  }
0x41: {  	[sflag:s26] =	ssyncset.done $0x0  }
0x42: {  	s28 =	simm.s32 $0x280;
	[sflag:s26] =	ssyncadd.s32 $0xFFFFE000  }
0x43: {  	[tilespmem:s15], [sflag:$0x1] =	stream.indirect.gather [hbm4b:s7+s14], $0x40, s28, s14, $0xb8;
	[tilespmem:$0x1E000] =	vst v63  }
0x44: {  	_ =	swait.ge [sflag:s19], $0x2000  }
0x45: {  	[sflag:s19] =	ssyncset.done $0x0  }
0x46: {  	s29 =	simm.s32 $0x5180;
	[sflag:s19] =	ssyncadd.s32 $0xFFFFE000  }
0x47: {  	[spmem:s2] =	stream.indirect.scatter.add.f32 [tilespmem:s21], [sflag:$0x2], $0x40, s29, s14, $0xb8;
	[tilespmem:$0x1E000] =	vst v63  }
0x48: {  	_ =	swait.ge [sflag:s26], $0x2000  }
0x49: {  	[sflag:s26] =	ssyncset.done $0x0  }
0x4a: {  	s30 =	simm.s32 $0x300;
	[sflag:s26] =	ssyncadd.s32 $0xFFFFE000  }
0x4b: {  	[tilespmem:s16], [sflag:$0x1] =	stream.indirect.gather [hbm4b:s7+s14], $0x40, s30, s14, $0xb8;
	[tilespmem:$0x1E000] =	vst v63  }
0x4c: {  	_ =	swait.ge [sflag:s19], $0x2000  }
0x4d: {  	[sflag:s19] =	ssyncset.done $0x0  }
0x4e: {  	[sflag:s19] =	ssyncadd.s32 $0xFFFFE000  }
0x4f: {  	[spmem:s2] =	stream.indirect.scatter.add.f32 [tilespmem:s24], [sflag:$0x2], $0x40, s31, s14, $0xb8;
	[tilespmem:$0x1E000] =	vst v63  }
0x50: {  	_ =	swait.ge [sflag:s26], $0x2000  }
0x51: {  	[sflag:s26] =	ssyncset.done $0x0  }
0x52: {  	s22 =	simm.s32 $0x0;
	[sflag:s26] =	ssyncadd.s32 $0xFFFFE000  }
0x53: {  	[tilespmem:s18], [sflag:$0x1] =	stream.indirect.gather [hbm4b:s7+s14], $0x40, s1, s14, $0xb8;
	[tilespmem:$0x1E000] =	vst v63  }
.LBB2_2:
0x54: {  	_ =	swait.ge [sflag:s19], $0x2000  }
0x55: {  	s23 =	sshra.s32 s22, $0x2;
	[sflag:s19] =	ssyncset.done $0x0  }
0x56: {  	s25 =	sadd.s32 $0x5280, s23;
	[sflag:s19] =	ssyncadd.s32 $0xFFFFE000  }
0x57: {  	[spmem:s2] =	stream.indirect.scatter.add.f32 [tilespmem:s15], [sflag:$0x2], $0x40, s25, s14, $0xb8;
	[tilespmem:$0x1E000] =	vst v63  }
0x58: {  	_ =	swait.ge [sflag:s26], $0x2000  }
0x59: {  	[sflag:s26] =	ssyncset.done $0x0  }
0x5a: {  	s29 =	sadd.s32 $0x400, s23;
	[sflag:s26] =	ssyncadd.s32 $0xFFFFE000  }
0x5b: {  	[tilespmem:s21], [sflag:$0x1] =	stream.indirect.gather [hbm4b:s7+s14], $0x40, s29, s14, $0xb8;
	[tilespmem:$0x1E000] =	vst v63  }
0x5c: {  	_ =	swait.ge [sflag:s19], $0x2000  }
0x5d: {  	[sflag:s19] =	ssyncset.done $0x0  }
0x5e: {  	s30 =	sadd.s32 $0x5300, s23;
	[sflag:s19] =	ssyncadd.s32 $0xFFFFE000  }
0x5f: {  	[spmem:s2] =	stream.indirect.scatter.add.f32 [tilespmem:s16], [sflag:$0x2], $0x40, s30, s14, $0xb8;
	[tilespmem:$0x1E000] =	vst v63  }
0x60: {  	_ =	swait.ge [sflag:s26], $0x2000  }
0x61: {  	[sflag:s26] =	ssyncset.done $0x0  }
0x62: {  	s28 =	sadd.s32 $0x480, s23;
	[sflag:s26] =	ssyncadd.s32 $0xFFFFE000  }
0x63: {  	[tilespmem:s24], [sflag:$0x1] =	stream.indirect.gather [hbm4b:s7+s14], $0x40, s28, s14, $0xb8;
	[tilespmem:$0x1E000] =	vst v63  }
0x64: {  	_ =	swait.ge [sflag:s19], $0x2000  }
0x65: {  	[sflag:s19] =	ssyncset.done $0x0  }
0x66: {  	s29 =	sadd.s32 $0x5380, s23;
	[sflag:s19] =	ssyncadd.s32 $0xFFFFE000  }
0x67: {  	[spmem:s2] =	stream.indirect.scatter.add.f32 [tilespmem:s18], [sflag:$0x2], $0x40, s29, s14, $0xb8;
	[tilespmem:$0x1E000] =	vst v63  }
0x68: {  	_ =	swait.ge [sflag:s26], $0x2000  }
0x69: {  	p0 =	seq.s32 s22, $0x12C00;
	[sflag:s26] =	ssyncset.done $0x0  }
0x6a: {  	s25 =	simm.s32 @p0 $0x1;
	[sflag:s26] =	ssyncadd.s32 $0xFFFFE000  }
0x6b: {  	_ =	swait.ge @p0 [sflag:s25], $0x2000  }
0x6c: {  	[sflag:s25] =	ssyncset.done @p0 $0x0  }
0x6d: {  	[sflag:s25] =	ssyncadd.s32 @p0 $0xFFFFE000;
	s25 =	sshra.s32 @p0 s22, $0x2  }
0x6e: {  	s28 =	simm.s32 @p0 $0x80;
	s29 =	simm.s32 @p0 $0x10000;
	s25 =	sadd.s32 @p0 $0x5400, s25  }
0x6f: {  	[spmem:s2] =	stream.indirect.scatter.add.f32 @p0 [tilespmem:s29], [sflag:$0x2], $0x40, s25, s28, $0xb8;
	[tilespmem:$0x1E000] =	vst v63  }
0x70: {  	s25 =	simm.s32 @p0 $0x2  }
0x71: {  	_ =	swait.ge @p0 [sflag:s25], $0x2000  }
0x72: {  	[sflag:s25] =	ssyncset.done @p0 $0x0  }
0x73: {  	[sflag:s25] =	ssyncadd.s32 @p0 $0xFFFFE000;
	s25 =	sshra.s32 @!p0 s22, $0x2  }
0x74: {  	s30 =	simm.s32 @!p0 $0xA000;
	s29 =	simm.s32 @!p0 $0x80;
	s28 =	sadd.s32 @!p0 $0x500, s25  }
0x75: {  	[tilespmem:s30], [sflag:$0x1] =	stream.indirect.gather @!p0 [hbm4b:s7+s29], $0x40, s28, s29, $0xb8;
	[tilespmem:$0x1E000] =	vst v63  }
0x76: {  	s28 =	simm.s32 @!p0 $0x1  }
0x77: {  	_ =	swait.ge @!p0 [sflag:s28], $0x2000  }
0x78: {  	[sflag:s28] =	ssyncset.done @!p0 $0x0  }
0x79: {  	s30 =	simm.s32 @!p0 $0x10000;
	[sflag:s28] =	ssyncadd.s32 @!p0 $0xFFFFE000;
	s28 =	sadd.s32 @!p0 $0x5400, s25  }
0x7a: {  	[spmem:s2] =	stream.indirect.scatter.add.f32 @!p0 [tilespmem:s30], [sflag:$0x2], $0x40, s28, s29, $0xb8;
	[tilespmem:$0x1E000] =	vst v63  }
0x7b: {  	s28 =	simm.s32 @!p0 $0x2  }
0x7c: {  	_ =	swait.ge @!p0 [sflag:s28], $0x2000  }
0x7d: {  	[sflag:s28] =	ssyncset.done @!p0 $0x0  }
0x7e: {  	s25 =	sadd.s32 @!p0 $0x580, s25;
	[sflag:s28] =	ssyncadd.s32 @!p0 $0xFFFFE000;
	s28 =	simm.s32 @!p0 $0xC000  }
0x7f: {  	[tilespmem:s28], [sflag:$0x1] =	stream.indirect.gather @!p0 [hbm4b:s7+s29], $0x40, s25, s29, $0xb8;
	[tilespmem:$0x1E000] =	vst v63  }
0x80: {  	_ =	swait.ge [sflag:s19], $0x2000  }
0x81: {  	[sflag:s19] =	ssyncset.done $0x0  }
.Ltmp2:
0x82: {  	s30 =	sadd.s32 $0x5480, s23;
	[sflag:s19] =	ssyncadd.s32 $0xFFFFE000;
	(pc) =	sbr.rel @p0 .LBB2_4-.Ltmp2, $4  }
0x83: {  	[spmem:s2] =	stream.indirect.scatter.add.f32 [tilespmem:s24], [sflag:$0x2], $0x40, s30, s14, $0xb8;
	[tilespmem:$0x1E000] =	vst v63  }
0x84: {  	_ =	swait.ge [sflag:s26], $0x2000  }
0x85: {  	[sflag:s26] =	ssyncset.done $0x0  }
0x86: {  	[sflag:s26] =	ssyncadd.s32 $0xFFFFE000  }
.Ltmp3:
0x87: {  	(pc) =	sbr.rel .LBB2_2-.Ltmp3, $3  }
0x88: {  	_ =	sdelay $0x1  }
0x89: {  	s23 =	sadd.s32 $0x600, s23;
	s22 =	sadd.s32 $0xA00, s22  }
0x8a: {  	[tilespmem:s18], [sflag:$0x1] =	stream.indirect.gather [hbm4b:s7+s14], $0x40, s23, s14, $0xb8;
	[tilespmem:$0x1E000] =	vst v63  }
.LBB2_5:
0x8b: {  	_ =	sfence.sel $0x180000  }
0x8c: {  	[bflag:$0x0] =	sbarrier.arrive $0xFFFF  }
0x8d: {  	_ =	strace $0x9000004A  }
0x8e: {  	s0 =	stileid.u32;
	[bflag:$0x2] =	sbarrier.arrive $0xFFFF  }
0x8f: {  	p0 =	sne.s32 s0, $0x0;
	s0 =	rddreg [dreg:$0x3]  }
0x90: {  	s0 =	sadd.s32 @!p0 $0x100000, s0  }
0x91: {  	[sflag:s0] =	ssyncadd.tile.s32 @!p0 $0x1;
	_ =	shalt  }
.Lfunc_end2:
_tile_overlayer_lowered:
.L_overlay_start_2:
0x92: {  	(tag) =	ssettag $0x2  }
0x93: {  	s0 =	rddreg [dreg:$0x0];
	s2 =	stileid.u32  }
0x94: {  	s1 =	rddreg [dreg:$0x1];
	p0 =	sne.s32 s2, $0x0  }
0x95: {  	s3 =	rddreg [dreg:$0x2];
	[bflag:$0x3] =	sbarrier.arrive $0xFFFF;
	s2 =	simm.s32 @!p0 $0x1C03  }
0x96: {  	[timem:s3], [sflag:s2] =	dma.local @!p0 [hbm:s0], s1  }
0x97: {  	s0 =	simm.s32 @!p0 $0x3  }
0x98: {  	_ =	swait.ge @!p0 [sflag:s0], s1  }
0x99: {  	s1 =	ssub.s32 @!p0 $0x0, s1;
	[sflag:s0] =	ssyncset.done @!p0 $0x0  }
0x9a: {  	[sflag:s0] =	ssyncadd.s32 @!p0 s1  }
0x9b: {  	[bflag:$0x3] =	sbarrier.arrive $0xFFFF  }
0x9c: {  	_ =	shalt  }

// kernel: kernel.14.cloned.1.call-start
scs
__scs_entry_jumppad:
0x0: {  	(pc) =	sbr.rel $0x88, $3  }
0x1: {  	(tag) =	ssettag $0x0;
	lr =	simm.s32 $0x1  }
0x2: {  	[smem:$0x3F9B] =	sst lr;
	_ =	strace $0xD0000000  }
0x3: {  	_ = 	snop  }
0x4: {  	_ = 	snop  }
0x5: {  	_ = 	snop  }
0x6: {  	_ = 	snop  }
0x7: {  	_ = 	snop  }
__scs_overlays_trampoline_lowered:
0x8: {  	[smem:$0x3FAA] =	sst s0  }
0x9: {  	[smem:$0x3FAB] =	sst s1  }
0xa: {  	[smem:$0x3FAC] =	sst s2  }
0xb: {  	[smem:$0x3FAD] =	sst s3  }
0xc: {  	[smem:$0x3FAE] =	sst s4  }
0xd: {  	[smem:$0x3FAF] =	sst s5  }
0xe: {  	[smem:$0x3FB0] =	sst s6  }
0xf: {  	[smem:$0x3FB1] =	sst s7  }
0x10: {  	[smem:$0x3FB2] =	sst s8  }
0x11: {  	[smem:$0x3FB3] =	sst s9;
	s0 =	simm.s32 @!p0 $0x0  }
0x12: {  	s1 =	sld [smem:$0x3F99];
	s0 =	simm.s32 @p0 $0x1  }
0x13: {  	[smem:$0x3FB4] =	sst s0;
	s0 =	simm.s32 @!p1 $0x0  }
0x14: {  	s2 =	sld [smem:$0x3F98];
	s0 =	simm.s32 @p1 $0x1  }
0x15: {  	[smem:$0x3FB5] =	sst s0;
	s0 =	simm.s32 @!p2 $0x0  }
0x16: {  	s3 =	sld [smem:$0x3FDB];
	s0 =	simm.s32 @p2 $0x1  }
0x17: {  	s4 =	simm.s32 $0x1BF5;
	[smem:$0x3FB7] =	sst s0  }
0x18: {  	s0 =	sld [smem:$0x3F9A];
	_ =	swait.ge [sflag:s4], $0x0  }
0x19: {  	s7 =	sld [smem:$0x3F9B]  }
0x1a: {  	s8 =	sadd.s32 $0xFFFFE003, lr  }
0x1b: {  	s9 =	sadd.s32 $0xFFFFFEF7, lr;
	s5 =	simm.s32 $0xFFFFFFFF;
	p2 =	slt.u32 s8, $0xFFFFF086  }
0x1c: {  	p1 =	slt.u32 s9, $0xF7A;
	s5 =	simm.s32 @!p2 $0x0  }
0x1d: {  	s5 =	simm.s32 @p1 $0x1;
	p0 =	seq.s32 s7, s2  }
0x1e: {  	s7 =	smul.u32 @!p0 $0xF7A, s2;
	p2 =	seq.s32 @!p0 s5, $0x0  }
0x1f: {  	s9 =	smul.u32 $0xF7A, s1;
	s8 =	simm.s32 @!p0 $0x1BF5;
	p2 =	por !p2, p0  }
0x20: {  	[sflag:s8] =	ssyncset.s32 @!p0 $0xFFFFF086;
	s6 =	sadd.s32 @!p0 s3, s7;
	s7 =	simm.s32 @!p0 $0x108  }
0x21: {  	s3 =	sadd.s32 s3, s9;
	s6 =	sadd.s32 @!p0 $0x88, s6;
	s7 =	simm.s32 @p2 $0x1082  }
0x22: {  	[simem:s7], [sflag:s8] =	dma.local @!p0 [hbm:s6], $0xF7A  }
0x23: {  	s9 =	sor.u32 $0xD0000000, s2;
	s6 =	simm.s32 $0x108;
	_ =	swait.ge @!p0 [sflag:s8], $0x0  }
0x24: {  	s3 =	sadd.s32 $0x88, s3;
	s6 =	simm.s32 @!p1 $0x1082;
	[sflag:s4] =	ssyncset.s32 $0xFFFFF086  }
0x25: {  	[simem:s6], [sflag:s4] =	dma.local [hbm:s3], $0xF7A  }
0x26: {  	[smem:$0x3F9B] =	sst s1;
	(tag) =	ssettag s2;
	_ =	strace s9  }
0x27: {  	s1 =	sld [smem:$0x3FAB]  }
0x28: {  	s2 =	sld [smem:$0x3FAC]  }
0x29: {  	s4 =	sld [smem:$0x3FAE]  }
0x2a: {  	p0 =	seq.s32 s5, $0x0;
	s5 =	sld [smem:$0x3FAF]  }
0x2b: {  	s6 =	sld [smem:$0x3FB0]  }
0x2c: {  	s7 =	sld [smem:$0x3FB1]  }
0x2d: {  	s3 =	simm.s32 $0x108;
	s8 =	sld [smem:$0x3FB2]  }
0x2e: {  	s3 =	simm.s32 @!p0 $0x1082;
	s9 =	sld [smem:$0x3FB3]  }
0x2f: {  	lr =	sadd.s32 s0, s3;
	s0 =	sld [smem:$0x3FAA]  }
0x30: {  	s3 =	sld [smem:$0x3FAD]  }
0x31: {  	[smem:$0x3FB6] =	sst s10  }
0x32: {  	s10 =	sld [smem:$0x3FB4];
	_ =	sdelay $0x3  }
0x33: {  	p0 =	seq.s32 s10, $0x1;
	s10 =	sld [smem:$0x3FB6];
	_ =	sdelay $0x3  }
0x34: {  	[smem:$0x3FB6] =	sst s10  }
0x35: {  	s10 =	sld [smem:$0x3FB5];
	_ =	sdelay $0x3  }
0x36: {  	p1 =	seq.s32 s10, $0x1;
	s10 =	sld [smem:$0x3FB6];
	_ =	sdelay $0x3  }
0x37: {  	[smem:$0x3FB6] =	sst s10  }
0x38: {  	s10 =	sld [smem:$0x3FB7]  }
0x39: {  	_ = 	snop;
	(pc) =	sbr.ind lr, $3  }
0x3a: {  	_ = 	snop  }
0x3b: {  	_ = 	snop  }
0x3c: {  	p2 =	seq.s32 s10, $0x1;
	s10 =	sld [smem:$0x3FB6]  }
0x3d: {  	_ =	shalt  }
0x3e: {  	_ =	shalt  }
0x3f: {  	_ =	shalt  }
0x40: {  	_ =	shalt  }
0x41: {  	_ =	shalt  }
0x42: {  	_ =	shalt  }
0x43: {  	_ =	shalt  }
0x44: {  	_ =	shalt  }
0x45: {  	_ =	shalt  }
0x46: {  	_ =	shalt  }
0x47: {  	_ =	shalt  }
0x48: {  	_ =	shalt  }
0x49: {  	_ =	shalt  }
0x4a: {  	_ =	shalt  }
0x4b: {  	_ =	shalt  }
0x4c: {  	_ =	shalt  }
0x4d: {  	_ =	shalt  }
0x4e: {  	_ =	shalt  }
0x4f: {  	_ =	shalt  }
0x50: {  	_ =	shalt  }
0x51: {  	_ =	shalt  }
0x52: {  	_ =	shalt  }
0x53: {  	_ =	shalt  }
0x54: {  	_ =	shalt  }
0x55: {  	_ =	shalt  }
0x56: {  	_ =	shalt  }
0x57: {  	_ =	shalt  }
0x58: {  	_ =	shalt  }
0x59: {  	_ =	shalt  }
0x5a: {  	_ =	shalt  }
0x5b: {  	_ =	shalt  }
0x5c: {  	_ =	shalt  }
0x5d: {  	_ =	shalt  }
0x5e: {  	_ =	shalt  }
0x5f: {  	_ =	shalt  }
0x60: {  	_ =	shalt  }
0x61: {  	_ =	shalt  }
0x62: {  	_ =	shalt  }
0x63: {  	_ =	shalt  }
0x64: {  	_ =	shalt  }
0x65: {  	_ =	shalt  }
0x66: {  	_ =	shalt  }
0x67: {  	_ =	shalt  }
0x68: {  	_ =	shalt  }
0x69: {  	_ =	shalt  }
0x6a: {  	_ =	shalt  }
0x6b: {  	_ =	shalt  }
0x6c: {  	_ =	shalt  }
0x6d: {  	_ =	shalt  }
0x6e: {  	_ =	shalt  }
0x6f: {  	_ =	shalt  }
0x70: {  	_ =	shalt  }
0x71: {  	_ =	shalt  }
0x72: {  	_ =	shalt  }
0x73: {  	_ =	shalt  }
0x74: {  	_ =	shalt  }
0x75: {  	_ =	shalt  }
0x76: {  	_ =	shalt  }
0x77: {  	_ =	shalt  }
0x78: {  	_ =	shalt  }
0x79: {  	_ =	shalt  }
0x7a: {  	_ =	shalt  }
0x7b: {  	_ =	shalt  }
0x7c: {  	_ =	shalt  }
0x7d: {  	_ =	shalt  }
0x7e: {  	_ =	shalt  }
0x7f: {  	_ =	shalt  }
0x80: {  	_ =	shalt  }
0x81: {  	_ =	shalt  }
0x82: {  	_ =	shalt  }
0x83: {  	_ =	shalt  }
0x84: {  	_ =	shalt  }
0x85: {  	_ =	shalt  }
0x86: {  	_ =	shalt  }
0x87: {  	_ =	shalt  }
.Lfunc_end0:
.L_simem_size_0:
called_computation.2_lowered:
.L_overlay_start_0:
0x88: {  	s2 =	sld [smem:$0x3FD9]  }
0x89: {  	s3 =	sld [smem:$0x3FFE];
	_ =	sdelay $0x1  }
0x8a: {  	s1 =	srdreg.scid  }
0x8b: {  	s0 =	sand.u32 $0x1, s1  }
0x8c: {  	s17 =	sshll.u32 s0, $0xA;
	s2 =	sadd.s32 s3, s2  }
0x8d: {  	s2 =	sadd.s32 s2, s17  }
0x8e: {  	[smem:$0x3FC2] =	sst s2  }
0x8f: {  	_ = 	snop  }
0x90: {  	s2 =	sld [smem:$0x3FD0];
	(tm) =	ssettm $0x1  }
0x91: {  	s18 =	sld [smem:$0x3FFB];
	_ =	sdelay $0x3  }
0x92: {  	_ =	strace s18  }
0x93: {  	s3 =	sld [smem:$0x3FFC];
	_ =	sdelay $0x3  }
0x94: {  	_ =	strace s3  }
0x95: {  	s3 =	sld [smem:$0x3FFD];
	_ =	sdelay $0x3  }
0x96: {  	_ =	strace s3  }
0x97: {  	_ =	strace $0x8FFFFFFF  }
0x98: {  	s19 =	sld [smem:$0x3FDB];
	_ =	sdelay $0x1  }
0x99: {  	s4 =	simm.s32 $_scs_section_size  }
0x9a: {  	s5 =	simm.s32 $_size__tile_overlayer_lowered;
	s6 =	simm.s32 $_tile_overlayer_lowered  }
0x9b: {  	s22 =	simm.s32 $0x1BFF;
	s21 =	sshll.u32 s6, $0x1;
	s3 =	sadd.s32 s4, s19  }
0x9c: {  	s7 =	simm.s32 $0x0;
	s20 =	sshll.u32 s5, $0x1;
	s5 =	sadd.s32 s21, s3  }
0x9d: {  	[timem:s7], [sflag:s22] =	dma.local [hbm:s5], s20  }
0x9e: {  	_ =	swait.ge [sflag:s22], s20  }
0x9f: {  	s4 =	ssub.s32 $0x0, s20;
	[sflag:s22] =	ssyncset.done $0x0  }
0xa0: {  	[sflag:s22] =	ssyncadd.s32 s4;
	_ =	sdelay $0x1  }
0xa1: {  	s23 =	simm.s32 $0x1B8B  }
0xa2: {  	_ =	swait.ge [sflag:s23], $0x1  }
0xa3: {  	[sflag:s23] =	ssyncset.done $0x0  }
0xa4: {  	s25 =	simm.s32 $0x1B8E;
	s24 =	sld [smem:$0x3FFE];
	[sflag:s23] =	ssyncadd.s32 $0xFFFFFFFF  }
0xa5: {  	s26 =	simm.s32 $execute0_lowered;
	[smem:$0x3FD2] =	sst s25  }
0xa6: {  	s5 =	sshll.u32 s26, $0x1;
	_ =	strace $0x8000004C;
	[dreg:$0x1] =	wrdreg $0xFFFFFFFF  }
0xa7: {  	s28 =	simm.s32 $_size_execute0_lowered;
	s3 =	sadd.s32 s3, s5;
	[dreg:$0x0] =	wrdreg $0x0  }
0xa8: {  	s5 =	sshll.u32 s28, $0x1;
	[dreg:$0x2] =	wrdreg s3  }
0xa9: {  	[dreg:$0x3] =	wrdreg s5  }
0xaa: {  	[dreg:$0x4] =	wrdreg $0xC0  }
0xab: {  	_ =	task [dreg:s7], $0x5FFFF  }
0xac: {  	[dreg:$0x1] =	wrdreg $0xFFFFFFFF  }
0xad: {  	[dreg:$0x0] =	wrdreg $0x60  }
0xae: {  	[dreg:$0x2] =	wrdreg s24  }
0xaf: {  	[dreg:$0x3] =	wrdreg s2  }
0xb0: {  	[dreg:$0x4] =	wrdreg $0x140000  }
0xb1: {  	[dreg:$0x5] =	wrdreg $0x9  }
0xb2: {  	_ =	task.clear_ibuf [dreg:s7], $0x6FFFF;
	_ =	strace $0x9000004C  }
0xb3: {  	s29 =	simm.s32 $0x9;
	_ =	strace $0x8000004E  }
0xb4: {  	_ =	swait.ge [sflag:s29], $0x1  }
0xb5: {  	[sflag:s29] =	ssyncadd.s32 $0xFFFFFFFF  }
0xb6: {  	_ =	strace $0x9000004E  }
0xb7: {  	_ =	sfence  }
0xb8: {  	s30 =	sld [smem:$0x0];
	_ =	sdelay $0x2  }
0xb9: {  	s31 =	sshll.u32 s1, $0xD;
	s1 =	sshrl.u32 s1, $0x2  }
0xba: {  	s3 =	sand.u32 $0x4000, s31;
	s1 =	sadd.s32 s1, s30  }
0xbb: {  	s0 =	sor.u32 s3, s0;
	s1 =	sshll.u32 s1, $0x11  }
0xbc: {  	s0 =	sor.u32 s1, s0  }
0xbd: {  	s0 =	sadd.s32 $0x8F2B, s0  }
0xbe: {  	[sflag:s0] =	ssyncadd.remote.s32 $0x1  }
0xbf: {  	_ =	sfence.sel $0xFFFF  }
0xc0: {  	[dreg:$0x0] =	wrdreg $0xFFFFFFFF;
	(pc) =	sbr.abs _section_cstart, $3  }
0xc1: {  	[dreg:$0x1] =	wrdreg $0xFFFFFFFF  }
0xc2: {  	_ =	task.clear_ibuf [dreg:s7], $0x2FFFF;
	_ =	strace $0x9FFFFFFF  }
0xc3: {  	(tm) =	ssettm $0x7FFFFFFF  }
tec
execute0_lowered:
.L_overlay_start_1:
0x0: {  	(tag) =	ssettag $0x1  }
0x1: {  	s0 =	rddreg [dreg:$0x0]  }
0x2: {  	s1 =	rddreg [dreg:$0x1]  }
0x3: {  	s11 =	stileid.u32;
	s3 =	srdreg.scid  }
0x4: {  	s2 =	rddreg [dreg:$0x2];
	s14 =	simm.s32 $0x80;
	s15 =	simm.s32 $0xA000  }
0x5: {  	s16 =	simm.s32 $0xC000;
	s18 =	simm.s32 $0xE000;
	s19 =	simm.s32 $0x1  }
0x6: {  	s21 =	simm.s32 $0x10000;
	s24 =	simm.s32 $0x12000;
	s31 =	simm.s32 $0x5200  }
0x7: {  	s17 =	simm.s32 $0x8;
	s20 =	simm.s32 $0x0;
	s4 =	smul.u32 $0xA00, s11  }
0x8: {  	s5 =	sand.u32 $0x1, s3;
	s3 =	simm.s32 $0x0;
	s7 =	smul.u32 $0x14000, s11  }
0x9: {  	s28 =	smul.u32 $0xA000, s11;
	s30 =	sshll.u32 s11, $0x6;
	s11 =	simm.s32 $0x5000  }
0xa: {  	s6 =	smul.u32 $0x14000, s5;
	[smem:$0x7FF] =	sst s3;
	s25 =	sshll.u32 s5, $0x6  }
0xb: {  	s5 =	ssub.s32 $0x2, s5;
	s12 =	sor.u32 $0x1C03, s30;
	_ =	strace $0x8000004D  }
0xc: {  	s8 =	sadd.s32 s4, s0;
	s4 =	sor.u32 s25, s7;
	s26 =	sshrl.u32 s5, $0x1  }
0xd: {  	s13 =	sadd.s32 s28, s2;
	s29 =	sshrl.u32 s28, $0x3;
	s9 =	sadd.s32 s6, s0  }
.Ltmp0:
0xe: {  	s4 =	sshrl.u32 s4, $0x3;
	s10 =	ssub.s32 s5, s26;
	(pc) =	sbr.rel .LBB2_1-.Ltmp0, $4  }
0xf: {  	s5 =	sadd.s32 $0x2400, s8;
	s6 =	sadd.s32 s1, s29;
	s13 =	sshrl.u32 s13, $0x3  }
0x10: {  	s26 =	simm.s32 $0x2;
	s1 =	simm.s32 $0x380;
	s0 =	sadd.s32 s4, s0  }
0x11: {  	s4 =	sadd.s32 $0x11600, s8;
	s7 =	sadd.s32 $0x6B600, s9;
	s9 =	smax.u32 s10, $0x1  }
0x12: {  	s10 =	simm.s32 $0x3;
	s8 =	sadd.s32 $0x93600, s0;
	s0 =	simm.s32 $0x10  }
.LBB2_4:
0x13: {  	_ =	swait.ge [sflag:s26], $0x2000  }
0x14: {  	[sflag:s26] =	ssyncset.done $0x0  }
0x15: {  	[sflag:s26] =	ssyncadd.s32 $0xFFFFE000  }
0x16: {  	_ =	swait.ge [sflag:s26], $0x2000  }
0x17: {  	s20 =	sadd.s32 $0x1, s20;
	[sflag:s26] =	ssyncset.done $0x0  }
0x18: {  	p0 =	sne.s32 s20, s9;
	[sflag:s26] =	ssyncadd.s32 $0xFFFFE000  }
.Ltmp1:
0x19: {  	[bflag:$0x0] =	sbarrier.arrive $0xFFFF;
	(pc) =	sbr.rel @!p0 .LBB2_5-.Ltmp1, $4  }
0x1a: {  	[hbm:s8@s0], [sflag:s12] =	dma.strided [spmem:s13@s17], $0x1400, s19, $0x8   }
0x1b: {  	_ =	swait.ge [sflag:s10], $0x1400  }
0x1c: {  	[sflag:s10] =	ssyncset.done $0x0  }
0x1d: {  	[sflag:s10] =	ssyncadd.s32 $0xFFFFEC00  }
.LBB2_1:
0x1e: {  	[tilespmem:s3], [sflag:$0x3] =	stream.linear.gather [hbm4b:s4+s3], $0x5000, $0x38;
	[tilespmem:$0x1E000] =	vst v63  }
0x1f: {  	_ =	swait.ge [sflag:s10], $0x5000  }
0x20: {  	[sflag:s10] =	ssyncset.done $0x0  }
0x21: {  	[sflag:s10] =	ssyncadd.s32 $0xFFFFB000  }
0x22: {  	[tilespmem:s11], [sflag:$0x3] =	stream.linear.gather [hbm4b:s5+s3], $0x5000, $0x38;
	[tilespmem:$0x1E000] =	vst v63  }
0x23: {  	_ =	swait.ge [sflag:s10], $0x5000  }
0x24: {  	[sflag:s10] =	ssyncset.done $0x0  }
0x25: {  	[sflag:s10] =	ssyncadd.s32 $0xFFFFB000  }
0x26: {  	[spmem:s13], [sflag:s12] =	dma.local [hbm:s6], $0x1400  }
0x27: {  	_ =	swait.ge [sflag:s10], $0x1400  }
0x28: {  	[sflag:s10] =	ssyncset.done $0x0  }
0x29: {  	[sflag:s10] =	ssyncadd.s32 $0xFFFFEC00  }
0x2a: {  	[bflag:$0x0] =	sbarrier.arrive $0xFFFF  }
0x2b: {  	[tilespmem:s15], [sflag:$0x1] =	stream.indirect.gather [hbm4b:s7+s14], $0x40, s3, s14, $0xb8;
	[tilespmem:$0x1E000] =	vst v63  }
0x2c: {  	_ = 	snop  }
0x2d: {  	[tilespmem:s16], [sflag:$0x1] =	stream.indirect.gather [hbm4b:s7+s14], $0x40, s14, s14, $0xb8;
	[tilespmem:$0x1E000] =	vst v63  }
0x2e: {  	s22 =	simm.s32 $0x100  }
0x2f: {  	[tilespmem:s18], [sflag:$0x1] =	stream.indirect.gather [hbm4b:s7+s14], $0x40, s22, s14, $0xb8;
	[tilespmem:$0x1E000] =	vst v63  }
0x30: {  	_ =	swait.ge [sflag:s19], $0x2000  }
0x31: {  	[sflag:s19] =	ssyncset.done $0x0  }
0x32: {  	[sflag:s19] =	ssyncadd.s32 $0xFFFFE000  }
0x33: {  	[spmem:s2] =	stream.indirect.scatter.add.f32 [tilespmem:s15], [sflag:$0x2], $0x40, s11, s14, $0xb8;
	[tilespmem:$0x1E000] =	vst v63  }
0x34: {  	s29 =	simm.s32 $0x180  }
0x35: {  	[tilespmem:s21], [sflag:$0x1] =	stream.indirect.gather [hbm4b:s7+s14], $0x40, s29, s14, $0xb8;
	[tilespmem:$0x1E000] =	vst v63  }
0x36: {  	_ =	swait.ge [sflag:s19], $0x2000  }
0x37: {  	[sflag:s19] =	ssyncset.done $0x0  }
0x38: {  	s30 =	simm.s32 $0x5080;
	[sflag:s19] =	ssyncadd.s32 $0xFFFFE000  }
0x39: {  	[spmem:s2] =	stream.indirect.scatter.add.f32 [tilespmem:s16], [sflag:$0x2], $0x40, s30, s14, $0xb8;
	[tilespmem:$0x1E000] =	vst v63  }
0x3a: {  	s23 =	simm.s32 $0x200  }
0x3b: {  	[tilespmem:s24], [sflag:$0x1] =	stream.indirect.gather [hbm4b:s7+s14], $0x40, s23, s14, $0xb8;
	[tilespmem:$0x1E000] =	vst v63  }
0x3c: {  	_ =	swait.ge [sflag:s19], $0x2000  }
0x3d: {  	[sflag:s19] =	ssyncset.done $0x0  }
0x3e: {  	s25 =	simm.s32 $0x5100;
	[sflag:s19] =	ssyncadd.s32 $0xFFFFE000  }
0x3f: {  	[spmem:s2] =	stream.indirect.scatter.add.f32 [tilespmem:s18], [sflag:$0x2], $0x40, s25, s14, $0xb8;
	[tilespmem:$0x1E000] =	vst v63  }
0x40: {  	_ =	swait.ge [sflag:s26], $0x2000  }
0x41: {  	[sflag:s26] =	ssyncset.done $0x0  }
0x42: {  	s28 =	simm.s32 $0x280;
	[sflag:s26] =	ssyncadd.s32 $0xFFFFE000  }
0x43: {  	[tilespmem:s15], [sflag:$0x1] =	stream.indirect.gather [hbm4b:s7+s14], $0x40, s28, s14, $0xb8;
	[tilespmem:$0x1E000] =	vst v63  }
0x44: {  	_ =	swait.ge [sflag:s19], $0x2000  }
0x45: {  	[sflag:s19] =	ssyncset.done $0x0  }
0x46: {  	s29 =	simm.s32 $0x5180;
	[sflag:s19] =	ssyncadd.s32 $0xFFFFE000  }
0x47: {  	[spmem:s2] =	stream.indirect.scatter.add.f32 [tilespmem:s21], [sflag:$0x2], $0x40, s29, s14, $0xb8;
	[tilespmem:$0x1E000] =	vst v63  }
0x48: {  	_ =	swait.ge [sflag:s26], $0x2000  }
0x49: {  	[sflag:s26] =	ssyncset.done $0x0  }
0x4a: {  	s30 =	simm.s32 $0x300;
	[sflag:s26] =	ssyncadd.s32 $0xFFFFE000  }
0x4b: {  	[tilespmem:s16], [sflag:$0x1] =	stream.indirect.gather [hbm4b:s7+s14], $0x40, s30, s14, $0xb8;
	[tilespmem:$0x1E000] =	vst v63  }
0x4c: {  	_ =	swait.ge [sflag:s19], $0x2000  }
0x4d: {  	[sflag:s19] =	ssyncset.done $0x0  }
0x4e: {  	[sflag:s19] =	ssyncadd.s32 $0xFFFFE000  }
0x4f: {  	[spmem:s2] =	stream.indirect.scatter.add.f32 [tilespmem:s24], [sflag:$0x2], $0x40, s31, s14, $0xb8;
	[tilespmem:$0x1E000] =	vst v63  }
0x50: {  	_ =	swait.ge [sflag:s26], $0x2000  }
0x51: {  	[sflag:s26] =	ssyncset.done $0x0  }
0x52: {  	s22 =	simm.s32 $0x0;
	[sflag:s26] =	ssyncadd.s32 $0xFFFFE000  }
0x53: {  	[tilespmem:s18], [sflag:$0x1] =	stream.indirect.gather [hbm4b:s7+s14], $0x40, s1, s14, $0xb8;
	[tilespmem:$0x1E000] =	vst v63  }
.LBB2_2:
0x54: {  	_ =	swait.ge [sflag:s19], $0x2000  }
0x55: {  	s23 =	sshra.s32 s22, $0x2;
	[sflag:s19] =	ssyncset.done $0x0  }
0x56: {  	s25 =	sadd.s32 $0x5280, s23;
	[sflag:s19] =	ssyncadd.s32 $0xFFFFE000  }
0x57: {  	[spmem:s2] =	stream.indirect.scatter.add.f32 [tilespmem:s15], [sflag:$0x2], $0x40, s25, s14, $0xb8;
	[tilespmem:$0x1E000] =	vst v63  }
0x58: {  	_ =	swait.ge [sflag:s26], $0x2000  }
0x59: {  	[sflag:s26] =	ssyncset.done $0x0  }
0x5a: {  	s29 =	sadd.s32 $0x400, s23;
	[sflag:s26] =	ssyncadd.s32 $0xFFFFE000  }
0x5b: {  	[tilespmem:s21], [sflag:$0x1] =	stream.indirect.gather [hbm4b:s7+s14], $0x40, s29, s14, $0xb8;
	[tilespmem:$0x1E000] =	vst v63  }
0x5c: {  	_ =	swait.ge [sflag:s19], $0x2000  }
0x5d: {  	[sflag:s19] =	ssyncset.done $0x0  }
0x5e: {  	s30 =	sadd.s32 $0x5300, s23;
	[sflag:s19] =	ssyncadd.s32 $0xFFFFE000  }
0x5f: {  	[spmem:s2] =	stream.indirect.scatter.add.f32 [tilespmem:s16], [sflag:$0x2], $0x40, s30, s14, $0xb8;
	[tilespmem:$0x1E000] =	vst v63  }
0x60: {  	_ =	swait.ge [sflag:s26], $0x2000  }
0x61: {  	[sflag:s26] =	ssyncset.done $0x0  }
0x62: {  	s28 =	sadd.s32 $0x480, s23;
	[sflag:s26] =	ssyncadd.s32 $0xFFFFE000  }
0x63: {  	[tilespmem:s24], [sflag:$0x1] =	stream.indirect.gather [hbm4b:s7+s14], $0x40, s28, s14, $0xb8;
	[tilespmem:$0x1E000] =	vst v63  }
0x64: {  	_ =	swait.ge [sflag:s19], $0x2000  }
0x65: {  	[sflag:s19] =	ssyncset.done $0x0  }
0x66: {  	s29 =	sadd.s32 $0x5380, s23;
	[sflag:s19] =	ssyncadd.s32 $0xFFFFE000  }
0x67: {  	[spmem:s2] =	stream.indirect.scatter.add.f32 [tilespmem:s18], [sflag:$0x2], $0x40, s29, s14, $0xb8;
	[tilespmem:$0x1E000] =	vst v63  }
0x68: {  	_ =	swait.ge [sflag:s26], $0x2000  }
0x69: {  	p0 =	seq.s32 s22, $0x12C00;
	[sflag:s26] =	ssyncset.done $0x0  }
0x6a: {  	s25 =	simm.s32 @p0 $0x1;
	[sflag:s26] =	ssyncadd.s32 $0xFFFFE000  }
0x6b: {  	_ =	swait.ge @p0 [sflag:s25], $0x2000  }
0x6c: {  	[sflag:s25] =	ssyncset.done @p0 $0x0  }
0x6d: {  	[sflag:s25] =	ssyncadd.s32 @p0 $0xFFFFE000;
	s25 =	sshra.s32 @p0 s22, $0x2  }
0x6e: {  	s28 =	simm.s32 @p0 $0x80;
	s29 =	simm.s32 @p0 $0x10000;
	s25 =	sadd.s32 @p0 $0x5400, s25  }
0x6f: {  	[spmem:s2] =	stream.indirect.scatter.add.f32 @p0 [tilespmem:s29], [sflag:$0x2], $0x40, s25, s28, $0xb8;
	[tilespmem:$0x1E000] =	vst v63  }
0x70: {  	s25 =	simm.s32 @p0 $0x2  }
0x71: {  	_ =	swait.ge @p0 [sflag:s25], $0x2000  }
0x72: {  	[sflag:s25] =	ssyncset.done @p0 $0x0  }
0x73: {  	[sflag:s25] =	ssyncadd.s32 @p0 $0xFFFFE000;
	s25 =	sshra.s32 @!p0 s22, $0x2  }
0x74: {  	s30 =	simm.s32 @!p0 $0xA000;
	s29 =	simm.s32 @!p0 $0x80;
	s28 =	sadd.s32 @!p0 $0x500, s25  }
0x75: {  	[tilespmem:s30], [sflag:$0x1] =	stream.indirect.gather @!p0 [hbm4b:s7+s29], $0x40, s28, s29, $0xb8;
	[tilespmem:$0x1E000] =	vst v63  }
0x76: {  	s28 =	simm.s32 @!p0 $0x1  }
0x77: {  	_ =	swait.ge @!p0 [sflag:s28], $0x2000  }
0x78: {  	[sflag:s28] =	ssyncset.done @!p0 $0x0  }
0x79: {  	s30 =	simm.s32 @!p0 $0x10000;
	[sflag:s28] =	ssyncadd.s32 @!p0 $0xFFFFE000;
	s28 =	sadd.s32 @!p0 $0x5400, s25  }
0x7a: {  	[spmem:s2] =	stream.indirect.scatter.add.f32 @!p0 [tilespmem:s30], [sflag:$0x2], $0x40, s28, s29, $0xb8;
	[tilespmem:$0x1E000] =	vst v63  }
0x7b: {  	s28 =	simm.s32 @!p0 $0x2  }
0x7c: {  	_ =	swait.ge @!p0 [sflag:s28], $0x2000  }
0x7d: {  	[sflag:s28] =	ssyncset.done @!p0 $0x0  }
0x7e: {  	s25 =	sadd.s32 @!p0 $0x580, s25;
	[sflag:s28] =	ssyncadd.s32 @!p0 $0xFFFFE000;
	s28 =	simm.s32 @!p0 $0xC000  }
0x7f: {  	[tilespmem:s28], [sflag:$0x1] =	stream.indirect.gather @!p0 [hbm4b:s7+s29], $0x40, s25, s29, $0xb8;
	[tilespmem:$0x1E000] =	vst v63  }
0x80: {  	_ =	swait.ge [sflag:s19], $0x2000  }
0x81: {  	[sflag:s19] =	ssyncset.done $0x0  }
.Ltmp2:
0x82: {  	s30 =	sadd.s32 $0x5480, s23;
	[sflag:s19] =	ssyncadd.s32 $0xFFFFE000;
	(pc) =	sbr.rel @p0 .LBB2_4-.Ltmp2, $4  }
0x83: {  	[spmem:s2] =	stream.indirect.scatter.add.f32 [tilespmem:s24], [sflag:$0x2], $0x40, s30, s14, $0xb8;
	[tilespmem:$0x1E000] =	vst v63  }
0x84: {  	_ =	swait.ge [sflag:s26], $0x2000  }
0x85: {  	[sflag:s26] =	ssyncset.done $0x0  }
0x86: {  	[sflag:s26] =	ssyncadd.s32 $0xFFFFE000  }
.Ltmp3:
0x87: {  	(pc) =	sbr.rel .LBB2_2-.Ltmp3, $3  }
0x88: {  	_ =	sdelay $0x1  }
0x89: {  	s23 =	sadd.s32 $0x600, s23;
	s22 =	sadd.s32 $0xA00, s22  }
0x8a: {  	[tilespmem:s18], [sflag:$0x1] =	stream.indirect.gather [hbm4b:s7+s14], $0x40, s23, s14, $0xb8;
	[tilespmem:$0x1E000] =	vst v63  }
.LBB2_5:
0x8b: {  	_ =	sfence.sel $0x180000  }
0x8c: {  	[bflag:$0x0] =	sbarrier.arrive $0xFFFF  }
0x8d: {  	_ =	strace $0x9000004D  }
0x8e: {  	s0 =	stileid.u32;
	[bflag:$0x2] =	sbarrier.arrive $0xFFFF  }
0x8f: {  	p0 =	sne.s32 s0, $0x0;
	s0 =	rddreg [dreg:$0x3]  }
0x90: {  	s0 =	sadd.s32 @!p0 $0x100000, s0  }
0x91: {  	[sflag:s0] =	ssyncadd.tile.s32 @!p0 $0x1;
	_ =	shalt  }
.Lfunc_end2:
_tile_overlayer_lowered:
.L_overlay_start_2:
0x92: {  	(tag) =	ssettag $0x2  }
0x93: {  	s0 =	rddreg [dreg:$0x0];
	s2 =	stileid.u32  }
0x94: {  	s1 =	rddreg [dreg:$0x1];
	p0 =	sne.s32 s2, $0x0  }
0x95: {  	s3 =	rddreg [dreg:$0x2];
	[bflag:$0x3] =	sbarrier.arrive $0xFFFF;
	s2 =	simm.s32 @!p0 $0x1C03  }
0x96: {  	[timem:s3], [sflag:s2] =	dma.local @!p0 [hbm:s0], s1  }
0x97: {  	s0 =	simm.s32 @!p0 $0x3  }
0x98: {  	_ =	swait.ge @!p0 [sflag:s0], s1  }
0x99: {  	s1 =	ssub.s32 @!p0 $0x0, s1;
	[sflag:s0] =	ssyncset.done @!p0 $0x0  }
0x9a: {  	[sflag:s0] =	ssyncadd.s32 @!p0 s1  }
0x9b: {  	[bflag:$0x3] =	sbarrier.arrive $0xFFFF  }
0x9c: {  	_ =	shalt  }

// kernel: kernel.8.cloned.1.call-start
scs
__scs_entry_jumppad:
0x0: {  	(pc) =	sbr.rel $0x88, $3  }
0x1: {  	(tag) =	ssettag $0x0;
	lr =	simm.s32 $0x1  }
0x2: {  	[smem:$0x3F9B] =	sst lr;
	_ =	strace $0xD0000000  }
0x3: {  	_ = 	snop  }
0x4: {  	_ = 	snop  }
0x5: {  	_ = 	snop  }
0x6: {  	_ = 	snop  }
0x7: {  	_ = 	snop  }
__scs_overlays_trampoline_lowered:
0x8: {  	[smem:$0x3FAA] =	sst s0  }
0x9: {  	[smem:$0x3FAB] =	sst s1  }
0xa: {  	[smem:$0x3FAC] =	sst s2  }
0xb: {  	[smem:$0x3FAD] =	sst s3  }
0xc: {  	[smem:$0x3FAE] =	sst s4  }
0xd: {  	[smem:$0x3FAF] =	sst s5  }
0xe: {  	[smem:$0x3FB0] =	sst s6  }
0xf: {  	[smem:$0x3FB1] =	sst s7  }
0x10: {  	[smem:$0x3FB2] =	sst s8  }
0x11: {  	[smem:$0x3FB3] =	sst s9;
	s0 =	simm.s32 @!p0 $0x0  }
0x12: {  	s1 =	sld [smem:$0x3F99];
	s0 =	simm.s32 @p0 $0x1  }
0x13: {  	[smem:$0x3FB4] =	sst s0;
	s0 =	simm.s32 @!p1 $0x0  }
0x14: {  	s2 =	sld [smem:$0x3F98];
	s0 =	simm.s32 @p1 $0x1  }
0x15: {  	[smem:$0x3FB5] =	sst s0;
	s0 =	simm.s32 @!p2 $0x0  }
0x16: {  	s3 =	sld [smem:$0x3FDB];
	s0 =	simm.s32 @p2 $0x1  }
0x17: {  	s4 =	simm.s32 $0x1BF5;
	[smem:$0x3FB7] =	sst s0  }
0x18: {  	s0 =	sld [smem:$0x3F9A];
	_ =	swait.ge [sflag:s4], $0x0  }
0x19: {  	s7 =	sld [smem:$0x3F9B]  }
0x1a: {  	s8 =	sadd.s32 $0xFFFFE003, lr  }
0x1b: {  	s9 =	sadd.s32 $0xFFFFFEF7, lr;
	s5 =	simm.s32 $0xFFFFFFFF;
	p2 =	slt.u32 s8, $0xFFFFF086  }
0x1c: {  	p1 =	slt.u32 s9, $0xF7A;
	s5 =	simm.s32 @!p2 $0x0  }
0x1d: {  	s5 =	simm.s32 @p1 $0x1;
	p0 =	seq.s32 s7, s2  }
0x1e: {  	s7 =	smul.u32 @!p0 $0xF7A, s2;
	p2 =	seq.s32 @!p0 s5, $0x0  }
0x1f: {  	s9 =	smul.u32 $0xF7A, s1;
	s8 =	simm.s32 @!p0 $0x1BF5;
	p2 =	por !p2, p0  }
0x20: {  	[sflag:s8] =	ssyncset.s32 @!p0 $0xFFFFF086;
	s6 =	sadd.s32 @!p0 s3, s7;
	s7 =	simm.s32 @!p0 $0x108  }
0x21: {  	s3 =	sadd.s32 s3, s9;
	s6 =	sadd.s32 @!p0 $0x88, s6;
	s7 =	simm.s32 @p2 $0x1082  }
0x22: {  	[simem:s7], [sflag:s8] =	dma.local @!p0 [hbm:s6], $0xF7A  }
0x23: {  	s9 =	sor.u32 $0xD0000000, s2;
	s6 =	simm.s32 $0x108;
	_ =	swait.ge @!p0 [sflag:s8], $0x0  }
0x24: {  	s3 =	sadd.s32 $0x88, s3;
	s6 =	simm.s32 @!p1 $0x1082;
	[sflag:s4] =	ssyncset.s32 $0xFFFFF086  }
0x25: {  	[simem:s6], [sflag:s4] =	dma.local [hbm:s3], $0xF7A  }
0x26: {  	[smem:$0x3F9B] =	sst s1;
	(tag) =	ssettag s2;
	_ =	strace s9  }
0x27: {  	s1 =	sld [smem:$0x3FAB]  }
0x28: {  	s2 =	sld [smem:$0x3FAC]  }
0x29: {  	s4 =	sld [smem:$0x3FAE]  }
0x2a: {  	p0 =	seq.s32 s5, $0x0;
	s5 =	sld [smem:$0x3FAF]  }
0x2b: {  	s6 =	sld [smem:$0x3FB0]  }
0x2c: {  	s7 =	sld [smem:$0x3FB1]  }
0x2d: {  	s3 =	simm.s32 $0x108;
	s8 =	sld [smem:$0x3FB2]  }
0x2e: {  	s3 =	simm.s32 @!p0 $0x1082;
	s9 =	sld [smem:$0x3FB3]  }
0x2f: {  	lr =	sadd.s32 s0, s3;
	s0 =	sld [smem:$0x3FAA]  }
0x30: {  	s3 =	sld [smem:$0x3FAD]  }
0x31: {  	[smem:$0x3FB6] =	sst s10  }
0x32: {  	s10 =	sld [smem:$0x3FB4];
	_ =	sdelay $0x3  }
0x33: {  	p0 =	seq.s32 s10, $0x1;
	s10 =	sld [smem:$0x3FB6];
	_ =	sdelay $0x3  }
0x34: {  	[smem:$0x3FB6] =	sst s10  }
0x35: {  	s10 =	sld [smem:$0x3FB5];
	_ =	sdelay $0x3  }
0x36: {  	p1 =	seq.s32 s10, $0x1;
	s10 =	sld [smem:$0x3FB6];
	_ =	sdelay $0x3  }
0x37: {  	[smem:$0x3FB6] =	sst s10  }
0x38: {  	s10 =	sld [smem:$0x3FB7]  }
0x39: {  	_ = 	snop;
	(pc) =	sbr.ind lr, $3  }
0x3a: {  	_ = 	snop  }
0x3b: {  	_ = 	snop  }
0x3c: {  	p2 =	seq.s32 s10, $0x1;
	s10 =	sld [smem:$0x3FB6]  }
0x3d: {  	_ =	shalt  }
0x3e: {  	_ =	shalt  }
0x3f: {  	_ =	shalt  }
0x40: {  	_ =	shalt  }
0x41: {  	_ =	shalt  }
0x42: {  	_ =	shalt  }
0x43: {  	_ =	shalt  }
0x44: {  	_ =	shalt  }
0x45: {  	_ =	shalt  }
0x46: {  	_ =	shalt  }
0x47: {  	_ =	shalt  }
0x48: {  	_ =	shalt  }
0x49: {  	_ =	shalt  }
0x4a: {  	_ =	shalt  }
0x4b: {  	_ =	shalt  }
0x4c: {  	_ =	shalt  }
0x4d: {  	_ =	shalt  }
0x4e: {  	_ =	shalt  }
0x4f: {  	_ =	shalt  }
0x50: {  	_ =	shalt  }
0x51: {  	_ =	shalt  }
0x52: {  	_ =	shalt  }
0x53: {  	_ =	shalt  }
0x54: {  	_ =	shalt  }
0x55: {  	_ =	shalt  }
0x56: {  	_ =	shalt  }
0x57: {  	_ =	shalt  }
0x58: {  	_ =	shalt  }
0x59: {  	_ =	shalt  }
0x5a: {  	_ =	shalt  }
0x5b: {  	_ =	shalt  }
0x5c: {  	_ =	shalt  }
0x5d: {  	_ =	shalt  }
0x5e: {  	_ =	shalt  }
0x5f: {  	_ =	shalt  }
0x60: {  	_ =	shalt  }
0x61: {  	_ =	shalt  }
0x62: {  	_ =	shalt  }
0x63: {  	_ =	shalt  }
0x64: {  	_ =	shalt  }
0x65: {  	_ =	shalt  }
0x66: {  	_ =	shalt  }
0x67: {  	_ =	shalt  }
0x68: {  	_ =	shalt  }
0x69: {  	_ =	shalt  }
0x6a: {  	_ =	shalt  }
0x6b: {  	_ =	shalt  }
0x6c: {  	_ =	shalt  }
0x6d: {  	_ =	shalt  }
0x6e: {  	_ =	shalt  }
0x6f: {  	_ =	shalt  }
0x70: {  	_ =	shalt  }
0x71: {  	_ =	shalt  }
0x72: {  	_ =	shalt  }
0x73: {  	_ =	shalt  }
0x74: {  	_ =	shalt  }
0x75: {  	_ =	shalt  }
0x76: {  	_ =	shalt  }
0x77: {  	_ =	shalt  }
0x78: {  	_ =	shalt  }
0x79: {  	_ =	shalt  }
0x7a: {  	_ =	shalt  }
0x7b: {  	_ =	shalt  }
0x7c: {  	_ =	shalt  }
0x7d: {  	_ =	shalt  }
0x7e: {  	_ =	shalt  }
0x7f: {  	_ =	shalt  }
0x80: {  	_ =	shalt  }
0x81: {  	_ =	shalt  }
0x82: {  	_ =	shalt  }
0x83: {  	_ =	shalt  }
0x84: {  	_ =	shalt  }
0x85: {  	_ =	shalt  }
0x86: {  	_ =	shalt  }
0x87: {  	_ =	shalt  }
.Lfunc_end0:
.L_simem_size_0:
called_computation_lowered:
.L_overlay_start_0:
0x88: {  	s2 =	sld [smem:$0x3FD9]  }
0x89: {  	s3 =	sld [smem:$0x3FFE];
	_ =	sdelay $0x1  }
0x8a: {  	s1 =	srdreg.scid  }
0x8b: {  	s0 =	sand.u32 $0x1, s1  }
0x8c: {  	s17 =	sshll.u32 s0, $0xA;
	s2 =	sadd.s32 s3, s2  }
0x8d: {  	s2 =	sadd.s32 s2, s17  }
0x8e: {  	[smem:$0x3FC2] =	sst s2  }
0x8f: {  	_ = 	snop  }
0x90: {  	s2 =	sld [smem:$0x3FD0];
	(tm) =	ssettm $0x1  }
0x91: {  	s18 =	sld [smem:$0x3FFB];
	_ =	sdelay $0x3  }
0x92: {  	_ =	strace s18  }
0x93: {  	s3 =	sld [smem:$0x3FFC];
	_ =	sdelay $0x3  }
0x94: {  	_ =	strace s3  }
0x95: {  	s3 =	sld [smem:$0x3FFD];
	_ =	sdelay $0x3  }
0x96: {  	_ =	strace s3  }
0x97: {  	_ =	strace $0x8FFFFFFF  }
0x98: {  	s19 =	sld [smem:$0x3FDB];
	_ =	sdelay $0x1  }
0x99: {  	s4 =	simm.s32 $_scs_section_size  }
0x9a: {  	s5 =	simm.s32 $_size__tile_overlayer_lowered;
	s6 =	simm.s32 $_tile_overlayer_lowered  }
0x9b: {  	s22 =	simm.s32 $0x1BFF;
	s21 =	sshll.u32 s6, $0x1;
	s3 =	sadd.s32 s4, s19  }
0x9c: {  	s7 =	simm.s32 $0x0;
	s20 =	sshll.u32 s5, $0x1;
	s5 =	sadd.s32 s21, s3  }
0x9d: {  	[timem:s7], [sflag:s22] =	dma.local [hbm:s5], s20  }
0x9e: {  	_ =	swait.ge [sflag:s22], s20  }
0x9f: {  	s4 =	ssub.s32 $0x0, s20;
	[sflag:s22] =	ssyncset.done $0x0  }
0xa0: {  	[sflag:s22] =	ssyncadd.s32 s4;
	_ =	sdelay $0x1  }
0xa1: {  	s23 =	simm.s32 $0x1B8B  }
0xa2: {  	_ =	swait.ge [sflag:s23], $0x1  }
0xa3: {  	[sflag:s23] =	ssyncset.done $0x0  }
0xa4: {  	s25 =	simm.s32 $0x1B8E;
	s24 =	sld [smem:$0x3FFE];
	[sflag:s23] =	ssyncadd.s32 $0xFFFFFFFF  }
0xa5: {  	s26 =	simm.s32 $execute0_lowered;
	[smem:$0x3FD2] =	sst s25  }
0xa6: {  	s5 =	sshll.u32 s26, $0x1;
	_ =	strace $0x80000046;
	[dreg:$0x1] =	wrdreg $0xFFFFFFFF  }
0xa7: {  	s28 =	simm.s32 $_size_execute0_lowered;
	s3 =	sadd.s32 s3, s5;
	[dreg:$0x0] =	wrdreg $0x0  }
0xa8: {  	s5 =	sshll.u32 s28, $0x1;
	[dreg:$0x2] =	wrdreg s3  }
0xa9: {  	[dreg:$0x3] =	wrdreg s5  }
0xaa: {  	[dreg:$0x4] =	wrdreg $0xC0  }
0xab: {  	_ =	task [dreg:s7], $0x5FFFF  }
0xac: {  	[dreg:$0x1] =	wrdreg $0xFFFFFFFF  }
0xad: {  	[dreg:$0x0] =	wrdreg $0x60  }
0xae: {  	[dreg:$0x2] =	wrdreg s24  }
0xaf: {  	[dreg:$0x3] =	wrdreg s2  }
0xb0: {  	[dreg:$0x4] =	wrdreg $0x30000  }
0xb1: {  	[dreg:$0x5] =	wrdreg $0x9  }
0xb2: {  	_ =	task.clear_ibuf [dreg:s7], $0x6FFFF;
	_ =	strace $0x90000046  }
0xb3: {  	s29 =	simm.s32 $0x9;
	_ =	strace $0x80000048  }
0xb4: {  	_ =	swait.ge [sflag:s29], $0x1  }
0xb5: {  	[sflag:s29] =	ssyncadd.s32 $0xFFFFFFFF  }
0xb6: {  	_ =	strace $0x90000048  }
0xb7: {  	_ =	sfence  }
0xb8: {  	s30 =	sld [smem:$0x0];
	_ =	sdelay $0x2  }
0xb9: {  	s31 =	sshll.u32 s1, $0xD;
	s1 =	sshrl.u32 s1, $0x2  }
0xba: {  	s3 =	sand.u32 $0x4000, s31;
	s1 =	sadd.s32 s1, s30  }
0xbb: {  	s0 =	sor.u32 s3, s0;
	s1 =	sshll.u32 s1, $0x11  }
0xbc: {  	s0 =	sor.u32 s1, s0  }
0xbd: {  	s0 =	sadd.s32 $0x8F2B, s0  }
0xbe: {  	[sflag:s0] =	ssyncadd.remote.s32 $0x1  }
0xbf: {  	_ =	sfence.sel $0xFFFF  }
0xc0: {  	[dreg:$0x0] =	wrdreg $0xFFFFFFFF;
	(pc) =	sbr.abs _section_cstart, $3  }
0xc1: {  	[dreg:$0x1] =	wrdreg $0xFFFFFFFF  }
0xc2: {  	_ =	task.clear_ibuf [dreg:s7], $0x2FFFF;
	_ =	strace $0x9FFFFFFF  }
0xc3: {  	(tm) =	ssettm $0x7FFFFFFF  }
tec
execute0_lowered:
.L_overlay_start_1:
0x0: {  	(tag) =	ssettag $0x1  }
0x1: {  	s1 =	srdreg.scid;
	s5 =	rddreg [dreg:$0x0]  }
0x2: {  	s0 =	stileid.u32;
	s7 =	rddreg [dreg:$0x1]  }
0x3: {  	s2 =	rddreg [dreg:$0x2];
	s3 =	simm.s32 $0x0;
	s13 =	simm.s32 $0x80  }
0x4: {  	s4 =	sand.u32 $0x1, s1;
	s6 =	smul.u32 $0x5000, s0;
	s1 =	rddreg [dreg:$0x3]  }
0x5: {  	s14 =	simm.s32 $0x0;
	[smem:$0x7FF] =	sst s3;
	s28 =	smul.u32 $0x2800, s0  }
0x6: {  	s31 =	sshll.u32 s0, $0x6;
	s8 =	smul.u32 $0x2800, s4;
	_ =	strace $0x80000047  }
0x7: {  	s10 =	ssub.s32 $0x2, s4;
	s11 =	smul.u32 $0x28000, s4;
	s4 =	sadd.s32 $0xC400, s5  }
0x8: {  	s9 =	sshrl.u32 s28, $0x3;
	s29 =	sshrl.u32 s10, $0x1;
	s12 =	sadd.s32 s28, s2  }
0x9: {  	s6 =	sadd.s32 s8, s6;
	s9 =	sadd.s32 s9, s5;
	s10 =	ssub.s32 s10, s29  }
0xa: {  	s11 =	sadd.s32 s28, s11;
	s12 =	sshrl.u32 s12, $0x3;
	s6 =	sshrl.u32 s6, $0x3  }
0xb: {  	s30 =	sshrl.u32 s11, $0x3;
	s8 =	smax.u32 s10, $0x1;
	s10 =	simm.s32 $0x2800  }
0xc: {  	s11 =	sor.u32 $0x1C01, s31;
	s6 =	sadd.s32 s6, s5;
	s7 =	sadd.s32 s7, s30  }
0xd: {  	s5 =	sadd.s32 $0x2400, s6;
	s6 =	sadd.s32 $0xC600, s9;
	s9 =	simm.s32 $0x1  }
.LBB2_1:
0xe: {  	[tilespmem:s3], [sflag:$0x1] =	stream.linear.gather [hbm4b:s5+s3], $0x2800, $0x38;
	[tilespmem:$0x5800] =	vst v63  }
0xf: {  	_ =	swait.ge [sflag:s9], $0x2800  }
0x10: {  	[sflag:s9] =	ssyncset.done $0x0  }
0x11: {  	[sflag:s9] =	ssyncadd.s32 $0xFFFFD800  }
0x12: {  	[tilespmem:s10], [sflag:$0x1] =	stream.linear.gather [hbm4b:s4+s3], $0x800, $0x38;
	[tilespmem:$0x5800] =	vst v63  }
0x13: {  	_ =	swait.ge [sflag:s9], $0x800  }
0x14: {  	[sflag:s9] =	ssyncset.done $0x0  }
0x15: {  	[sflag:s9] =	ssyncadd.s32 $0xFFFFF800  }
0x16: {  	[spmem:s12], [sflag:s11] =	dma.local [hbm:s6], $0x500  }
0x17: {  	_ =	swait.ge [sflag:s9], $0x500  }
0x18: {  	[sflag:s9] =	ssyncset.done $0x0  }
0x19: {  	[sflag:s9] =	ssyncadd.s32 $0xFFFFFB00  }
0x1a: {  	s15 =	simm.s32 $0x0;
	[bflag:$0x0] =	sbarrier.arrive $0xFFFF  }
0x1b: {  	[spmem:s2] =	stream.indirect.scatter.add.f32 [tilespmem:s10], [sflag:$0x1], $0x10, s15, s13, $0xb8;
	[tilespmem:$0x5800] =	vst v63  }
0x1c: {  	_ =	swait.ge [sflag:s9], $0x800  }
0x1d: {  	s15 =	simm.s32 $0x200;
	[sflag:s9] =	ssyncset.done $0x0  }
.LBB2_2:
0x1e: {  	s16 =	sshra.s32 s15, $0x2;
	[sflag:s9] =	ssyncadd.s32 $0xFFFFF800;
	p0 =	sne.s32 s15, $0x9E00  }
0x1f: {  	[spmem:s2] =	stream.indirect.scatter.add.f32 [tilespmem:s10], [sflag:$0x1], $0x10, s16, s13, $0xb8;
	[tilespmem:$0x5800] =	vst v63  }
.Ltmp0:
0x20: {  	_ = 	snop;
	(pc) =	sbr.rel @p0 .LBB2_2-.Ltmp0, $4  }
0x21: {  	_ = 	snop  }
0x22: {  	s15 =	sadd.s32 $0x200, s15  }
0x23: {  	_ =	swait.ge [sflag:s9], $0x800  }
0x24: {  	[sflag:s9] =	ssyncset.done $0x0  }
0x25: {  	s14 =	sadd.s32 $0x1, s14  }
0x26: {  	[sflag:s9] =	ssyncadd.s32 $0xFFFFF800;
	p0 =	sne.s32 s14, s8  }
.Ltmp1:
0x27: {  	[bflag:$0x0] =	sbarrier.arrive $0xFFFF;
	(pc) =	sbr.rel @p0 .LBB2_1-.Ltmp1, $4  }
0x28: {  	[hbm:s7], [sflag:s11] =	dma.local [spmem:s12], $0x500  }
0x29: {  	_ =	swait.ge [sflag:s9], $0x500  }
0x2a: {  	[sflag:s9] =	ssyncset.done $0x0  }
0x2b: {  	[sflag:s9] =	ssyncadd.s32 $0xFFFFFB00  }
0x2c: {  	_ =	sfence.sel $0x180000  }
0x2d: {  	[bflag:$0x0] =	sbarrier.arrive $0xFFFF  }
0x2e: {  	p0 =	sne.s32 s0, $0x0;
	_ =	strace $0x90000047  }
0x2f: {  	s0 =	sadd.s32 @!p0 $0x100000, s1;
	[bflag:$0x2] =	sbarrier.arrive $0xFFFF  }
0x30: {  	[sflag:s0] =	ssyncadd.tile.s32 @!p0 $0x1;
	_ =	shalt  }
.Lfunc_end2:
_tile_overlayer_lowered:
.L_overlay_start_2:
0x31: {  	(tag) =	ssettag $0x2  }
0x32: {  	s0 =	rddreg [dreg:$0x0];
	s2 =	stileid.u32  }
0x33: {  	s1 =	rddreg [dreg:$0x1];
	p0 =	sne.s32 s2, $0x0  }
0x34: {  	s3 =	rddreg [dreg:$0x2];
	[bflag:$0x3] =	sbarrier.arrive $0xFFFF;
	s2 =	simm.s32 @!p0 $0x1C01  }
0x35: {  	[timem:s3], [sflag:s2] =	dma.local @!p0 [hbm:s0], s1  }
0x36: {  	s0 =	simm.s32 @!p0 $0x1  }
0x37: {  	_ =	swait.ge @!p0 [sflag:s0], s1  }
0x38: {  	s1 =	ssub.s32 @!p0 $0x0, s1;
	[sflag:s0] =	ssyncset.done @!p0 $0x0  }
0x39: {  	[sflag:s0] =	ssyncadd.s32 @!p0 s1  }
0x3a: {  	[bflag:$0x3] =	sbarrier.arrive $0xFFFF  }
0x3b: {  	_ =	shalt  }

</sc_bundles>
